<compile_context>
chip_gen: v7x
topology: tpu7x:2x2x1
jax: 0.10.2.dev20260603
libtpu: 0.0.44.dev20260713+nightly
codegen_flags: <defaults>
</compile_context>

<pallas_src>
import functools

import jax
import jax.numpy as jnp
from jax import lax
from jax.experimental import pallas as pl
from jax.experimental.pallas import tpu as pltpu
from jax.experimental.pallas import tpu_sc as plsc

_NC = 2
_NS = 16
_NW = _NC * _NS
_CH = 125


def _htab_call(x, W, b_type, *, n_blk):
    n, d = x.shape
    t = b_type.shape[0]

    def body(x_ref, w_ref, b_ref, out_ref):
        h = lax.dot(
            x_ref[...],
            w_ref[...],
            precision=lax.Precision.HIGHEST,
            preferred_element_type=jnp.float32,
        )
        out_ref[...] = (h[:, None, :] + b_ref[...][None, :, :]).reshape(
            n_blk * t, d
        )

    return pl.pallas_call(
        body,
        grid=(n // n_blk,),
        in_specs=[
            pl.BlockSpec((n_blk, d), lambda i: (i, 0)),
            pl.BlockSpec((d, d), lambda i: (0, 0)),
            pl.BlockSpec((t, d), lambda i: (0, 0)),
        ],
        out_specs=pl.BlockSpec((n_blk * t, d), lambda i: (i, 0)),
        out_shape=jax.ShapeDtypeStruct((n * t, d), jnp.float32),
    )(x, W, b_type)


def _final_call(partials, x, W_self, *, n_blk):
    n, d = x.shape

    def body(p_ref, x_ref, w_ref, out_ref):
        s = lax.dot(
            x_ref[...],
            w_ref[...],
            precision=lax.Precision.HIGHEST,
            preferred_element_type=jnp.float32,
        )
        out_ref[...] = jnp.maximum(p_ref[0] + p_ref[1] + s, 0.0)

    return pl.pallas_call(
        body,
        grid=(n // n_blk,),
        in_specs=[
            pl.BlockSpec((2, n_blk, d), lambda i: (0, i, 0)),
            pl.BlockSpec((n_blk, d), lambda i: (i, 0)),
            pl.BlockSpec((d, d), lambda i: (0, 0)),
        ],
        out_specs=pl.BlockSpec((n_blk, d), lambda i: (i, 0)),
        out_shape=jax.ShapeDtypeStruct((n, d), jnp.float32),
    )(partials, x, W_self)


def _sc_aggregate(htab2, gi4, di4, *, n, n_acc, d, n_ch):
    ch = _CH
    npt = (n // _NS) // 8 * 8
    wrem = n - _NS * npt
    zrem = n_acc - _NS * npt
    zch = 104
    assert npt % zch == 0 and wrem % 8 == 0 and zrem % 8 == 0
    assert max(wrem, zrem) <= ch and zch <= ch
    assert n_ch % 4 == 0 and n_ch >= 8
    mesh = plsc.VectorSubcoreMesh(
        core_axis_name="c", subcore_axis_name="s", num_cores=_NC, num_subcores=_NS
    )

    @functools.partial(
        pl.kernel,
        mesh=mesh,
        out_type=jax.ShapeDtypeStruct((_NC, n, d), jnp.float32),
        scratch_types=[
            pltpu.VMEM((4, 1, ch), jnp.int32),
            pltpu.VMEM((4, 1, ch), jnp.int32),
            pltpu.VMEM((2, ch, d), jnp.float32),
            pltpu.VMEM((zch, d), jnp.float32),
            pltpu.VMEM_SHARED((n_acc, d), jnp.float32),
            pltpu.SemaphoreType.DMA((4,)),
            pltpu.SemaphoreType.DMA((4,)),
            pltpu.SemaphoreType.DMA((2,)),
        ],
    )
    def run(tab_hbm, gi_hbm, di_hbm, out_hbm,
            gi_v, di_v, rows_v, zero_v, acc_sh, gsems, dsems, rsems):
        cid = lax.axis_index("c")
        sid = lax.axis_index("s")
        wid = cid * _NS + sid

        def zero_row(i, carry):
            for c in range(d // 16):
                zero_v[i, pl.ds(c * 16, 16)] = jnp.zeros((16,), jnp.float32)
            return carry

        lax.fori_loop(0, zch, zero_row, 0)
        for k in range(npt // zch):
            pltpu.sync_copy(zero_v, acc_sh.at[pl.ds(sid * npt + k * zch, zch)])

        @pl.when(sid == _NS - 1)
        def _zero_tail():
            pltpu.sync_copy(
                zero_v.at[pl.ds(0, zrem)], acc_sh.at[pl.ds(_NS * npt, zrem)]
            )

        plsc.subcore_barrier()

        def start_idx(j, s):
            pltpu.async_copy(gi_hbm.at[wid, j], gi_v.at[s], gsems.at[s])
            pltpu.async_copy(di_hbm.at[wid, j], di_v.at[s], dsems.at[s])

        def wait_idx(j, s):
            pltpu.make_async_copy(
                gi_hbm.at[wid, j], gi_v.at[s], gsems.at[s]
            ).wait()
            pltpu.make_async_copy(
                di_hbm.at[wid, j], di_v.at[s], dsems.at[s]
            ).wait()

        def start_gather(s, r):
            pltpu.async_copy(
                tab_hbm.at[gi_v.at[s, 0]], rows_v.at[r], rsems.at[r]
            )

        def wait_gather(s, r):
            pltpu.make_async_copy(
                tab_hbm.at[gi_v.at[s, 0]], rows_v.at[r], rsems.at[r]
            ).wait()

        def scatter(s, r):
            pltpu.sync_copy(
                rows_v.at[r], acc_sh.at[di_v.at[s, 0]], add=True
            )

        def step(j, jj):
            wait_idx(jj + 1, (j + 1) % 4)
            start_gather((j + 1) % 4, (j + 1) % 2)
            wait_gather(j % 4, j % 2)
            scatter(j % 4, j % 2)
            start_idx(jj + 3, (j + 3) % 4)

        start_idx(0, 0)
        start_idx(1, 1)
        start_idx(2, 2)
        wait_idx(0, 0)
        start_gather(0, 0)

        def quad(k, carry):
            j4 = 4 * k
            for u in range(4):
                step(u, j4 + u)
            return carry

        lax.fori_loop(0, (n_ch - 4) // 4, quad, 0)

        base = n_ch - 4
        for u in range(4):
            j = base + u
            if u < 3:
                wait_idx(j + 1, (j + 1) % 4)
                start_gather((j + 1) % 4, (j + 1) % 2)
            wait_gather(j % 4, j % 2)
            scatter(j % 4, j % 2)
            if u == 0:
                start_idx(n_ch - 1, (n_ch - 1) % 4)

        plsc.subcore_barrier()

        pltpu.sync_copy(
            acc_sh.at[pl.ds(sid * npt, npt)],
            out_hbm.at[cid, pl.ds(sid * npt, npt)],
        )

        @pl.when(sid == _NS - 1)
        def _write_tail():
            pltpu.sync_copy(
                acc_sh.at[pl.ds(_NS * npt, wrem)],
                out_hbm.at[cid, pl.ds(_NS * npt, wrem)],
            )

    return run(htab2, gi4, di4)


def kernel(x, edge_index, edge_type, W, W_self, b_type):
    n, d = x.shape
    e = edge_index.shape[1]
    t = b_type.shape[0]
    assert e % _NW == 0
    epw = e // _NW
    n_ch = -(-epw // _CH)
    pad = n_ch * _CH - epw
    n_acc = -(-(n + 1) // 8) * 8

    src = edge_index[0]
    dst = edge_index[1]
    gidx = src * t + edge_type

    def chunked(idx, fill):
        idx = idx.reshape(_NW, epw)
        if pad:
            filler = jnp.full((_NW, pad), fill, dtype=jnp.int32)
            idx = jnp.concatenate([idx, filler], axis=1)
        return idx.reshape(_NW, n_ch, 1, _CH)

    htab = _htab_call(x, W, b_type, n_blk=2000)
    partials = _sc_aggregate(
        htab,
        chunked(gidx, 0),
        chunked(dst, n),
        n=n, n_acc=n_acc, d=d, n_ch=n_ch,
    )
    return _final_call(partials, x, W_self, n_blk=2000)

# --- scband reference (transcript-rebuilt; emitter-appended) ---
"""Pipeline reference for scband-lgrlclassifier-karel-22058952032966 (READ-ONLY COPY).

The authoritative reference and input builder live on the scoring server;
editing this copy changes nothing except your own understanding.
"""

import jax, jax.numpy as jnp
import numpy as np

N, E, D, T = 10000, 320000, 128, 10

def setup_inputs(seed: int = 0) -> dict:
    key = jax.random.key(seed)
    ks = jax.random.split(key, 6)
    x = jax.random.normal(ks[0], (N, D), dtype=jnp.float32)
    edge_index = jax.random.randint(ks[1], (2, E), 0, N, dtype=jnp.int32)
    edge_type = jax.random.randint(ks[2], (E,), 0, T, dtype=jnp.int32)
    # Learned parameters of the relational graph-conv layer (TraceGraphConv core)
    W = jax.random.normal(ks[3], (D, D), dtype=jnp.float32) * (1.0 / np.sqrt(D))
    W_self = jax.random.normal(ks[4], (D, D), dtype=jnp.float32) * (1.0 / np.sqrt(D))
    b_type = jax.random.normal(ks[5], (T, D), dtype=jnp.float32) * 0.02
    return {"x": x, "edge_index": edge_index, "edge_type": edge_type, "W": W, "W_self": W_self, "b_type": b_type}

def reference(x, edge_index, edge_type, W, W_self, b_type):
    # Relational message passing over the program/trace graph built by get_edges:
    # each edge carries a type (pt, tp, (pp,+/-d), (tt,+/-d)); messages are
    # linearly transformed source features plus a per-edge-type bias, scatter-added
    # into destination nodes, combined with a self-loop transform, then ReLU.
    src = edge_index[0]
    dst = edge_index[1]
    h = x @ W                              # node-level transform
    msg = jnp.take(h, src, axis=0) + jnp.take(b_type, edge_type, axis=0)  # gather per edge
    agg = jax.ops.segment_sum(msg, dst, num_segments=x.shape[0])          # scatter-add
    out = jax.nn.relu(agg + x @ W_self)
    return out

if __name__ == "__main__":
    import jax
    _d = setup_inputs()
    print(jax.jit(kernel)(*tuple(_d.values())))

</pallas_src>

<mosaic_0001>
#map = affine_map<(d0, d1) -> (0, 0)>
#map1 = affine_map<(d0, d1) -> (0, 0, 0, 0)>
#map2 = affine_map<(d0, d1) -> (0, 0, 0)>
module attributes {stable_mosaic.version = 14 : i64} {
  func.func @run(%arg0: i32, %arg1: i32, %arg2: memref<100000x128xf32, #tpu.memory_space<hbm>>, %arg3: memref<32x80x1x125xi32, #tpu.memory_space<hbm>>, %arg4: memref<32x80x1x125xi32, #tpu.memory_space<hbm>>, %arg5: memref<2x10000x128xf32, #tpu.memory_space<hbm>>, %arg6: memref<4x1x125xi32, #tpu.memory_space<vmem>>, %arg7: memref<4x1x125xi32, #tpu.memory_space<vmem>>, %arg8: memref<2x125x128xf32, #tpu.memory_space<vmem>>, %arg9: memref<104x128xf32, #tpu.memory_space<vmem>>, %arg10: memref<10008x128xf32, #tpu.memory_space<vmem_shared>>, %arg11: memref<4x!tpu.dma_semaphore, #tpu.memory_space<semaphore_mem>>, %arg12: memref<4x!tpu.dma_semaphore, #tpu.memory_space<semaphore_mem>>, %arg13: memref<2x!tpu.dma_semaphore, #tpu.memory_space<semaphore_mem>>) attributes {dimension_semantics = [#tpu.dimension_semantics<core_parallel>, #tpu.dimension_semantics<subcore_parallel>], iteration_bounds = array<i64: 2, 16>, scalar_prefetch = 0 : i64, scratch_operands = 8 : i64, tpu.core_type = #tpu.core_type<sc_vector_subcore>, window_params = [{transform_indices = #map}, {transform_indices = #map1}, {transform_indices = #map1}, {transform_indices = #map2}]} {
    %mul3A = arith.constant 16 : i32
    %mul3A_0 = arith.muli %arg0, %mul3A : i32
    %add3A = arith.addi %mul3A_0, %arg1 : i32
    %scan3A = arith.constant 0 : i32
    %scan3A_1 = arith.constant 0 : i32
    %scan3A_2 = arith.constant 104 : i32
    %scan3A_3 = arith.addi %scan3A_1, %scan3A_2 : i32
    %scan3A_4 = arith.constant 1 : i32
    scf.for %scan3A_521 = %scan3A_1 to %scan3A_3 step %scan3A_4  : i32 {
      %broadcast_in_dim3A = arith.constant 0.000000e+00 : f32
      %broadcast_in_dim3A_522 = vector.broadcast %broadcast_in_dim3A : f32 to vector<16xf32>
      %swap3A = arith.index_cast %scan3A_521 : i32 to index
      %swap3A_523 = arith.constant 0 : index
      %swap3A_524 = tpu.vector_load %arg9[%swap3A, %swap3A_523] {strides = array<i32>} : memref<104x128xf32, #tpu.memory_space<vmem>>, vector<1x16xf32>,
      %swap3A_525 = vector.shape_cast %swap3A_524 : vector<1x16xf32> to vector<16xf32>
      %swap3A_526 = vector.shape_cast %broadcast_in_dim3A_522 : vector<16xf32> to vector<1x16xf32>
      tpu.vector_store %arg9[%swap3A, %swap3A_523], %swap3A_526 {strides = array<i32>} : memref<104x128xf32, #tpu.memory_space<vmem>>, vector<1x16xf32>,
      %broadcast_in_dim3A_527 = arith.constant 0.000000e+00 : f32
      %broadcast_in_dim3A_528 = vector.broadcast %broadcast_in_dim3A_527 : f32 to vector<16xf32>
      %swap3A_529 = arith.index_cast %scan3A_521 : i32 to index
      %swap3A_530 = arith.constant 16 : index
      %swap3A_531 = tpu.vector_load %arg9[%swap3A_529, %swap3A_530] {strides = array<i32>} : memref<104x128xf32, #tpu.memory_space<vmem>>, vector<1x16xf32>,
      %swap3A_532 = vector.shape_cast %swap3A_531 : vector<1x16xf32> to vector<16xf32>
      %swap3A_533 = vector.shape_cast %broadcast_in_dim3A_528 : vector<16xf32> to vector<1x16xf32>
      tpu.vector_store %arg9[%swap3A_529, %swap3A_530], %swap3A_533 {strides = array<i32>} : memref<104x128xf32, #tpu.memory_space<vmem>>, vector<1x16xf32>,
      %broadcast_in_dim3A_534 = arith.constant 0.000000e+00 : f32
      %broadcast_in_dim3A_535 = vector.broadcast %broadcast_in_dim3A_534 : f32 to vector<16xf32>
      %swap3A_536 = arith.index_cast %scan3A_521 : i32 to index
      %swap3A_537 = arith.constant 32 : index
      %swap3A_538 = tpu.vector_load %arg9[%swap3A_536, %swap3A_537] {strides = array<i32>} : memref<104x128xf32, #tpu.memory_space<vmem>>, vector<1x16xf32>,
      %swap3A_539 = vector.shape_cast %swap3A_538 : vector<1x16xf32> to vector<16xf32>
      %swap3A_540 = vector.shape_cast %broadcast_in_dim3A_535 : vector<16xf32> to vector<1x16xf32>
      tpu.vector_store %arg9[%swap3A_536, %swap3A_537], %swap3A_540 {strides = array<i32>} : memref<104x128xf32, #tpu.memory_space<vmem>>, vector<1x16xf32>,
      %broadcast_in_dim3A_541 = arith.constant 0.000000e+00 : f32
      %broadcast_in_dim3A_542 = vector.broadcast %broadcast_in_dim3A_541 : f32 to vector<16xf32>
      %swap3A_543 = arith.index_cast %scan3A_521 : i32 to index
      %swap3A_544 = arith.constant 48 : index
      %swap3A_545 = tpu.vector_load %arg9[%swap3A_543, %swap3A_544] {strides = array<i32>} : memref<104x128xf32, #tpu.memory_space<vmem>>, vector<1x16xf32>,
      %swap3A_546 = vector.shape_cast %swap3A_545 : vector<1x16xf32> to vector<16xf32>
      %swap3A_547 = vector.shape_cast %broadcast_in_dim3A_542 : vector<16xf32> to vector<1x16xf32>
      tpu.vector_store %arg9[%swap3A_543, %swap3A_544], %swap3A_547 {strides = array<i32>} : memref<104x128xf32, #tpu.memory_space<vmem>>, vector<1x16xf32>,
      %broadcast_in_dim3A_548 = arith.constant 0.000000e+00 : f32
      %broadcast_in_dim3A_549 = vector.broadcast %broadcast_in_dim3A_548 : f32 to vector<16xf32>
      %swap3A_550 = arith.index_cast %scan3A_521 : i32 to index
      %swap3A_551 = arith.constant 64 : index
      %swap3A_552 = tpu.vector_load %arg9[%swap3A_550, %swap3A_551] {strides = array<i32>} : memref<104x128xf32, #tpu.memory_space<vmem>>, vector<1x16xf32>,
      %swap3A_553 = vector.shape_cast %swap3A_552 : vector<1x16xf32> to vector<16xf32>
      %swap3A_554 = vector.shape_cast %broadcast_in_dim3A_549 : vector<16xf32> to vector<1x16xf32>
      tpu.vector_store %arg9[%swap3A_550, %swap3A_551], %swap3A_554 {strides = array<i32>} : memref<104x128xf32, #tpu.memory_space<vmem>>, vector<1x16xf32>,
      %broadcast_in_dim3A_555 = arith.constant 0.000000e+00 : f32
      %broadcast_in_dim3A_556 = vector.broadcast %broadcast_in_dim3A_555 : f32 to vector<16xf32>
      %swap3A_557 = arith.index_cast %scan3A_521 : i32 to index
      %swap3A_558 = arith.constant 80 : index
      %swap3A_559 = tpu.vector_load %arg9[%swap3A_557, %swap3A_558] {strides = array<i32>} : memref<104x128xf32, #tpu.memory_space<vmem>>, vector<1x16xf32>,
      %swap3A_560 = vector.shape_cast %swap3A_559 : vector<1x16xf32> to vector<16xf32>
      %swap3A_561 = vector.shape_cast %broadcast_in_dim3A_556 : vector<16xf32> to vector<1x16xf32>
      tpu.vector_store %arg9[%swap3A_557, %swap3A_558], %swap3A_561 {strides = array<i32>} : memref<104x128xf32, #tpu.memory_space<vmem>>, vector<1x16xf32>,
      %broadcast_in_dim3A_562 = arith.constant 0.000000e+00 : f32
      %broadcast_in_dim3A_563 = vector.broadcast %broadcast_in_dim3A_562 : f32 to vector<16xf32>
      %swap3A_564 = arith.index_cast %scan3A_521 : i32 to index
      %swap3A_565 = arith.constant 96 : index
      %swap3A_566 = tpu.vector_load %arg9[%swap3A_564, %swap3A_565] {strides = array<i32>} : memref<104x128xf32, #tpu.memory_space<vmem>>, vector<1x16xf32>,
      %swap3A_567 = vector.shape_cast %swap3A_566 : vector<1x16xf32> to vector<16xf32>
      %swap3A_568 = vector.shape_cast %broadcast_in_dim3A_563 : vector<16xf32> to vector<1x16xf32>
      tpu.vector_store %arg9[%swap3A_564, %swap3A_565], %swap3A_568 {strides = array<i32>} : memref<104x128xf32, #tpu.memory_space<vmem>>, vector<1x16xf32>,
      %broadcast_in_dim3A_569 = arith.constant 0.000000e+00 : f32
      %broadcast_in_dim3A_570 = vector.broadcast %broadcast_in_dim3A_569 : f32 to vector<16xf32>
      %swap3A_571 = arith.index_cast %scan3A_521 : i32 to index
      %swap3A_572 = arith.constant 112 : index
      %swap3A_573 = tpu.vector_load %arg9[%swap3A_571, %swap3A_572] {strides = array<i32>} : memref<104x128xf32, #tpu.memory_space<vmem>>, vector<1x16xf32>,
      %swap3A_574 = vector.shape_cast %swap3A_573 : vector<1x16xf32> to vector<16xf32>
      %swap3A_575 = vector.shape_cast %broadcast_in_dim3A_570 : vector<16xf32> to vector<1x16xf32>
      tpu.vector_store %arg9[%swap3A_571, %swap3A_572], %swap3A_575 {strides = array<i32>} : memref<104x128xf32, #tpu.memory_space<vmem>>, vector<1x16xf32>,
    }
    %scan3A_5 = arith.constant 104 : i32
    %mul3A_6 = arith.constant 624 : i32
    %mul3A_7 = arith.muli %arg1, %mul3A_6 : i32
    %add3A_8 = arith.constant 0 : i32
    %add3A_9 = arith.addi %mul3A_7, %add3A_8 : i32
    "tpu.region"() ({
      %run_scoped3A_521 = tpu.sem_alloc : memref<!tpu.dma_semaphore, #tpu.memory_space<semaphore_mem>>
      %dma_start3A_522 = arith.constant 0 : i32
      %dma_start3A_523 = tpu.memref_slice %arg10[%add3A_9, %dma_start3A_522] : memref<10008x128xf32, #tpu.memory_space<vmem_shared>> -> memref<104x128xf32, #tpu.memory_space<vmem_shared>>
      %dma_start3A_524 = arith.constant 0 : i32
      %dma_start3A_525 = tpu.memref_slice %arg10[%add3A_9, %dma_start3A_524] : memref<10008x128xf32, #tpu.memory_space<vmem_shared>> -> memref<104x128xf32, #tpu.memory_space<vmem_shared>>
      tpu.enqueue_dma source(%arg9 : memref<104x128xf32, #tpu.memory_space<vmem>>) target(%dma_start3A_525 : memref<104x128xf32, #tpu.memory_space<vmem_shared>>) target_semaphore(%run_scoped3A_521 : memref<!tpu.dma_semaphore, #tpu.memory_space<semaphore_mem>>)
      %dma_wait3A_526 = arith.constant 0 : i32
      %dma_wait3A_527 = tpu.memref_slice %arg10[%add3A_9, %dma_wait3A_526] : memref<10008x128xf32, #tpu.memory_space<vmem_shared>> -> memref<104x128xf32, #tpu.memory_space<vmem_shared>>
      %dma_wait3A_528 = arith.constant 0 : i32
      %dma_wait3A_529 = tpu.memref_slice %arg10[%add3A_9, %dma_wait3A_528] : memref<10008x128xf32, #tpu.memory_space<vmem_shared>> -> memref<104x128xf32, #tpu.memory_space<vmem_shared>>
      tpu.wait_dma2 semaphore(%run_scoped3A_521 : memref<!tpu.dma_semaphore, #tpu.memory_space<semaphore_mem>>) src(%arg9 : memref<104x128xf32, #tpu.memory_space<vmem>>) dst(%dma_wait3A_529 : memref<104x128xf32, #tpu.memory_space<vmem_shared>>)
      tpu.yield
    }) : () -> ()
    %mul3A_10 = arith.constant 624 : i32
    %mul3A_11 = arith.muli %arg1, %mul3A_10 : i32
    %add3A_12 = arith.constant 104 : i32
    %add3A_13 = arith.addi %mul3A_11, %add3A_12 : i32
    "tpu.region"() ({
      %run_scoped3A_521 = tpu.sem_alloc : memref<!tpu.dma_semaphore, #tpu.memory_space<semaphore_mem>>
      %dma_start3A_522 = arith.constant 0 : i32
      %dma_start3A_523 = tpu.memref_slice %arg10[%add3A_13, %dma_start3A_522] : memref<10008x128xf32, #tpu.memory_space<vmem_shared>> -> memref<104x128xf32, #tpu.memory_space<vmem_shared>>
      %dma_start3A_524 = arith.constant 0 : i32
      %dma_start3A_525 = tpu.memref_slice %arg10[%add3A_13, %dma_start3A_524] : memref<10008x128xf32, #tpu.memory_space<vmem_shared>> -> memref<104x128xf32, #tpu.memory_space<vmem_shared>>
      tpu.enqueue_dma source(%arg9 : memref<104x128xf32, #tpu.memory_space<vmem>>) target(%dma_start3A_525 : memref<104x128xf32, #tpu.memory_space<vmem_shared>>) target_semaphore(%run_scoped3A_521 : memref<!tpu.dma_semaphore, #tpu.memory_space<semaphore_mem>>)
      %dma_wait3A_526 = arith.constant 0 : i32
      %dma_wait3A_527 = tpu.memref_slice %arg10[%add3A_13, %dma_wait3A_526] : memref<10008x128xf32, #tpu.memory_space<vmem_shared>> -> memref<104x128xf32, #tpu.memory_space<vmem_shared>>
      %dma_wait3A_528 = arith.constant 0 : i32
      %dma_wait3A_529 = tpu.memref_slice %arg10[%add3A_13, %dma_wait3A_528] : memref<10008x128xf32, #tpu.memory_space<vmem_shared>> -> memref<104x128xf32, #tpu.memory_space<vmem_shared>>
      tpu.wait_dma2 semaphore(%run_scoped3A_521 : memref<!tpu.dma_semaphore, #tpu.memory_space<semaphore_mem>>) src(%arg9 : memref<104x128xf32, #tpu.memory_space<vmem>>) dst(%dma_wait3A_529 : memref<104x128xf32, #tpu.memory_space<vmem_shared>>)
      tpu.yield
    }) : () -> ()
    %mul3A_14 = arith.constant 624 : i32
    %mul3A_15 = arith.muli %arg1, %mul3A_14 : i32
    %add3A_16 = arith.constant 208 : i32
    %add3A_17 = arith.addi %mul3A_15, %add3A_16 : i32
    "tpu.region"() ({
      %run_scoped3A_521 = tpu.sem_alloc : memref<!tpu.dma_semaphore, #tpu.memory_space<semaphore_mem>>
      %dma_start3A_522 = arith.constant 0 : i32
      %dma_start3A_523 = tpu.memref_slice %arg10[%add3A_17, %dma_start3A_522] : memref<10008x128xf32, #tpu.memory_space<vmem_shared>> -> memref<104x128xf32, #tpu.memory_space<vmem_shared>>
      %dma_start3A_524 = arith.constant 0 : i32
      %dma_start3A_525 = tpu.memref_slice %arg10[%add3A_17, %dma_start3A_524] : memref<10008x128xf32, #tpu.memory_space<vmem_shared>> -> memref<104x128xf32, #tpu.memory_space<vmem_shared>>
      tpu.enqueue_dma source(%arg9 : memref<104x128xf32, #tpu.memory_space<vmem>>) target(%dma_start3A_525 : memref<104x128xf32, #tpu.memory_space<vmem_shared>>) target_semaphore(%run_scoped3A_521 : memref<!tpu.dma_semaphore, #tpu.memory_space<semaphore_mem>>)
      %dma_wait3A_526 = arith.constant 0 : i32
      %dma_wait3A_527 = tpu.memref_slice %arg10[%add3A_17, %dma_wait3A_526] : memref<10008x128xf32, #tpu.memory_space<vmem_shared>> -> memref<104x128xf32, #tpu.memory_space<vmem_shared>>
      %dma_wait3A_528 = arith.constant 0 : i32
      %dma_wait3A_529 = tpu.memref_slice %arg10[%add3A_17, %dma_wait3A_528] : memref<10008x128xf32, #tpu.memory_space<vmem_shared>> -> memref<104x128xf32, #tpu.memory_space<vmem_shared>>
      tpu.wait_dma2 semaphore(%run_scoped3A_521 : memref<!tpu.dma_semaphore, #tpu.memory_space<semaphore_mem>>) src(%arg9 : memref<104x128xf32, #tpu.memory_space<vmem>>) dst(%dma_wait3A_529 : memref<104x128xf32, #tpu.memory_space<vmem_shared>>)
      tpu.yield
    }) : () -> ()
    %mul3A_18 = arith.constant 624 : i32
    %mul3A_19 = arith.muli %arg1, %mul3A_18 : i32
    %add3A_20 = arith.constant 312 : i32
    %add3A_21 = arith.addi %mul3A_19, %add3A_20 : i32
    "tpu.region"() ({
      %run_scoped3A_521 = tpu.sem_alloc : memref<!tpu.dma_semaphore, #tpu.memory_space<semaphore_mem>>
      %dma_start3A_522 = arith.constant 0 : i32
      %dma_start3A_523 = tpu.memref_slice %arg10[%add3A_21, %dma_start3A_522] : memref<10008x128xf32, #tpu.memory_space<vmem_shared>> -> memref<104x128xf32, #tpu.memory_space<vmem_shared>>
      %dma_start3A_524 = arith.constant 0 : i32
      %dma_start3A_525 = tpu.memref_slice %arg10[%add3A_21, %dma_start3A_524] : memref<10008x128xf32, #tpu.memory_space<vmem_shared>> -> memref<104x128xf32, #tpu.memory_space<vmem_shared>>
      tpu.enqueue_dma source(%arg9 : memref<104x128xf32, #tpu.memory_space<vmem>>) target(%dma_start3A_525 : memref<104x128xf32, #tpu.memory_space<vmem_shared>>) target_semaphore(%run_scoped3A_521 : memref<!tpu.dma_semaphore, #tpu.memory_space<semaphore_mem>>)
      %dma_wait3A_526 = arith.constant 0 : i32
      %dma_wait3A_527 = tpu.memref_slice %arg10[%add3A_21, %dma_wait3A_526] : memref<10008x128xf32, #tpu.memory_space<vmem_shared>> -> memref<104x128xf32, #tpu.memory_space<vmem_shared>>
      %dma_wait3A_528 = arith.constant 0 : i32
      %dma_wait3A_529 = tpu.memref_slice %arg10[%add3A_21, %dma_wait3A_528] : memref<10008x128xf32, #tpu.memory_space<vmem_shared>> -> memref<104x128xf32, #tpu.memory_space<vmem_shared>>
      tpu.wait_dma2 semaphore(%run_scoped3A_521 : memref<!tpu.dma_semaphore, #tpu.memory_space<semaphore_mem>>) src(%arg9 : memref<104x128xf32, #tpu.memory_space<vmem>>) dst(%dma_wait3A_529 : memref<104x128xf32, #tpu.memory_space<vmem_shared>>)
      tpu.yield
    }) : () -> ()
    %mul3A_22 = arith.constant 624 : i32
    %mul3A_23 = arith.muli %arg1, %mul3A_22 : i32
    %add3A_24 = arith.constant 416 : i32
    %add3A_25 = arith.addi %mul3A_23, %add3A_24 : i32
    "tpu.region"() ({
      %run_scoped3A_521 = tpu.sem_alloc : memref<!tpu.dma_semaphore, #tpu.memory_space<semaphore_mem>>
      %dma_start3A_522 = arith.constant 0 : i32
      %dma_start3A_523 = tpu.memref_slice %arg10[%add3A_25, %dma_start3A_522] : memref<10008x128xf32, #tpu.memory_space<vmem_shared>> -> memref<104x128xf32, #tpu.memory_space<vmem_shared>>
      %dma_start3A_524 = arith.constant 0 : i32
      %dma_start3A_525 = tpu.memref_slice %arg10[%add3A_25, %dma_start3A_524] : memref<10008x128xf32, #tpu.memory_space<vmem_shared>> -> memref<104x128xf32, #tpu.memory_space<vmem_shared>>
      tpu.enqueue_dma source(%arg9 : memref<104x128xf32, #tpu.memory_space<vmem>>) target(%dma_start3A_525 : memref<104x128xf32, #tpu.memory_space<vmem_shared>>) target_semaphore(%run_scoped3A_521 : memref<!tpu.dma_semaphore, #tpu.memory_space<semaphore_mem>>)
      %dma_wait3A_526 = arith.constant 0 : i32
      %dma_wait3A_527 = tpu.memref_slice %arg10[%add3A_25, %dma_wait3A_526] : memref<10008x128xf32, #tpu.memory_space<vmem_shared>> -> memref<104x128xf32, #tpu.memory_space<vmem_shared>>
      %dma_wait3A_528 = arith.constant 0 : i32
      %dma_wait3A_529 = tpu.memref_slice %arg10[%add3A_25, %dma_wait3A_528] : memref<10008x128xf32, #tpu.memory_space<vmem_shared>> -> memref<104x128xf32, #tpu.memory_space<vmem_shared>>
      tpu.wait_dma2 semaphore(%run_scoped3A_521 : memref<!tpu.dma_semaphore, #tpu.memory_space<semaphore_mem>>) src(%arg9 : memref<104x128xf32, #tpu.memory_space<vmem>>) dst(%dma_wait3A_529 : memref<104x128xf32, #tpu.memory_space<vmem_shared>>)
      tpu.yield
    }) : () -> ()
    %mul3A_26 = arith.constant 624 : i32
    %mul3A_27 = arith.muli %arg1, %mul3A_26 : i32
    %add3A_28 = arith.constant 520 : i32
    %add3A_29 = arith.addi %mul3A_27, %add3A_28 : i32
    "tpu.region"() ({
      %run_scoped3A_521 = tpu.sem_alloc : memref<!tpu.dma_semaphore, #tpu.memory_space<semaphore_mem>>
      %dma_start3A_522 = arith.constant 0 : i32
      %dma_start3A_523 = tpu.memref_slice %arg10[%add3A_29, %dma_start3A_522] : memref<10008x128xf32, #tpu.memory_space<vmem_shared>> -> memref<104x128xf32, #tpu.memory_space<vmem_shared>>
      %dma_start3A_524 = arith.constant 0 : i32
      %dma_start3A_525 = tpu.memref_slice %arg10[%add3A_29, %dma_start3A_524] : memref<10008x128xf32, #tpu.memory_space<vmem_shared>> -> memref<104x128xf32, #tpu.memory_space<vmem_shared>>
      tpu.enqueue_dma source(%arg9 : memref<104x128xf32, #tpu.memory_space<vmem>>) target(%dma_start3A_525 : memref<104x128xf32, #tpu.memory_space<vmem_shared>>) target_semaphore(%run_scoped3A_521 : memref<!tpu.dma_semaphore, #tpu.memory_space<semaphore_mem>>)
      %dma_wait3A_526 = arith.constant 0 : i32
      %dma_wait3A_527 = tpu.memref_slice %arg10[%add3A_29, %dma_wait3A_526] : memref<10008x128xf32, #tpu.memory_space<vmem_shared>> -> memref<104x128xf32, #tpu.memory_space<vmem_shared>>
      %dma_wait3A_528 = arith.constant 0 : i32
      %dma_wait3A_529 = tpu.memref_slice %arg10[%add3A_29, %dma_wait3A_528] : memref<10008x128xf32, #tpu.memory_space<vmem_shared>> -> memref<104x128xf32, #tpu.memory_space<vmem_shared>>
      tpu.wait_dma2 semaphore(%run_scoped3A_521 : memref<!tpu.dma_semaphore, #tpu.memory_space<semaphore_mem>>) src(%arg9 : memref<104x128xf32, #tpu.memory_space<vmem>>) dst(%dma_wait3A_529 : memref<104x128xf32, #tpu.memory_space<vmem_shared>>)
      tpu.yield
    }) : () -> ()
    %eq3A = arith.constant 15 : i32
    %eq3A_30 = arith.cmpi eq, %arg1, %eq3A : i32
    %convert_element_type3A = arith.extui %eq3A_30 : i1 to i32
    %cond3A = arith.constant 0 : i32
    %cond3A_31 = arith.cmpi ne, %convert_element_type3A, %cond3A : i32
    scf.if %cond3A_31 {
      "tpu.region"() ({
        %run_scoped3A_521 = tpu.sem_alloc : memref<!tpu.dma_semaphore, #tpu.memory_space<semaphore_mem>>
        %dma_start3A_522 = arith.constant 0 : i32
        %dma_start3A_523 = arith.constant 0 : i32
        %dma_start3A_524 = tpu.memref_slice %arg9[%dma_start3A_522, %dma_start3A_523] : memref<104x128xf32, #tpu.memory_space<vmem>> -> memref<24x128xf32, #tpu.memory_space<vmem>>
        %dma_start3A_525 = arith.constant 9984 : i32
        %dma_start3A_526 = arith.constant 0 : i32
        %dma_start3A_527 = tpu.memref_slice %arg10[%dma_start3A_525, %dma_start3A_526] : memref<10008x128xf32, #tpu.memory_space<vmem_shared>> -> memref<24x128xf32, #tpu.memory_space<vmem_shared>>
        %dma_start3A_528 = arith.constant 9984 : i32
        %dma_start3A_529 = arith.constant 0 : i32
        %dma_start3A_530 = tpu.memref_slice %arg10[%dma_start3A_528, %dma_start3A_529] : memref<10008x128xf32, #tpu.memory_space<vmem_shared>> -> memref<24x128xf32, #tpu.memory_space<vmem_shared>>
        %dma_start3A_531 = arith.constant 0 : i32
        %dma_start3A_532 = arith.constant 0 : i32
        %dma_start3A_533 = tpu.memref_slice %arg9[%dma_start3A_531, %dma_start3A_532] : memref<104x128xf32, #tpu.memory_space<vmem>> -> memref<24x128xf32, #tpu.memory_space<vmem>>
        tpu.enqueue_dma source(%dma_start3A_533 : memref<24x128xf32, #tpu.memory_space<vmem>>) target(%dma_start3A_530 : memref<24x128xf32, #tpu.memory_space<vmem_shared>>) target_semaphore(%run_scoped3A_521 : memref<!tpu.dma_semaphore, #tpu.memory_space<semaphore_mem>>)
        %dma_wait3A_534 = arith.constant 0 : i32
        %dma_wait3A_535 = arith.constant 0 : i32
        %dma_wait3A_536 = tpu.memref_slice %arg9[%dma_wait3A_534, %dma_wait3A_535] : memref<104x128xf32, #tpu.memory_space<vmem>> -> memref<24x128xf32, #tpu.memory_space<vmem>>
        %dma_wait3A_537 = arith.constant 9984 : i32
        %dma_wait3A_538 = arith.constant 0 : i32
        %dma_wait3A_539 = tpu.memref_slice %arg10[%dma_wait3A_537, %dma_wait3A_538] : memref<10008x128xf32, #tpu.memory_space<vmem_shared>> -> memref<24x128xf32, #tpu.memory_space<vmem_shared>>
        %dma_wait3A_540 = arith.constant 9984 : i32
        %dma_wait3A_541 = arith.constant 0 : i32
        %dma_wait3A_542 = tpu.memref_slice %arg10[%dma_wait3A_540, %dma_wait3A_541] : memref<10008x128xf32, #tpu.memory_space<vmem_shared>> -> memref<24x128xf32, #tpu.memory_space<vmem_shared>>
        %dma_wait3A_543 = arith.constant 0 : i32
        %dma_wait3A_544 = arith.constant 0 : i32
        %dma_wait3A_545 = tpu.memref_slice %arg9[%dma_wait3A_543, %dma_wait3A_544] : memref<104x128xf32, #tpu.memory_space<vmem>> -> memref<24x128xf32, #tpu.memory_space<vmem>>
        tpu.wait_dma2 semaphore(%run_scoped3A_521 : memref<!tpu.dma_semaphore, #tpu.memory_space<semaphore_mem>>) src(%dma_wait3A_545 : memref<24x128xf32, #tpu.memory_space<vmem>>) dst(%dma_wait3A_542 : memref<24x128xf32, #tpu.memory_space<vmem_shared>>)
        tpu.yield
      }) : () -> ()
    } else {
    }
    %barrier3A = arith.constant 0 : index
    tpu.barrier barrier_id(%barrier3A)
    %dma_start3A = arith.constant 0 : i32
    %dma_start3A_32 = arith.constant 0 : i32
    %dma_start3A_33 = arith.constant 0 : i32
    %dma_start3A_34 = arith.constant 0 : i32
    %dma_start3A_35 = arith.constant 0 : i32
    %dma_start3A_36 = tpu.memref_slice %arg6[%dma_start3A_32, %dma_start3A_34, %dma_start3A_35] : memref<4x1x125xi32, #tpu.memory_space<vmem>> -> memref<1x1x125xi32, #tpu.memory_space<vmem>>
    %dma_start3A_37 = tpu.memref_squeeze %dma_start3A_36 : memref<1x1x125xi32, #tpu.memory_space<vmem>> -> memref<1x125xi32, #tpu.memory_space<vmem>>
    %dma_start3A_38 = arith.constant 0 : i32
    %dma_start3A_39 = arith.constant 0 : i32
    %dma_start3A_40 = tpu.memref_slice %arg3[%add3A, %dma_start3A, %dma_start3A_38, %dma_start3A_39] : memref<32x80x1x125xi32, #tpu.memory_space<hbm>> -> memref<1x1x1x125xi32, #tpu.memory_space<hbm>>
    %dma_start3A_41 = tpu.memref_squeeze %dma_start3A_40 : memref<1x1x1x125xi32, #tpu.memory_space<hbm>> -> memref<1x125xi32, #tpu.memory_space<hbm>>
    %dma_start3A_42 = tpu.memref_slice %arg11[%dma_start3A_33] : memref<4x!tpu.dma_semaphore, #tpu.memory_space<semaphore_mem>> -> memref<1x!tpu.dma_semaphore, #tpu.memory_space<semaphore_mem>>
    %dma_start3A_43 = tpu.memref_squeeze %dma_start3A_42 : memref<1x!tpu.dma_semaphore, #tpu.memory_space<semaphore_mem>> -> memref<!tpu.dma_semaphore, #tpu.memory_space<semaphore_mem>>
    %dma_start3A_44 = arith.constant 0 : i32
    %dma_start3A_45 = arith.constant 0 : i32
    %dma_start3A_46 = tpu.memref_slice %arg6[%dma_start3A_32, %dma_start3A_44, %dma_start3A_45] : memref<4x1x125xi32, #tpu.memory_space<vmem>> -> memref<1x1x125xi32, #tpu.memory_space<vmem>>
    %dma_start3A_47 = tpu.memref_squeeze %dma_start3A_46 : memref<1x1x125xi32, #tpu.memory_space<vmem>> -> memref<1x125xi32, #tpu.memory_space<vmem>>
    %dma_start3A_48 = arith.constant 0 : i32
    %dma_start3A_49 = arith.constant 0 : i32
    %dma_start3A_50 = tpu.memref_slice %arg3[%add3A, %dma_start3A, %dma_start3A_48, %dma_start3A_49] : memref<32x80x1x125xi32, #tpu.memory_space<hbm>> -> memref<1x1x1x125xi32, #tpu.memory_space<hbm>>
    %dma_start3A_51 = tpu.memref_squeeze %dma_start3A_50 : memref<1x1x1x125xi32, #tpu.memory_space<hbm>> -> memref<1x125xi32, #tpu.memory_space<hbm>>
    tpu.enqueue_dma source(%dma_start3A_51 : memref<1x125xi32, #tpu.memory_space<hbm>>) target(%dma_start3A_47 : memref<1x125xi32, #tpu.memory_space<vmem>>) target_semaphore(%dma_start3A_43 : memref<!tpu.dma_semaphore, #tpu.memory_space<semaphore_mem>>)
    %dma_start3A_52 = arith.constant 0 : i32
    %dma_start3A_53 = arith.constant 0 : i32
    %dma_start3A_54 = arith.constant 0 : i32
    %dma_start3A_55 = arith.constant 0 : i32
    %dma_start3A_56 = arith.constant 0 : i32
    %dma_start3A_57 = tpu.memref_slice %arg7[%dma_start3A_53, %dma_start3A_55, %dma_start3A_56] : memref<4x1x125xi32, #tpu.memory_space<vmem>> -> memref<1x1x125xi32, #tpu.memory_space<vmem>>
    %dma_start3A_58 = tpu.memref_squeeze %dma_start3A_57 : memref<1x1x125xi32, #tpu.memory_space<vmem>> -> memref<1x125xi32, #tpu.memory_space<vmem>>
    %dma_start3A_59 = arith.constant 0 : i32
    %dma_start3A_60 = arith.constant 0 : i32
    %dma_start3A_61 = tpu.memref_slice %arg4[%add3A, %dma_start3A_52, %dma_start3A_59, %dma_start3A_60] : memref<32x80x1x125xi32, #tpu.memory_space<hbm>> -> memref<1x1x1x125xi32, #tpu.memory_space<hbm>>
    %dma_start3A_62 = tpu.memref_squeeze %dma_start3A_61 : memref<1x1x1x125xi32, #tpu.memory_space<hbm>> -> memref<1x125xi32, #tpu.memory_space<hbm>>
    %dma_start3A_63 = tpu.memref_slice %arg12[%dma_start3A_54] : memref<4x!tpu.dma_semaphore, #tpu.memory_space<semaphore_mem>> -> memref<1x!tpu.dma_semaphore, #tpu.memory_space<semaphore_mem>>
    %dma_start3A_64 = tpu.memref_squeeze %dma_start3A_63 : memref<1x!tpu.dma_semaphore, #tpu.memory_space<semaphore_mem>> -> memref<!tpu.dma_semaphore, #tpu.memory_space<semaphore_mem>>
    %dma_start3A_65 = arith.constant 0 : i32
    %dma_start3A_66 = arith.constant 0 : i32
    %dma_start3A_67 = tpu.memref_slice %arg7[%dma_start3A_53, %dma_start3A_65, %dma_start3A_66] : memref<4x1x125xi32, #tpu.memory_space<vmem>> -> memref<1x1x125xi32, #tpu.memory_space<vmem>>
    %dma_start3A_68 = tpu.memref_squeeze %dma_start3A_67 : memref<1x1x125xi32, #tpu.memory_space<vmem>> -> memref<1x125xi32, #tpu.memory_space<vmem>>
    %dma_start3A_69 = arith.constant 0 : i32
    %dma_start3A_70 = arith.constant 0 : i32
    %dma_start3A_71 = tpu.memref_slice %arg4[%add3A, %dma_start3A_52, %dma_start3A_69, %dma_start3A_70] : memref<32x80x1x125xi32, #tpu.memory_space<hbm>> -> memref<1x1x1x125xi32, #tpu.memory_space<hbm>>
    %dma_start3A_72 = tpu.memref_squeeze %dma_start3A_71 : memref<1x1x1x125xi32, #tpu.memory_space<hbm>> -> memref<1x125xi32, #tpu.memory_space<hbm>>
    tpu.enqueue_dma source(%dma_start3A_72 : memref<1x125xi32, #tpu.memory_space<hbm>>) target(%dma_start3A_68 : memref<1x125xi32, #tpu.memory_space<vmem>>) target_semaphore(%dma_start3A_64 : memref<!tpu.dma_semaphore, #tpu.memory_space<semaphore_mem>>)
    %dma_start3A_73 = arith.constant 1 : i32
    %dma_start3A_74 = arith.constant 1 : i32
    %dma_start3A_75 = arith.constant 1 : i32
    %dma_start3A_76 = arith.constant 0 : i32
    %dma_start3A_77 = arith.constant 0 : i32
    %dma_start3A_78 = tpu.memref_slice %arg6[%dma_start3A_74, %dma_start3A_76, %dma_start3A_77] : memref<4x1x125xi32, #tpu.memory_space<vmem>> -> memref<1x1x125xi32, #tpu.memory_space<vmem>>
    %dma_start3A_79 = tpu.memref_squeeze %dma_start3A_78 : memref<1x1x125xi32, #tpu.memory_space<vmem>> -> memref<1x125xi32, #tpu.memory_space<vmem>>
    %dma_start3A_80 = arith.constant 0 : i32
    %dma_start3A_81 = arith.constant 0 : i32
    %dma_start3A_82 = tpu.memref_slice %arg3[%add3A, %dma_start3A_73, %dma_start3A_80, %dma_start3A_81] : memref<32x80x1x125xi32, #tpu.memory_space<hbm>> -> memref<1x1x1x125xi32, #tpu.memory_space<hbm>>
    %dma_start3A_83 = tpu.memref_squeeze %dma_start3A_82 : memref<1x1x1x125xi32, #tpu.memory_space<hbm>> -> memref<1x125xi32, #tpu.memory_space<hbm>>
    %dma_start3A_84 = tpu.memref_slice %arg11[%dma_start3A_75] : memref<4x!tpu.dma_semaphore, #tpu.memory_space<semaphore_mem>> -> memref<1x!tpu.dma_semaphore, #tpu.memory_space<semaphore_mem>>
    %dma_start3A_85 = tpu.memref_squeeze %dma_start3A_84 : memref<1x!tpu.dma_semaphore, #tpu.memory_space<semaphore_mem>> -> memref<!tpu.dma_semaphore, #tpu.memory_space<semaphore_mem>>
    %dma_start3A_86 = arith.constant 0 : i32
    %dma_start3A_87 = arith.constant 0 : i32
    %dma_start3A_88 = tpu.memref_slice %arg6[%dma_start3A_74, %dma_start3A_86, %dma_start3A_87] : memref<4x1x125xi32, #tpu.memory_space<vmem>> -> memref<1x1x125xi32, #tpu.memory_space<vmem>>
    %dma_start3A_89 = tpu.memref_squeeze %dma_start3A_88 : memref<1x1x125xi32, #tpu.memory_space<vmem>> -> memref<1x125xi32, #tpu.memory_space<vmem>>
    %dma_start3A_90 = arith.constant 0 : i32
    %dma_start3A_91 = arith.constant 0 : i32
    %dma_start3A_92 = tpu.memref_slice %arg3[%add3A, %dma_start3A_73, %dma_start3A_90, %dma_start3A_91] : memref<32x80x1x125xi32, #tpu.memory_space<hbm>> -> memref<1x1x1x125xi32, #tpu.memory_space<hbm>>
    %dma_start3A_93 = tpu.memref_squeeze %dma_start3A_92 : memref<1x1x1x125xi32, #tpu.memory_space<hbm>> -> memref<1x125xi32, #tpu.memory_space<hbm>>
    tpu.enqueue_dma source(%dma_start3A_93 : memref<1x125xi32, #tpu.memory_space<hbm>>) target(%dma_start3A_89 : memref<1x125xi32, #tpu.memory_space<vmem>>) target_semaphore(%dma_start3A_85 : memref<!tpu.dma_semaphore, #tpu.memory_space<semaphore_mem>>)
    %dma_start3A_94 = arith.constant 1 : i32
    %dma_start3A_95 = arith.constant 1 : i32
    %dma_start3A_96 = arith.constant 1 : i32
    %dma_start3A_97 = arith.constant 0 : i32
    %dma_start3A_98 = arith.constant 0 : i32
    %dma_start3A_99 = tpu.memref_slice %arg7[%dma_start3A_95, %dma_start3A_97, %dma_start3A_98] : memref<4x1x125xi32, #tpu.memory_space<vmem>> -> memref<1x1x125xi32, #tpu.memory_space<vmem>>
    %dma_start3A_100 = tpu.memref_squeeze %dma_start3A_99 : memref<1x1x125xi32, #tpu.memory_space<vmem>> -> memref<1x125xi32, #tpu.memory_space<vmem>>
    %dma_start3A_101 = arith.constant 0 : i32
    %dma_start3A_102 = arith.constant 0 : i32
    %dma_start3A_103 = tpu.memref_slice %arg4[%add3A, %dma_start3A_94, %dma_start3A_101, %dma_start3A_102] : memref<32x80x1x125xi32, #tpu.memory_space<hbm>> -> memref<1x1x1x125xi32, #tpu.memory_space<hbm>>
    %dma_start3A_104 = tpu.memref_squeeze %dma_start3A_103 : memref<1x1x1x125xi32, #tpu.memory_space<hbm>> -> memref<1x125xi32, #tpu.memory_space<hbm>>
    %dma_start3A_105 = tpu.memref_slice %arg12[%dma_start3A_96] : memref<4x!tpu.dma_semaphore, #tpu.memory_space<semaphore_mem>> -> memref<1x!tpu.dma_semaphore, #tpu.memory_space<semaphore_mem>>
    %dma_start3A_106 = tpu.memref_squeeze %dma_start3A_105 : memref<1x!tpu.dma_semaphore, #tpu.memory_space<semaphore_mem>> -> memref<!tpu.dma_semaphore, #tpu.memory_space<semaphore_mem>>
    %dma_start3A_107 = arith.constant 0 : i32
    %dma_start3A_108 = arith.constant 0 : i32
    %dma_start3A_109 = tpu.memref_slice %arg7[%dma_start3A_95, %dma_start3A_107, %dma_start3A_108] : memref<4x1x125xi32, #tpu.memory_space<vmem>> -> memref<1x1x125xi32, #tpu.memory_space<vmem>>
    %dma_start3A_110 = tpu.memref_squeeze %dma_start3A_109 : memref<1x1x125xi32, #tpu.memory_space<vmem>> -> memref<1x125xi32, #tpu.memory_space<vmem>>
    %dma_start3A_111 = arith.constant 0 : i32
    %dma_start3A_112 = arith.constant 0 : i32
    %dma_start3A_113 = tpu.memref_slice %arg4[%add3A, %dma_start3A_94, %dma_start3A_111, %dma_start3A_112] : memref<32x80x1x125xi32, #tpu.memory_space<hbm>> -> memref<1x1x1x125xi32, #tpu.memory_space<hbm>>
    %dma_start3A_114 = tpu.memref_squeeze %dma_start3A_113 : memref<1x1x1x125xi32, #tpu.memory_space<hbm>> -> memref<1x125xi32, #tpu.memory_space<hbm>>
    tpu.enqueue_dma source(%dma_start3A_114 : memref<1x125xi32, #tpu.memory_space<hbm>>) target(%dma_start3A_110 : memref<1x125xi32, #tpu.memory_space<vmem>>) target_semaphore(%dma_start3A_106 : memref<!tpu.dma_semaphore, #tpu.memory_space<semaphore_mem>>)
    %dma_start3A_115 = arith.constant 2 : i32
    %dma_start3A_116 = arith.constant 2 : i32
    %dma_start3A_117 = arith.constant 2 : i32
    %dma_start3A_118 = arith.constant 0 : i32
    %dma_start3A_119 = arith.constant 0 : i32
    %dma_start3A_120 = tpu.memref_slice %arg6[%dma_start3A_116, %dma_start3A_118, %dma_start3A_119] : memref<4x1x125xi32, #tpu.memory_space<vmem>> -> memref<1x1x125xi32, #tpu.memory_space<vmem>>
    %dma_start3A_121 = tpu.memref_squeeze %dma_start3A_120 : memref<1x1x125xi32, #tpu.memory_space<vmem>> -> memref<1x125xi32, #tpu.memory_space<vmem>>
    %dma_start3A_122 = arith.constant 0 : i32
    %dma_start3A_123 = arith.constant 0 : i32
    %dma_start3A_124 = tpu.memref_slice %arg3[%add3A, %dma_start3A_115, %dma_start3A_122, %dma_start3A_123] : memref<32x80x1x125xi32, #tpu.memory_space<hbm>> -> memref<1x1x1x125xi32, #tpu.memory_space<hbm>>
    %dma_start3A_125 = tpu.memref_squeeze %dma_start3A_124 : memref<1x1x1x125xi32, #tpu.memory_space<hbm>> -> memref<1x125xi32, #tpu.memory_space<hbm>>
    %dma_start3A_126 = tpu.memref_slice %arg11[%dma_start3A_117] : memref<4x!tpu.dma_semaphore, #tpu.memory_space<semaphore_mem>> -> memref<1x!tpu.dma_semaphore, #tpu.memory_space<semaphore_mem>>
    %dma_start3A_127 = tpu.memref_squeeze %dma_start3A_126 : memref<1x!tpu.dma_semaphore, #tpu.memory_space<semaphore_mem>> -> memref<!tpu.dma_semaphore, #tpu.memory_space<semaphore_mem>>
    %dma_start3A_128 = arith.constant 0 : i32
    %dma_start3A_129 = arith.constant 0 : i32
    %dma_start3A_130 = tpu.memref_slice %arg6[%dma_start3A_116, %dma_start3A_128, %dma_start3A_129] : memref<4x1x125xi32, #tpu.memory_space<vmem>> -> memref<1x1x125xi32, #tpu.memory_space<vmem>>
    %dma_start3A_131 = tpu.memref_squeeze %dma_start3A_130 : memref<1x1x125xi32, #tpu.memory_space<vmem>> -> memref<1x125xi32, #tpu.memory_space<vmem>>
    %dma_start3A_132 = arith.constant 0 : i32
    %dma_start3A_133 = arith.constant 0 : i32
    %dma_start3A_134 = tpu.memref_slice %arg3[%add3A, %dma_start3A_115, %dma_start3A_132, %dma_start3A_133] : memref<32x80x1x125xi32, #tpu.memory_space<hbm>> -> memref<1x1x1x125xi32, #tpu.memory_space<hbm>>
    %dma_start3A_135 = tpu.memref_squeeze %dma_start3A_134 : memref<1x1x1x125xi32, #tpu.memory_space<hbm>> -> memref<1x125xi32, #tpu.memory_space<hbm>>
    tpu.enqueue_dma source(%dma_start3A_135 : memref<1x125xi32, #tpu.memory_space<hbm>>) target(%dma_start3A_131 : memref<1x125xi32, #tpu.memory_space<vmem>>) target_semaphore(%dma_start3A_127 : memref<!tpu.dma_semaphore, #tpu.memory_space<semaphore_mem>>)
    %dma_start3A_136 = arith.constant 2 : i32
    %dma_start3A_137 = arith.constant 2 : i32
    %dma_start3A_138 = arith.constant 2 : i32
    %dma_start3A_139 = arith.constant 0 : i32
    %dma_start3A_140 = arith.constant 0 : i32
    %dma_start3A_141 = tpu.memref_slice %arg7[%dma_start3A_137, %dma_start3A_139, %dma_start3A_140] : memref<4x1x125xi32, #tpu.memory_space<vmem>> -> memref<1x1x125xi32, #tpu.memory_space<vmem>>
    %dma_start3A_142 = tpu.memref_squeeze %dma_start3A_141 : memref<1x1x125xi32, #tpu.memory_space<vmem>> -> memref<1x125xi32, #tpu.memory_space<vmem>>
    %dma_start3A_143 = arith.constant 0 : i32
    %dma_start3A_144 = arith.constant 0 : i32
    %dma_start3A_145 = tpu.memref_slice %arg4[%add3A, %dma_start3A_136, %dma_start3A_143, %dma_start3A_144] : memref<32x80x1x125xi32, #tpu.memory_space<hbm>> -> memref<1x1x1x125xi32, #tpu.memory_space<hbm>>
    %dma_start3A_146 = tpu.memref_squeeze %dma_start3A_145 : memref<1x1x1x125xi32, #tpu.memory_space<hbm>> -> memref<1x125xi32, #tpu.memory_space<hbm>>
    %dma_start3A_147 = tpu.memref_slice %arg12[%dma_start3A_138] : memref<4x!tpu.dma_semaphore, #tpu.memory_space<semaphore_mem>> -> memref<1x!tpu.dma_semaphore, #tpu.memory_space<semaphore_mem>>
    %dma_start3A_148 = tpu.memref_squeeze %dma_start3A_147 : memref<1x!tpu.dma_semaphore, #tpu.memory_space<semaphore_mem>> -> memref<!tpu.dma_semaphore, #tpu.memory_space<semaphore_mem>>
    %dma_start3A_149 = arith.constant 0 : i32
    %dma_start3A_150 = arith.constant 0 : i32
    %dma_start3A_151 = tpu.memref_slice %arg7[%dma_start3A_137, %dma_start3A_149, %dma_start3A_150] : memref<4x1x125xi32, #tpu.memory_space<vmem>> -> memref<1x1x125xi32, #tpu.memory_space<vmem>>
    %dma_start3A_152 = tpu.memref_squeeze %dma_start3A_151 : memref<1x1x125xi32, #tpu.memory_space<vmem>> -> memref<1x125xi32, #tpu.memory_space<vmem>>
    %dma_start3A_153 = arith.constant 0 : i32
    %dma_start3A_154 = arith.constant 0 : i32
    %dma_start3A_155 = tpu.memref_slice %arg4[%add3A, %dma_start3A_136, %dma_start3A_153, %dma_start3A_154] : memref<32x80x1x125xi32, #tpu.memory_space<hbm>> -> memref<1x1x1x125xi32, #tpu.memory_space<hbm>>
    %dma_start3A_156 = tpu.memref_squeeze %dma_start3A_155 : memref<1x1x1x125xi32, #tpu.memory_space<hbm>> -> memref<1x125xi32, #tpu.memory_space<hbm>>
    tpu.enqueue_dma source(%dma_start3A_156 : memref<1x125xi32, #tpu.memory_space<hbm>>) target(%dma_start3A_152 : memref<1x125xi32, #tpu.memory_space<vmem>>) target_semaphore(%dma_start3A_148 : memref<!tpu.dma_semaphore, #tpu.memory_space<semaphore_mem>>)
    %dma_wait3A = arith.constant 0 : i32
    %dma_wait3A_157 = arith.constant 0 : i32
    %dma_wait3A_158 = arith.constant 0 : i32
    %dma_wait3A_159 = arith.constant 0 : i32
    %dma_wait3A_160 = arith.constant 0 : i32
    %dma_wait3A_161 = tpu.memref_slice %arg6[%dma_wait3A_157, %dma_wait3A_159, %dma_wait3A_160] : memref<4x1x125xi32, #tpu.memory_space<vmem>> -> memref<1x1x125xi32, #tpu.memory_space<vmem>>
    %dma_wait3A_162 = tpu.memref_squeeze %dma_wait3A_161 : memref<1x1x125xi32, #tpu.memory_space<vmem>> -> memref<1x125xi32, #tpu.memory_space<vmem>>
    %dma_wait3A_163 = arith.constant 0 : i32
    %dma_wait3A_164 = arith.constant 0 : i32
    %dma_wait3A_165 = tpu.memref_slice %arg3[%add3A, %dma_wait3A, %dma_wait3A_163, %dma_wait3A_164] : memref<32x80x1x125xi32, #tpu.memory_space<hbm>> -> memref<1x1x1x125xi32, #tpu.memory_space<hbm>>
    %dma_wait3A_166 = tpu.memref_squeeze %dma_wait3A_165 : memref<1x1x1x125xi32, #tpu.memory_space<hbm>> -> memref<1x125xi32, #tpu.memory_space<hbm>>
    %dma_wait3A_167 = tpu.memref_slice %arg11[%dma_wait3A_158] : memref<4x!tpu.dma_semaphore, #tpu.memory_space<semaphore_mem>> -> memref<1x!tpu.dma_semaphore, #tpu.memory_space<semaphore_mem>>
    %dma_wait3A_168 = tpu.memref_squeeze %dma_wait3A_167 : memref<1x!tpu.dma_semaphore, #tpu.memory_space<semaphore_mem>> -> memref<!tpu.dma_semaphore, #tpu.memory_space<semaphore_mem>>
    %dma_wait3A_169 = arith.constant 0 : i32
    %dma_wait3A_170 = arith.constant 0 : i32
    %dma_wait3A_171 = tpu.memref_slice %arg6[%dma_wait3A_157, %dma_wait3A_169, %dma_wait3A_170] : memref<4x1x125xi32, #tpu.memory_space<vmem>> -> memref<1x1x125xi32, #tpu.memory_space<vmem>>
    %dma_wait3A_172 = tpu.memref_squeeze %dma_wait3A_171 : memref<1x1x125xi32, #tpu.memory_space<vmem>> -> memref<1x125xi32, #tpu.memory_space<vmem>>
    %dma_wait3A_173 = arith.constant 0 : i32
    %dma_wait3A_174 = arith.constant 0 : i32
    %dma_wait3A_175 = tpu.memref_slice %arg3[%add3A, %dma_wait3A, %dma_wait3A_173, %dma_wait3A_174] : memref<32x80x1x125xi32, #tpu.memory_space<hbm>> -> memref<1x1x1x125xi32, #tpu.memory_space<hbm>>
    %dma_wait3A_176 = tpu.memref_squeeze %dma_wait3A_175 : memref<1x1x1x125xi32, #tpu.memory_space<hbm>> -> memref<1x125xi32, #tpu.memory_space<hbm>>
    tpu.wait_dma2 semaphore(%dma_wait3A_168 : memref<!tpu.dma_semaphore, #tpu.memory_space<semaphore_mem>>) src(%dma_wait3A_176 : memref<1x125xi32, #tpu.memory_space<hbm>>) dst(%dma_wait3A_172 : memref<1x125xi32, #tpu.memory_space<vmem>>)
    %dma_wait3A_177 = arith.constant 0 : i32
    %dma_wait3A_178 = arith.constant 0 : i32
    %dma_wait3A_179 = arith.constant 0 : i32
    %dma_wait3A_180 = arith.constant 0 : i32
    %dma_wait3A_181 = arith.constant 0 : i32
    %dma_wait3A_182 = tpu.memref_slice %arg7[%dma_wait3A_178, %dma_wait3A_180, %dma_wait3A_181] : memref<4x1x125xi32, #tpu.memory_space<vmem>> -> memref<1x1x125xi32, #tpu.memory_space<vmem>>
    %dma_wait3A_183 = tpu.memref_squeeze %dma_wait3A_182 : memref<1x1x125xi32, #tpu.memory_space<vmem>> -> memref<1x125xi32, #tpu.memory_space<vmem>>
    %dma_wait3A_184 = arith.constant 0 : i32
    %dma_wait3A_185 = arith.constant 0 : i32
    %dma_wait3A_186 = tpu.memref_slice %arg4[%add3A, %dma_wait3A_177, %dma_wait3A_184, %dma_wait3A_185] : memref<32x80x1x125xi32, #tpu.memory_space<hbm>> -> memref<1x1x1x125xi32, #tpu.memory_space<hbm>>
    %dma_wait3A_187 = tpu.memref_squeeze %dma_wait3A_186 : memref<1x1x1x125xi32, #tpu.memory_space<hbm>> -> memref<1x125xi32, #tpu.memory_space<hbm>>
    %dma_wait3A_188 = tpu.memref_slice %arg12[%dma_wait3A_179] : memref<4x!tpu.dma_semaphore, #tpu.memory_space<semaphore_mem>> -> memref<1x!tpu.dma_semaphore, #tpu.memory_space<semaphore_mem>>
    %dma_wait3A_189 = tpu.memref_squeeze %dma_wait3A_188 : memref<1x!tpu.dma_semaphore, #tpu.memory_space<semaphore_mem>> -> memref<!tpu.dma_semaphore, #tpu.memory_space<semaphore_mem>>
    %dma_wait3A_190 = arith.constant 0 : i32
    %dma_wait3A_191 = arith.constant 0 : i32
    %dma_wait3A_192 = tpu.memref_slice %arg7[%dma_wait3A_178, %dma_wait3A_190, %dma_wait3A_191] : memref<4x1x125xi32, #tpu.memory_space<vmem>> -> memref<1x1x125xi32, #tpu.memory_space<vmem>>
    %dma_wait3A_193 = tpu.memref_squeeze %dma_wait3A_192 : memref<1x1x125xi32, #tpu.memory_space<vmem>> -> memref<1x125xi32, #tpu.memory_space<vmem>>
    %dma_wait3A_194 = arith.constant 0 : i32
    %dma_wait3A_195 = arith.constant 0 : i32
    %dma_wait3A_196 = tpu.memref_slice %arg4[%add3A, %dma_wait3A_177, %dma_wait3A_194, %dma_wait3A_195] : memref<32x80x1x125xi32, #tpu.memory_space<hbm>> -> memref<1x1x1x125xi32, #tpu.memory_space<hbm>>
    %dma_wait3A_197 = tpu.memref_squeeze %dma_wait3A_196 : memref<1x1x1x125xi32, #tpu.memory_space<hbm>> -> memref<1x125xi32, #tpu.memory_space<hbm>>
    tpu.wait_dma2 semaphore(%dma_wait3A_189 : memref<!tpu.dma_semaphore, #tpu.memory_space<semaphore_mem>>) src(%dma_wait3A_197 : memref<1x125xi32, #tpu.memory_space<hbm>>) dst(%dma_wait3A_193 : memref<1x125xi32, #tpu.memory_space<vmem>>)
    %dma_start3A_198 = arith.constant 0 : i32
    %dma_start3A_199 = arith.constant 0 : i32
    %dma_start3A_200 = arith.constant 0 : i32
    %dma_start3A_201 = arith.constant 0 : i32
    %dma_start3A_202 = arith.constant 0 : i32
    %dma_start3A_203 = arith.constant 0 : i32
    %dma_start3A_204 = tpu.memref_slice %arg8[%dma_start3A_200, %dma_start3A_202, %dma_start3A_203] : memref<2x125x128xf32, #tpu.memory_space<vmem>> -> memref<1x125x128xf32, #tpu.memory_space<vmem>>
    %dma_start3A_205 = tpu.memref_squeeze %dma_start3A_204 : memref<1x125x128xf32, #tpu.memory_space<vmem>> -> memref<125x128xf32, #tpu.memory_space<vmem>>
    %dma_start3A_206 = arith.constant 0 : i32
    %dma_start3A_207 = tpu.memref_slice %arg6[%dma_start3A_198, %dma_start3A_199, %dma_start3A_206] : memref<4x1x125xi32, #tpu.memory_space<vmem>> -> memref<1x1x125xi32, #tpu.memory_space<vmem>>
    %dma_start3A_208 = tpu.memref_squeeze %dma_start3A_207 : memref<1x1x125xi32, #tpu.memory_space<vmem>> -> memref<125xi32, #tpu.memory_space<vmem>>
    %dma_start3A_209 = arith.constant 0 : i32
    %dma_start3A_210 = arith.constant 0 : i32
    %dma_start3A_211 = tpu.memref_slice %arg2[%dma_start3A_209, %dma_start3A_210] : memref<100000x128xf32, #tpu.memory_space<hbm>> -> memref<100000x128xf32, #tpu.memory_space<hbm>>
    %dma_start3A_212 = tpu.memref_slice %arg13[%dma_start3A_201] : memref<2x!tpu.dma_semaphore, #tpu.memory_space<semaphore_mem>> -> memref<1x!tpu.dma_semaphore, #tpu.memory_space<semaphore_mem>>
    %dma_start3A_213 = tpu.memref_squeeze %dma_start3A_212 : memref<1x!tpu.dma_semaphore, #tpu.memory_space<semaphore_mem>> -> memref<!tpu.dma_semaphore, #tpu.memory_space<semaphore_mem>>
    tpu.enqueue_indirect_dma source(%dma_start3A_211 : memref<100000x128xf32, #tpu.memory_space<hbm>>) target(%dma_start3A_205 : memref<125x128xf32, #tpu.memory_space<vmem>>) offsets(%dma_start3A_208 : memref<125xi32, #tpu.memory_space<vmem>>) semaphore(%dma_start3A_213 : memref<!tpu.dma_semaphore, #tpu.memory_space<semaphore_mem>>)
    %scan3A_214 = arith.constant 0 : i32
    %scan3A_215 = arith.constant 0 : i32
    %scan3A_216 = arith.constant 19 : i32
    %scan3A_217 = arith.addi %scan3A_215, %scan3A_216 : i32
    %scan3A_218 = arith.constant 1 : i32
    scf.for %scan3A_521 = %scan3A_215 to %scan3A_217 step %scan3A_218  : i32 {
      %mul3A_522 = arith.constant 4 : i32
      %mul3A_523 = arith.muli %mul3A_522, %scan3A_521 : i32
      %add3A_524 = arith.constant 0 : i32
      %add3A_525 = arith.addi %mul3A_523, %add3A_524 : i32
      %add3A_526 = arith.constant 1 : i32
      %add3A_527 = arith.addi %add3A_525, %add3A_526 : i32
      %dma_wait3A_528 = arith.constant 1 : i32
      %dma_wait3A_529 = arith.constant 1 : i32
      %dma_wait3A_530 = arith.constant 0 : i32
      %dma_wait3A_531 = arith.constant 0 : i32
      %dma_wait3A_532 = tpu.memref_slice %arg6[%dma_wait3A_528, %dma_wait3A_530, %dma_wait3A_531] : memref<4x1x125xi32, #tpu.memory_space<vmem>> -> memref<1x1x125xi32, #tpu.memory_space<vmem>>
      %dma_wait3A_533 = tpu.memref_squeeze %dma_wait3A_532 : memref<1x1x125xi32, #tpu.memory_space<vmem>> -> memref<1x125xi32, #tpu.memory_space<vmem>>
      %dma_wait3A_534 = arith.constant 0 : i32
      %dma_wait3A_535 = arith.constant 0 : i32
      %dma_wait3A_536 = tpu.memref_slice %arg3[%add3A, %add3A_527, %dma_wait3A_534, %dma_wait3A_535] : memref<32x80x1x125xi32, #tpu.memory_space<hbm>> -> memref<1x1x1x125xi32, #tpu.memory_space<hbm>>
      %dma_wait3A_537 = tpu.memref_squeeze %dma_wait3A_536 : memref<1x1x1x125xi32, #tpu.memory_space<hbm>> -> memref<1x125xi32, #tpu.memory_space<hbm>>
      %dma_wait3A_538 = tpu.memref_slice %arg11[%dma_wait3A_529] : memref<4x!tpu.dma_semaphore, #tpu.memory_space<semaphore_mem>> -> memref<1x!tpu.dma_semaphore, #tpu.memory_space<semaphore_mem>>
      %dma_wait3A_539 = tpu.memref_squeeze %dma_wait3A_538 : memref<1x!tpu.dma_semaphore, #tpu.memory_space<semaphore_mem>> -> memref<!tpu.dma_semaphore, #tpu.memory_space<semaphore_mem>>
      %dma_wait3A_540 = arith.constant 0 : i32
      %dma_wait3A_541 = arith.constant 0 : i32
      %dma_wait3A_542 = tpu.memref_slice %arg6[%dma_wait3A_528, %dma_wait3A_540, %dma_wait3A_541] : memref<4x1x125xi32, #tpu.memory_space<vmem>> -> memref<1x1x125xi32, #tpu.memory_space<vmem>>
      %dma_wait3A_543 = tpu.memref_squeeze %dma_wait3A_542 : memref<1x1x125xi32, #tpu.memory_space<vmem>> -> memref<1x125xi32, #tpu.memory_space<vmem>>
      %dma_wait3A_544 = arith.constant 0 : i32
      %dma_wait3A_545 = arith.constant 0 : i32
      %dma_wait3A_546 = tpu.memref_slice %arg3[%add3A, %add3A_527, %dma_wait3A_544, %dma_wait3A_545] : memref<32x80x1x125xi32, #tpu.memory_space<hbm>> -> memref<1x1x1x125xi32, #tpu.memory_space<hbm>>
      %dma_wait3A_547 = tpu.memref_squeeze %dma_wait3A_546 : memref<1x1x1x125xi32, #tpu.memory_space<hbm>> -> memref<1x125xi32, #tpu.memory_space<hbm>>
      tpu.wait_dma2 semaphore(%dma_wait3A_539 : memref<!tpu.dma_semaphore, #tpu.memory_space<semaphore_mem>>) src(%dma_wait3A_547 : memref<1x125xi32, #tpu.memory_space<hbm>>) dst(%dma_wait3A_543 : memref<1x125xi32, #tpu.memory_space<vmem>>)
      %dma_wait3A_548 = arith.constant 1 : i32
      %dma_wait3A_549 = arith.constant 1 : i32
      %dma_wait3A_550 = arith.constant 0 : i32
      %dma_wait3A_551 = arith.constant 0 : i32
      %dma_wait3A_552 = tpu.memref_slice %arg7[%dma_wait3A_548, %dma_wait3A_550, %dma_wait3A_551] : memref<4x1x125xi32, #tpu.memory_space<vmem>> -> memref<1x1x125xi32, #tpu.memory_space<vmem>>
      %dma_wait3A_553 = tpu.memref_squeeze %dma_wait3A_552 : memref<1x1x125xi32, #tpu.memory_space<vmem>> -> memref<1x125xi32, #tpu.memory_space<vmem>>
      %dma_wait3A_554 = arith.constant 0 : i32
      %dma_wait3A_555 = arith.constant 0 : i32
      %dma_wait3A_556 = tpu.memref_slice %arg4[%add3A, %add3A_527, %dma_wait3A_554, %dma_wait3A_555] : memref<32x80x1x125xi32, #tpu.memory_space<hbm>> -> memref<1x1x1x125xi32, #tpu.memory_space<hbm>>
      %dma_wait3A_557 = tpu.memref_squeeze %dma_wait3A_556 : memref<1x1x1x125xi32, #tpu.memory_space<hbm>> -> memref<1x125xi32, #tpu.memory_space<hbm>>
      %dma_wait3A_558 = tpu.memref_slice %arg12[%dma_wait3A_549] : memref<4x!tpu.dma_semaphore, #tpu.memory_space<semaphore_mem>> -> memref<1x!tpu.dma_semaphore, #tpu.memory_space<semaphore_mem>>
      %dma_wait3A_559 = tpu.memref_squeeze %dma_wait3A_558 : memref<1x!tpu.dma_semaphore, #tpu.memory_space<semaphore_mem>> -> memref<!tpu.dma_semaphore, #tpu.memory_space<semaphore_mem>>
      %dma_wait3A_560 = arith.constant 0 : i32
      %dma_wait3A_561 = arith.constant 0 : i32
      %dma_wait3A_562 = tpu.memref_slice %arg7[%dma_wait3A_548, %dma_wait3A_560, %dma_wait3A_561] : memref<4x1x125xi32, #tpu.memory_space<vmem>> -> memref<1x1x125xi32, #tpu.memory_space<vmem>>
      %dma_wait3A_563 = tpu.memref_squeeze %dma_wait3A_562 : memref<1x1x125xi32, #tpu.memory_space<vmem>> -> memref<1x125xi32, #tpu.memory_space<vmem>>
      %dma_wait3A_564 = arith.constant 0 : i32
      %dma_wait3A_565 = arith.constant 0 : i32
      %dma_wait3A_566 = tpu.memref_slice %arg4[%add3A, %add3A_527, %dma_wait3A_564, %dma_wait3A_565] : memref<32x80x1x125xi32, #tpu.memory_space<hbm>> -> memref<1x1x1x125xi32, #tpu.memory_space<hbm>>
      %dma_wait3A_567 = tpu.memref_squeeze %dma_wait3A_566 : memref<1x1x1x125xi32, #tpu.memory_space<hbm>> -> memref<1x125xi32, #tpu.memory_space<hbm>>
      tpu.wait_dma2 semaphore(%dma_wait3A_559 : memref<!tpu.dma_semaphore, #tpu.memory_space<semaphore_mem>>) src(%dma_wait3A_567 : memref<1x125xi32, #tpu.memory_space<hbm>>) dst(%dma_wait3A_563 : memref<1x125xi32, #tpu.memory_space<vmem>>)
      %dma_start3A_568 = arith.constant 1 : i32
      %dma_start3A_569 = arith.constant 0 : i32
      %dma_start3A_570 = arith.constant 1 : i32
      %dma_start3A_571 = arith.constant 1 : i32
      %dma_start3A_572 = arith.constant 0 : i32
      %dma_start3A_573 = arith.constant 0 : i32
      %dma_start3A_574 = tpu.memref_slice %arg8[%dma_start3A_570, %dma_start3A_572, %dma_start3A_573] : memref<2x125x128xf32, #tpu.memory_space<vmem>> -> memref<1x125x128xf32, #tpu.memory_space<vmem>>
      %dma_start3A_575 = tpu.memref_squeeze %dma_start3A_574 : memref<1x125x128xf32, #tpu.memory_space<vmem>> -> memref<125x128xf32, #tpu.memory_space<vmem>>
      %dma_start3A_576 = arith.constant 0 : i32
      %dma_start3A_577 = tpu.memref_slice %arg6[%dma_start3A_568, %dma_start3A_569, %dma_start3A_576] : memref<4x1x125xi32, #tpu.memory_space<vmem>> -> memref<1x1x125xi32, #tpu.memory_space<vmem>>
      %dma_start3A_578 = tpu.memref_squeeze %dma_start3A_577 : memref<1x1x125xi32, #tpu.memory_space<vmem>> -> memref<125xi32, #tpu.memory_space<vmem>>
      %dma_start3A_579 = arith.constant 0 : i32
      %dma_start3A_580 = arith.constant 0 : i32
      %dma_start3A_581 = tpu.memref_slice %arg2[%dma_start3A_579, %dma_start3A_580] : memref<100000x128xf32, #tpu.memory_space<hbm>> -> memref<100000x128xf32, #tpu.memory_space<hbm>>
      %dma_start3A_582 = tpu.memref_slice %arg13[%dma_start3A_571] : memref<2x!tpu.dma_semaphore, #tpu.memory_space<semaphore_mem>> -> memref<1x!tpu.dma_semaphore, #tpu.memory_space<semaphore_mem>>
      %dma_start3A_583 = tpu.memref_squeeze %dma_start3A_582 : memref<1x!tpu.dma_semaphore, #tpu.memory_space<semaphore_mem>> -> memref<!tpu.dma_semaphore, #tpu.memory_space<semaphore_mem>>
      tpu.enqueue_indirect_dma source(%dma_start3A_581 : memref<100000x128xf32, #tpu.memory_space<hbm>>) target(%dma_start3A_575 : memref<125x128xf32, #tpu.memory_space<vmem>>) offsets(%dma_start3A_578 : memref<125xi32, #tpu.memory_space<vmem>>) semaphore(%dma_start3A_583 : memref<!tpu.dma_semaphore, #tpu.memory_space<semaphore_mem>>)
      %dma_wait3A_584 = arith.constant 0 : i32
      %dma_wait3A_585 = arith.constant 0 : i32
      %dma_wait3A_586 = arith.constant 0 : i32
      %dma_wait3A_587 = arith.constant 0 : i32
      %dma_wait3A_588 = arith.constant 0 : i32
      %dma_wait3A_589 = arith.constant 0 : i32
      %dma_wait3A_590 = tpu.memref_slice %arg8[%dma_wait3A_586, %dma_wait3A_588, %dma_wait3A_589] : memref<2x125x128xf32, #tpu.memory_space<vmem>> -> memref<1x125x128xf32, #tpu.memory_space<vmem>>
      %dma_wait3A_591 = tpu.memref_squeeze %dma_wait3A_590 : memref<1x125x128xf32, #tpu.memory_space<vmem>> -> memref<125x128xf32, #tpu.memory_space<vmem>>
      %dma_wait3A_592 = arith.constant 0 : i32
      %dma_wait3A_593 = tpu.memref_slice %arg6[%dma_wait3A_584, %dma_wait3A_585, %dma_wait3A_592] : memref<4x1x125xi32, #tpu.memory_space<vmem>> -> memref<1x1x125xi32, #tpu.memory_space<vmem>>
      %dma_wait3A_594 = tpu.memref_squeeze %dma_wait3A_593 : memref<1x1x125xi32, #tpu.memory_space<vmem>> -> memref<125xi32, #tpu.memory_space<vmem>>
      %dma_wait3A_595 = arith.constant 0 : i32
      %dma_wait3A_596 = arith.constant 0 : i32
      %dma_wait3A_597 = tpu.memref_slice %arg2[%dma_wait3A_595, %dma_wait3A_596] : memref<100000x128xf32, #tpu.memory_space<hbm>> -> memref<100000x128xf32, #tpu.memory_space<hbm>>
      %dma_wait3A_598 = tpu.memref_slice %arg13[%dma_wait3A_587] : memref<2x!tpu.dma_semaphore, #tpu.memory_space<semaphore_mem>> -> memref<1x!tpu.dma_semaphore, #tpu.memory_space<semaphore_mem>>
      %dma_wait3A_599 = tpu.memref_squeeze %dma_wait3A_598 : memref<1x!tpu.dma_semaphore, #tpu.memory_space<semaphore_mem>> -> memref<!tpu.dma_semaphore, #tpu.memory_space<semaphore_mem>>
      tpu.wait_indirect_dma semaphore(%dma_wait3A_599 : memref<!tpu.dma_semaphore, #tpu.memory_space<semaphore_mem>>) src(%dma_wait3A_597 : memref<100000x128xf32, #tpu.memory_space<hbm>>) dst(%dma_wait3A_591 : memref<125x128xf32, #tpu.memory_space<vmem>>)
      %run_scoped3A_600 = arith.constant 0 : i32
      %run_scoped3A_601 = arith.constant 0 : i32
      %run_scoped3A_602 = arith.constant 0 : i32
      "tpu.region"() ({
        %run_scoped3A_1008 = tpu.sem_alloc : memref<!tpu.dma_semaphore, #tpu.memory_space<semaphore_mem>>
        %dma_start3A_1009 = arith.constant 0 : i32
        %dma_start3A_1010 = arith.constant 0 : i32
        %dma_start3A_1011 = tpu.memref_slice %arg8[%run_scoped3A_600, %dma_start3A_1009, %dma_start3A_1010] : memref<2x125x128xf32, #tpu.memory_space<vmem>> -> memref<1x125x128xf32, #tpu.memory_space<vmem>>
        %dma_start3A_1012 = tpu.memref_squeeze %dma_start3A_1011 : memref<1x125x128xf32, #tpu.memory_space<vmem>> -> memref<125x128xf32, #tpu.memory_space<vmem>>
        %dma_start3A_1013 = arith.constant 0 : i32
        %dma_start3A_1014 = tpu.memref_slice %arg7[%run_scoped3A_601, %run_scoped3A_602, %dma_start3A_1013] : memref<4x1x125xi32, #tpu.memory_space<vmem>> -> memref<1x1x125xi32, #tpu.memory_space<vmem>>
        %dma_start3A_1015 = tpu.memref_squeeze %dma_start3A_1014 : memref<1x1x125xi32, #tpu.memory_space<vmem>> -> memref<125xi32, #tpu.memory_space<vmem>>
        %dma_start3A_1016 = arith.constant 0 : i32
        %dma_start3A_1017 = arith.constant 0 : i32
        %dma_start3A_1018 = tpu.memref_slice %arg10[%dma_start3A_1016, %dma_start3A_1017] : memref<10008x128xf32, #tpu.memory_space<vmem_shared>> -> memref<10008x128xf32, #tpu.memory_space<vmem_shared>>
        tpu.enqueue_indirect_dma source(%dma_start3A_1012 : memref<125x128xf32, #tpu.memory_space<vmem>>) target(%dma_start3A_1018 : memref<10008x128xf32, #tpu.memory_space<vmem_shared>>) offsets(%dma_start3A_1015 : memref<125xi32, #tpu.memory_space<vmem>>) semaphore(%run_scoped3A_1008 : memref<!tpu.dma_semaphore, #tpu.memory_space<semaphore_mem>>) {add = true}
        %dma_wait3A_1019 = arith.constant 0 : i32
        %dma_wait3A_1020 = arith.constant 0 : i32
        %dma_wait3A_1021 = tpu.memref_slice %arg8[%run_scoped3A_600, %dma_wait3A_1019, %dma_wait3A_1020] : memref<2x125x128xf32, #tpu.memory_space<vmem>> -> memref<1x125x128xf32, #tpu.memory_space<vmem>>
        %dma_wait3A_1022 = tpu.memref_squeeze %dma_wait3A_1021 : memref<1x125x128xf32, #tpu.memory_space<vmem>> -> memref<125x128xf32, #tpu.memory_space<vmem>>
        %dma_wait3A_1023 = arith.constant 0 : i32
        %dma_wait3A_1024 = tpu.memref_slice %arg7[%run_scoped3A_601, %run_scoped3A_602, %dma_wait3A_1023] : memref<4x1x125xi32, #tpu.memory_space<vmem>> -> memref<1x1x125xi32, #tpu.memory_space<vmem>>
        %dma_wait3A_1025 = tpu.memref_squeeze %dma_wait3A_1024 : memref<1x1x125xi32, #tpu.memory_space<vmem>> -> memref<125xi32, #tpu.memory_space<vmem>>
        %dma_wait3A_1026 = arith.constant 0 : i32
        %dma_wait3A_1027 = arith.constant 0 : i32
        %dma_wait3A_1028 = tpu.memref_slice %arg10[%dma_wait3A_1026, %dma_wait3A_1027] : memref<10008x128xf32, #tpu.memory_space<vmem_shared>> -> memref<10008x128xf32, #tpu.memory_space<vmem_shared>>
        tpu.wait_indirect_dma semaphore(%run_scoped3A_1008 : memref<!tpu.dma_semaphore, #tpu.memory_space<semaphore_mem>>) src(%dma_wait3A_1022 : memref<125x128xf32, #tpu.memory_space<vmem>>) dst(%dma_wait3A_1028 : memref<10008x128xf32, #tpu.memory_space<vmem_shared>>)
        tpu.yield
      }) : () -> ()
      %add3A_603 = arith.constant 3 : i32
      %add3A_604 = arith.addi %add3A_525, %add3A_603 : i32
      %dma_start3A_605 = arith.constant 3 : i32
      %dma_start3A_606 = arith.constant 3 : i32
      %dma_start3A_607 = arith.constant 0 : i32
      %dma_start3A_608 = arith.constant 0 : i32
      %dma_start3A_609 = tpu.memref_slice %arg6[%dma_start3A_605, %dma_start3A_607, %dma_start3A_608] : memref<4x1x125xi32, #tpu.memory_space<vmem>> -> memref<1x1x125xi32, #tpu.memory_space<vmem>>
      %dma_start3A_610 = tpu.memref_squeeze %dma_start3A_609 : memref<1x1x125xi32, #tpu.memory_space<vmem>> -> memref<1x125xi32, #tpu.memory_space<vmem>>
      %dma_start3A_611 = arith.constant 0 : i32
      %dma_start3A_612 = arith.constant 0 : i32
      %dma_start3A_613 = tpu.memref_slice %arg3[%add3A, %add3A_604, %dma_start3A_611, %dma_start3A_612] : memref<32x80x1x125xi32, #tpu.memory_space<hbm>> -> memref<1x1x1x125xi32, #tpu.memory_space<hbm>>
      %dma_start3A_614 = tpu.memref_squeeze %dma_start3A_613 : memref<1x1x1x125xi32, #tpu.memory_space<hbm>> -> memref<1x125xi32, #tpu.memory_space<hbm>>
      %dma_start3A_615 = tpu.memref_slice %arg11[%dma_start3A_606] : memref<4x!tpu.dma_semaphore, #tpu.memory_space<semaphore_mem>> -> memref<1x!tpu.dma_semaphore, #tpu.memory_space<semaphore_mem>>
      %dma_start3A_616 = tpu.memref_squeeze %dma_start3A_615 : memref<1x!tpu.dma_semaphore, #tpu.memory_space<semaphore_mem>> -> memref<!tpu.dma_semaphore, #tpu.memory_space<semaphore_mem>>
      %dma_start3A_617 = arith.constant 0 : i32
      %dma_start3A_618 = arith.constant 0 : i32
      %dma_start3A_619 = tpu.memref_slice %arg6[%dma_start3A_605, %dma_start3A_617, %dma_start3A_618] : memref<4x1x125xi32, #tpu.memory_space<vmem>> -> memref<1x1x125xi32, #tpu.memory_space<vmem>>
      %dma_start3A_620 = tpu.memref_squeeze %dma_start3A_619 : memref<1x1x125xi32, #tpu.memory_space<vmem>> -> memref<1x125xi32, #tpu.memory_space<vmem>>
      %dma_start3A_621 = arith.constant 0 : i32
      %dma_start3A_622 = arith.constant 0 : i32
      %dma_start3A_623 = tpu.memref_slice %arg3[%add3A, %add3A_604, %dma_start3A_621, %dma_start3A_622] : memref<32x80x1x125xi32, #tpu.memory_space<hbm>> -> memref<1x1x1x125xi32, #tpu.memory_space<hbm>>
      %dma_start3A_624 = tpu.memref_squeeze %dma_start3A_623 : memref<1x1x1x125xi32, #tpu.memory_space<hbm>> -> memref<1x125xi32, #tpu.memory_space<hbm>>
      tpu.enqueue_dma source(%dma_start3A_624 : memref<1x125xi32, #tpu.memory_space<hbm>>) target(%dma_start3A_620 : memref<1x125xi32, #tpu.memory_space<vmem>>) target_semaphore(%dma_start3A_616 : memref<!tpu.dma_semaphore, #tpu.memory_space<semaphore_mem>>)
      %dma_start3A_625 = arith.constant 3 : i32
      %dma_start3A_626 = arith.constant 3 : i32
      %dma_start3A_627 = arith.constant 0 : i32
      %dma_start3A_628 = arith.constant 0 : i32
      %dma_start3A_629 = tpu.memref_slice %arg7[%dma_start3A_625, %dma_start3A_627, %dma_start3A_628] : memref<4x1x125xi32, #tpu.memory_space<vmem>> -> memref<1x1x125xi32, #tpu.memory_space<vmem>>
      %dma_start3A_630 = tpu.memref_squeeze %dma_start3A_629 : memref<1x1x125xi32, #tpu.memory_space<vmem>> -> memref<1x125xi32, #tpu.memory_space<vmem>>
      %dma_start3A_631 = arith.constant 0 : i32
      %dma_start3A_632 = arith.constant 0 : i32
      %dma_start3A_633 = tpu.memref_slice %arg4[%add3A, %add3A_604, %dma_start3A_631, %dma_start3A_632] : memref<32x80x1x125xi32, #tpu.memory_space<hbm>> -> memref<1x1x1x125xi32, #tpu.memory_space<hbm>>
      %dma_start3A_634 = tpu.memref_squeeze %dma_start3A_633 : memref<1x1x1x125xi32, #tpu.memory_space<hbm>> -> memref<1x125xi32, #tpu.memory_space<hbm>>
      %dma_start3A_635 = tpu.memref_slice %arg12[%dma_start3A_626] : memref<4x!tpu.dma_semaphore, #tpu.memory_space<semaphore_mem>> -> memref<1x!tpu.dma_semaphore, #tpu.memory_space<semaphore_mem>>
      %dma_start3A_636 = tpu.memref_squeeze %dma_start3A_635 : memref<1x!tpu.dma_semaphore, #tpu.memory_space<semaphore_mem>> -> memref<!tpu.dma_semaphore, #tpu.memory_space<semaphore_mem>>
      %dma_start3A_637 = arith.constant 0 : i32
      %dma_start3A_638 = arith.constant 0 : i32
      %dma_start3A_639 = tpu.memref_slice %arg7[%dma_start3A_625, %dma_start3A_637, %dma_start3A_638] : memref<4x1x125xi32, #tpu.memory_space<vmem>> -> memref<1x1x125xi32, #tpu.memory_space<vmem>>
      %dma_start3A_640 = tpu.memref_squeeze %dma_start3A_639 : memref<1x1x125xi32, #tpu.memory_space<vmem>> -> memref<1x125xi32, #tpu.memory_space<vmem>>
      %dma_start3A_641 = arith.constant 0 : i32
      %dma_start3A_642 = arith.constant 0 : i32
      %dma_start3A_643 = tpu.memref_slice %arg4[%add3A, %add3A_604, %dma_start3A_641, %dma_start3A_642] : memref<32x80x1x125xi32, #tpu.memory_space<hbm>> -> memref<1x1x1x125xi32, #tpu.memory_space<hbm>>
      %dma_start3A_644 = tpu.memref_squeeze %dma_start3A_643 : memref<1x1x1x125xi32, #tpu.memory_space<hbm>> -> memref<1x125xi32, #tpu.memory_space<hbm>>
      tpu.enqueue_dma source(%dma_start3A_644 : memref<1x125xi32, #tpu.memory_space<hbm>>) target(%dma_start3A_640 : memref<1x125xi32, #tpu.memory_space<vmem>>) target_semaphore(%dma_start3A_636 : memref<!tpu.dma_semaphore, #tpu.memory_space<semaphore_mem>>)
      %add3A_645 = arith.constant 1 : i32
      %add3A_646 = arith.addi %mul3A_523, %add3A_645 : i32
      %add3A_647 = arith.constant 1 : i32
      %add3A_648 = arith.addi %add3A_646, %add3A_647 : i32
      %dma_wait3A_649 = arith.constant 2 : i32
      %dma_wait3A_650 = arith.constant 2 : i32
      %dma_wait3A_651 = arith.constant 0 : i32
      %dma_wait3A_652 = arith.constant 0 : i32
      %dma_wait3A_653 = tpu.memref_slice %arg6[%dma_wait3A_649, %dma_wait3A_651, %dma_wait3A_652] : memref<4x1x125xi32, #tpu.memory_space<vmem>> -> memref<1x1x125xi32, #tpu.memory_space<vmem>>
      %dma_wait3A_654 = tpu.memref_squeeze %dma_wait3A_653 : memref<1x1x125xi32, #tpu.memory_space<vmem>> -> memref<1x125xi32, #tpu.memory_space<vmem>>
      %dma_wait3A_655 = arith.constant 0 : i32
      %dma_wait3A_656 = arith.constant 0 : i32
      %dma_wait3A_657 = tpu.memref_slice %arg3[%add3A, %add3A_648, %dma_wait3A_655, %dma_wait3A_656] : memref<32x80x1x125xi32, #tpu.memory_space<hbm>> -> memref<1x1x1x125xi32, #tpu.memory_space<hbm>>
      %dma_wait3A_658 = tpu.memref_squeeze %dma_wait3A_657 : memref<1x1x1x125xi32, #tpu.memory_space<hbm>> -> memref<1x125xi32, #tpu.memory_space<hbm>>
      %dma_wait3A_659 = tpu.memref_slice %arg11[%dma_wait3A_650] : memref<4x!tpu.dma_semaphore, #tpu.memory_space<semaphore_mem>> -> memref<1x!tpu.dma_semaphore, #tpu.memory_space<semaphore_mem>>
      %dma_wait3A_660 = tpu.memref_squeeze %dma_wait3A_659 : memref<1x!tpu.dma_semaphore, #tpu.memory_space<semaphore_mem>> -> memref<!tpu.dma_semaphore, #tpu.memory_space<semaphore_mem>>
      %dma_wait3A_661 = arith.constant 0 : i32
      %dma_wait3A_662 = arith.constant 0 : i32
      %dma_wait3A_663 = tpu.memref_slice %arg6[%dma_wait3A_649, %dma_wait3A_661, %dma_wait3A_662] : memref<4x1x125xi32, #tpu.memory_space<vmem>> -> memref<1x1x125xi32, #tpu.memory_space<vmem>>
      %dma_wait3A_664 = tpu.memref_squeeze %dma_wait3A_663 : memref<1x1x125xi32, #tpu.memory_space<vmem>> -> memref<1x125xi32, #tpu.memory_space<vmem>>
      %dma_wait3A_665 = arith.constant 0 : i32
      %dma_wait3A_666 = arith.constant 0 : i32
      %dma_wait3A_667 = tpu.memref_slice %arg3[%add3A, %add3A_648, %dma_wait3A_665, %dma_wait3A_666] : memref<32x80x1x125xi32, #tpu.memory_space<hbm>> -> memref<1x1x1x125xi32, #tpu.memory_space<hbm>>
      %dma_wait3A_668 = tpu.memref_squeeze %dma_wait3A_667 : memref<1x1x1x125xi32, #tpu.memory_space<hbm>> -> memref<1x125xi32, #tpu.memory_space<hbm>>
      tpu.wait_dma2 semaphore(%dma_wait3A_660 : memref<!tpu.dma_semaphore, #tpu.memory_space<semaphore_mem>>) src(%dma_wait3A_668 : memref<1x125xi32, #tpu.memory_space<hbm>>) dst(%dma_wait3A_664 : memref<1x125xi32, #tpu.memory_space<vmem>>)
      %dma_wait3A_669 = arith.constant 2 : i32
      %dma_wait3A_670 = arith.constant 2 : i32
      %dma_wait3A_671 = arith.constant 0 : i32
      %dma_wait3A_672 = arith.constant 0 : i32
      %dma_wait3A_673 = tpu.memref_slice %arg7[%dma_wait3A_669, %dma_wait3A_671, %dma_wait3A_672] : memref<4x1x125xi32, #tpu.memory_space<vmem>> -> memref<1x1x125xi32, #tpu.memory_space<vmem>>
      %dma_wait3A_674 = tpu.memref_squeeze %dma_wait3A_673 : memref<1x1x125xi32, #tpu.memory_space<vmem>> -> memref<1x125xi32, #tpu.memory_space<vmem>>
      %dma_wait3A_675 = arith.constant 0 : i32
      %dma_wait3A_676 = arith.constant 0 : i32
      %dma_wait3A_677 = tpu.memref_slice %arg4[%add3A, %add3A_648, %dma_wait3A_675, %dma_wait3A_676] : memref<32x80x1x125xi32, #tpu.memory_space<hbm>> -> memref<1x1x1x125xi32, #tpu.memory_space<hbm>>
      %dma_wait3A_678 = tpu.memref_squeeze %dma_wait3A_677 : memref<1x1x1x125xi32, #tpu.memory_space<hbm>> -> memref<1x125xi32, #tpu.memory_space<hbm>>
      %dma_wait3A_679 = tpu.memref_slice %arg12[%dma_wait3A_670] : memref<4x!tpu.dma_semaphore, #tpu.memory_space<semaphore_mem>> -> memref<1x!tpu.dma_semaphore, #tpu.memory_space<semaphore_mem>>
      %dma_wait3A_680 = tpu.memref_squeeze %dma_wait3A_679 : memref<1x!tpu.dma_semaphore, #tpu.memory_space<semaphore_mem>> -> memref<!tpu.dma_semaphore, #tpu.memory_space<semaphore_mem>>
      %dma_wait3A_681 = arith.constant 0 : i32
      %dma_wait3A_682 = arith.constant 0 : i32
      %dma_wait3A_683 = tpu.memref_slice %arg7[%dma_wait3A_669, %dma_wait3A_681, %dma_wait3A_682] : memref<4x1x125xi32, #tpu.memory_space<vmem>> -> memref<1x1x125xi32, #tpu.memory_space<vmem>>
      %dma_wait3A_684 = tpu.memref_squeeze %dma_wait3A_683 : memref<1x1x125xi32, #tpu.memory_space<vmem>> -> memref<1x125xi32, #tpu.memory_space<vmem>>
      %dma_wait3A_685 = arith.constant 0 : i32
      %dma_wait3A_686 = arith.constant 0 : i32
      %dma_wait3A_687 = tpu.memref_slice %arg4[%add3A, %add3A_648, %dma_wait3A_685, %dma_wait3A_686] : memref<32x80x1x125xi32, #tpu.memory_space<hbm>> -> memref<1x1x1x125xi32, #tpu.memory_space<hbm>>
      %dma_wait3A_688 = tpu.memref_squeeze %dma_wait3A_687 : memref<1x1x1x125xi32, #tpu.memory_space<hbm>> -> memref<1x125xi32, #tpu.memory_space<hbm>>
      tpu.wait_dma2 semaphore(%dma_wait3A_680 : memref<!tpu.dma_semaphore, #tpu.memory_space<semaphore_mem>>) src(%dma_wait3A_688 : memref<1x125xi32, #tpu.memory_space<hbm>>) dst(%dma_wait3A_684 : memref<1x125xi32, #tpu.memory_space<vmem>>)
      %dma_start3A_689 = arith.constant 2 : i32
      %dma_start3A_690 = arith.constant 0 : i32
      %dma_start3A_691 = arith.constant 0 : i32
      %dma_start3A_692 = arith.constant 0 : i32
      %dma_start3A_693 = arith.constant 0 : i32
      %dma_start3A_694 = arith.constant 0 : i32
      %dma_start3A_695 = tpu.memref_slice %arg8[%dma_start3A_691, %dma_start3A_693, %dma_start3A_694] : memref<2x125x128xf32, #tpu.memory_space<vmem>> -> memref<1x125x128xf32, #tpu.memory_space<vmem>>
      %dma_start3A_696 = tpu.memref_squeeze %dma_start3A_695 : memref<1x125x128xf32, #tpu.memory_space<vmem>> -> memref<125x128xf32, #tpu.memory_space<vmem>>
      %dma_start3A_697 = arith.constant 0 : i32
      %dma_start3A_698 = tpu.memref_slice %arg6[%dma_start3A_689, %dma_start3A_690, %dma_start3A_697] : memref<4x1x125xi32, #tpu.memory_space<vmem>> -> memref<1x1x125xi32, #tpu.memory_space<vmem>>
      %dma_start3A_699 = tpu.memref_squeeze %dma_start3A_698 : memref<1x1x125xi32, #tpu.memory_space<vmem>> -> memref<125xi32, #tpu.memory_space<vmem>>
      %dma_start3A_700 = arith.constant 0 : i32
      %dma_start3A_701 = arith.constant 0 : i32
      %dma_start3A_702 = tpu.memref_slice %arg2[%dma_start3A_700, %dma_start3A_701] : memref<100000x128xf32, #tpu.memory_space<hbm>> -> memref<100000x128xf32, #tpu.memory_space<hbm>>
      %dma_start3A_703 = tpu.memref_slice %arg13[%dma_start3A_692] : memref<2x!tpu.dma_semaphore, #tpu.memory_space<semaphore_mem>> -> memref<1x!tpu.dma_semaphore, #tpu.memory_space<semaphore_mem>>
      %dma_start3A_704 = tpu.memref_squeeze %dma_start3A_703 : memref<1x!tpu.dma_semaphore, #tpu.memory_space<semaphore_mem>> -> memref<!tpu.dma_semaphore, #tpu.memory_space<semaphore_mem>>
      tpu.enqueue_indirect_dma source(%dma_start3A_702 : memref<100000x128xf32, #tpu.memory_space<hbm>>) target(%dma_start3A_696 : memref<125x128xf32, #tpu.memory_space<vmem>>) offsets(%dma_start3A_699 : memref<125xi32, #tpu.memory_space<vmem>>) semaphore(%dma_start3A_704 : memref<!tpu.dma_semaphore, #tpu.memory_space<semaphore_mem>>)
      %dma_wait3A_705 = arith.constant 1 : i32
      %dma_wait3A_706 = arith.constant 0 : i32
      %dma_wait3A_707 = arith.constant 1 : i32
      %dma_wait3A_708 = arith.constant 1 : i32
      %dma_wait3A_709 = arith.constant 0 : i32
      %dma_wait3A_710 = arith.constant 0 : i32
      %dma_wait3A_711 = tpu.memref_slice %arg8[%dma_wait3A_707, %dma_wait3A_709, %dma_wait3A_710] : memref<2x125x128xf32, #tpu.memory_space<vmem>> -> memref<1x125x128xf32, #tpu.memory_space<vmem>>
      %dma_wait3A_712 = tpu.memref_squeeze %dma_wait3A_711 : memref<1x125x128xf32, #tpu.memory_space<vmem>> -> memref<125x128xf32, #tpu.memory_space<vmem>>
      %dma_wait3A_713 = arith.constant 0 : i32
      %dma_wait3A_714 = tpu.memref_slice %arg6[%dma_wait3A_705, %dma_wait3A_706, %dma_wait3A_713] : memref<4x1x125xi32, #tpu.memory_space<vmem>> -> memref<1x1x125xi32, #tpu.memory_space<vmem>>
      %dma_wait3A_715 = tpu.memref_squeeze %dma_wait3A_714 : memref<1x1x125xi32, #tpu.memory_space<vmem>> -> memref<125xi32, #tpu.memory_space<vmem>>
      %dma_wait3A_716 = arith.constant 0 : i32
      %dma_wait3A_717 = arith.constant 0 : i32
      %dma_wait3A_718 = tpu.memref_slice %arg2[%dma_wait3A_716, %dma_wait3A_717] : memref<100000x128xf32, #tpu.memory_space<hbm>> -> memref<100000x128xf32, #tpu.memory_space<hbm>>
      %dma_wait3A_719 = tpu.memref_slice %arg13[%dma_wait3A_708] : memref<2x!tpu.dma_semaphore, #tpu.memory_space<semaphore_mem>> -> memref<1x!tpu.dma_semaphore, #tpu.memory_space<semaphore_mem>>
      %dma_wait3A_720 = tpu.memref_squeeze %dma_wait3A_719 : memref<1x!tpu.dma_semaphore, #tpu.memory_space<semaphore_mem>> -> memref<!tpu.dma_semaphore, #tpu.memory_space<semaphore_mem>>
      tpu.wait_indirect_dma semaphore(%dma_wait3A_720 : memref<!tpu.dma_semaphore, #tpu.memory_space<semaphore_mem>>) src(%dma_wait3A_718 : memref<100000x128xf32, #tpu.memory_space<hbm>>) dst(%dma_wait3A_712 : memref<125x128xf32, #tpu.memory_space<vmem>>)
      %run_scoped3A_721 = arith.constant 1 : i32
      %run_scoped3A_722 = arith.constant 1 : i32
      %run_scoped3A_723 = arith.constant 0 : i32
      "tpu.region"() ({
        %run_scoped3A_1008 = tpu.sem_alloc : memref<!tpu.dma_semaphore, #tpu.memory_space<semaphore_mem>>
        %dma_start3A_1009 = arith.constant 0 : i32
        %dma_start3A_1010 = arith.constant 0 : i32
        %dma_start3A_1011 = tpu.memref_slice %arg8[%run_scoped3A_721, %dma_start3A_1009, %dma_start3A_1010] : memref<2x125x128xf32, #tpu.memory_space<vmem>> -> memref<1x125x128xf32, #tpu.memory_space<vmem>>
        %dma_start3A_1012 = tpu.memref_squeeze %dma_start3A_1011 : memref<1x125x128xf32, #tpu.memory_space<vmem>> -> memref<125x128xf32, #tpu.memory_space<vmem>>
        %dma_start3A_1013 = arith.constant 0 : i32
        %dma_start3A_1014 = tpu.memref_slice %arg7[%run_scoped3A_722, %run_scoped3A_723, %dma_start3A_1013] : memref<4x1x125xi32, #tpu.memory_space<vmem>> -> memref<1x1x125xi32, #tpu.memory_space<vmem>>
        %dma_start3A_1015 = tpu.memref_squeeze %dma_start3A_1014 : memref<1x1x125xi32, #tpu.memory_space<vmem>> -> memref<125xi32, #tpu.memory_space<vmem>>
        %dma_start3A_1016 = arith.constant 0 : i32
        %dma_start3A_1017 = arith.constant 0 : i32
        %dma_start3A_1018 = tpu.memref_slice %arg10[%dma_start3A_1016, %dma_start3A_1017] : memref<10008x128xf32, #tpu.memory_space<vmem_shared>> -> memref<10008x128xf32, #tpu.memory_space<vmem_shared>>
        tpu.enqueue_indirect_dma source(%dma_start3A_1012 : memref<125x128xf32, #tpu.memory_space<vmem>>) target(%dma_start3A_1018 : memref<10008x128xf32, #tpu.memory_space<vmem_shared>>) offsets(%dma_start3A_1015 : memref<125xi32, #tpu.memory_space<vmem>>) semaphore(%run_scoped3A_1008 : memref<!tpu.dma_semaphore, #tpu.memory_space<semaphore_mem>>) {add = true}
        %dma_wait3A_1019 = arith.constant 0 : i32
        %dma_wait3A_1020 = arith.constant 0 : i32
        %dma_wait3A_1021 = tpu.memref_slice %arg8[%run_scoped3A_721, %dma_wait3A_1019, %dma_wait3A_1020] : memref<2x125x128xf32, #tpu.memory_space<vmem>> -> memref<1x125x128xf32, #tpu.memory_space<vmem>>
        %dma_wait3A_1022 = tpu.memref_squeeze %dma_wait3A_1021 : memref<1x125x128xf32, #tpu.memory_space<vmem>> -> memref<125x128xf32, #tpu.memory_space<vmem>>
        %dma_wait3A_1023 = arith.constant 0 : i32
        %dma_wait3A_1024 = tpu.memref_slice %arg7[%run_scoped3A_722, %run_scoped3A_723, %dma_wait3A_1023] : memref<4x1x125xi32, #tpu.memory_space<vmem>> -> memref<1x1x125xi32, #tpu.memory_space<vmem>>
        %dma_wait3A_1025 = tpu.memref_squeeze %dma_wait3A_1024 : memref<1x1x125xi32, #tpu.memory_space<vmem>> -> memref<125xi32, #tpu.memory_space<vmem>>
        %dma_wait3A_1026 = arith.constant 0 : i32
        %dma_wait3A_1027 = arith.constant 0 : i32
        %dma_wait3A_1028 = tpu.memref_slice %arg10[%dma_wait3A_1026, %dma_wait3A_1027] : memref<10008x128xf32, #tpu.memory_space<vmem_shared>> -> memref<10008x128xf32, #tpu.memory_space<vmem_shared>>
        tpu.wait_indirect_dma semaphore(%run_scoped3A_1008 : memref<!tpu.dma_semaphore, #tpu.memory_space<semaphore_mem>>) src(%dma_wait3A_1022 : memref<125x128xf32, #tpu.memory_space<vmem>>) dst(%dma_wait3A_1028 : memref<10008x128xf32, #tpu.memory_space<vmem_shared>>)
        tpu.yield
      }) : () -> ()
      %add3A_724 = arith.constant 3 : i32
      %add3A_725 = arith.addi %add3A_646, %add3A_724 : i32
      %dma_start3A_726 = arith.constant 0 : i32
      %dma_start3A_727 = arith.constant 0 : i32
      %dma_start3A_728 = arith.constant 0 : i32
      %dma_start3A_729 = arith.constant 0 : i32
      %dma_start3A_730 = tpu.memref_slice %arg6[%dma_start3A_726, %dma_start3A_728, %dma_start3A_729] : memref<4x1x125xi32, #tpu.memory_space<vmem>> -> memref<1x1x125xi32, #tpu.memory_space<vmem>>
      %dma_start3A_731 = tpu.memref_squeeze %dma_start3A_730 : memref<1x1x125xi32, #tpu.memory_space<vmem>> -> memref<1x125xi32, #tpu.memory_space<vmem>>
      %dma_start3A_732 = arith.constant 0 : i32
      %dma_start3A_733 = arith.constant 0 : i32
      %dma_start3A_734 = tpu.memref_slice %arg3[%add3A, %add3A_725, %dma_start3A_732, %dma_start3A_733] : memref<32x80x1x125xi32, #tpu.memory_space<hbm>> -> memref<1x1x1x125xi32, #tpu.memory_space<hbm>>
      %dma_start3A_735 = tpu.memref_squeeze %dma_start3A_734 : memref<1x1x1x125xi32, #tpu.memory_space<hbm>> -> memref<1x125xi32, #tpu.memory_space<hbm>>
      %dma_start3A_736 = tpu.memref_slice %arg11[%dma_start3A_727] : memref<4x!tpu.dma_semaphore, #tpu.memory_space<semaphore_mem>> -> memref<1x!tpu.dma_semaphore, #tpu.memory_space<semaphore_mem>>
      %dma_start3A_737 = tpu.memref_squeeze %dma_start3A_736 : memref<1x!tpu.dma_semaphore, #tpu.memory_space<semaphore_mem>> -> memref<!tpu.dma_semaphore, #tpu.memory_space<semaphore_mem>>
      %dma_start3A_738 = arith.constant 0 : i32
      %dma_start3A_739 = arith.constant 0 : i32
      %dma_start3A_740 = tpu.memref_slice %arg6[%dma_start3A_726, %dma_start3A_738, %dma_start3A_739] : memref<4x1x125xi32, #tpu.memory_space<vmem>> -> memref<1x1x125xi32, #tpu.memory_space<vmem>>
      %dma_start3A_741 = tpu.memref_squeeze %dma_start3A_740 : memref<1x1x125xi32, #tpu.memory_space<vmem>> -> memref<1x125xi32, #tpu.memory_space<vmem>>
      %dma_start3A_742 = arith.constant 0 : i32
      %dma_start3A_743 = arith.constant 0 : i32
      %dma_start3A_744 = tpu.memref_slice %arg3[%add3A, %add3A_725, %dma_start3A_742, %dma_start3A_743] : memref<32x80x1x125xi32, #tpu.memory_space<hbm>> -> memref<1x1x1x125xi32, #tpu.memory_space<hbm>>
      %dma_start3A_745 = tpu.memref_squeeze %dma_start3A_744 : memref<1x1x1x125xi32, #tpu.memory_space<hbm>> -> memref<1x125xi32, #tpu.memory_space<hbm>>
      tpu.enqueue_dma source(%dma_start3A_745 : memref<1x125xi32, #tpu.memory_space<hbm>>) target(%dma_start3A_741 : memref<1x125xi32, #tpu.memory_space<vmem>>) target_semaphore(%dma_start3A_737 : memref<!tpu.dma_semaphore, #tpu.memory_space<semaphore_mem>>)
      %dma_start3A_746 = arith.constant 0 : i32
      %dma_start3A_747 = arith.constant 0 : i32
      %dma_start3A_748 = arith.constant 0 : i32
      %dma_start3A_749 = arith.constant 0 : i32
      %dma_start3A_750 = tpu.memref_slice %arg7[%dma_start3A_746, %dma_start3A_748, %dma_start3A_749] : memref<4x1x125xi32, #tpu.memory_space<vmem>> -> memref<1x1x125xi32, #tpu.memory_space<vmem>>
      %dma_start3A_751 = tpu.memref_squeeze %dma_start3A_750 : memref<1x1x125xi32, #tpu.memory_space<vmem>> -> memref<1x125xi32, #tpu.memory_space<vmem>>
      %dma_start3A_752 = arith.constant 0 : i32
      %dma_start3A_753 = arith.constant 0 : i32
      %dma_start3A_754 = tpu.memref_slice %arg4[%add3A, %add3A_725, %dma_start3A_752, %dma_start3A_753] : memref<32x80x1x125xi32, #tpu.memory_space<hbm>> -> memref<1x1x1x125xi32, #tpu.memory_space<hbm>>
      %dma_start3A_755 = tpu.memref_squeeze %dma_start3A_754 : memref<1x1x1x125xi32, #tpu.memory_space<hbm>> -> memref<1x125xi32, #tpu.memory_space<hbm>>
      %dma_start3A_756 = tpu.memref_slice %arg12[%dma_start3A_747] : memref<4x!tpu.dma_semaphore, #tpu.memory_space<semaphore_mem>> -> memref<1x!tpu.dma_semaphore, #tpu.memory_space<semaphore_mem>>
      %dma_start3A_757 = tpu.memref_squeeze %dma_start3A_756 : memref<1x!tpu.dma_semaphore, #tpu.memory_space<semaphore_mem>> -> memref<!tpu.dma_semaphore, #tpu.memory_space<semaphore_mem>>
      %dma_start3A_758 = arith.constant 0 : i32
      %dma_start3A_759 = arith.constant 0 : i32
      %dma_start3A_760 = tpu.memref_slice %arg7[%dma_start3A_746, %dma_start3A_758, %dma_start3A_759] : memref<4x1x125xi32, #tpu.memory_space<vmem>> -> memref<1x1x125xi32, #tpu.memory_space<vmem>>
      %dma_start3A_761 = tpu.memref_squeeze %dma_start3A_760 : memref<1x1x125xi32, #tpu.memory_space<vmem>> -> memref<1x125xi32, #tpu.memory_space<vmem>>
      %dma_start3A_762 = arith.constant 0 : i32
      %dma_start3A_763 = arith.constant 0 : i32
      %dma_start3A_764 = tpu.memref_slice %arg4[%add3A, %add3A_725, %dma_start3A_762, %dma_start3A_763] : memref<32x80x1x125xi32, #tpu.memory_space<hbm>> -> memref<1x1x1x125xi32, #tpu.memory_space<hbm>>
      %dma_start3A_765 = tpu.memref_squeeze %dma_start3A_764 : memref<1x1x1x125xi32, #tpu.memory_space<hbm>> -> memref<1x125xi32, #tpu.memory_space<hbm>>
      tpu.enqueue_dma source(%dma_start3A_765 : memref<1x125xi32, #tpu.memory_space<hbm>>) target(%dma_start3A_761 : memref<1x125xi32, #tpu.memory_space<vmem>>) target_semaphore(%dma_start3A_757 : memref<!tpu.dma_semaphore, #tpu.memory_space<semaphore_mem>>)
      %add3A_766 = arith.constant 2 : i32
      %add3A_767 = arith.addi %mul3A_523, %add3A_766 : i32
      %add3A_768 = arith.constant 1 : i32
      %add3A_769 = arith.addi %add3A_767, %add3A_768 : i32
      %dma_wait3A_770 = arith.constant 3 : i32
      %dma_wait3A_771 = arith.constant 3 : i32
      %dma_wait3A_772 = arith.constant 0 : i32
      %dma_wait3A_773 = arith.constant 0 : i32
      %dma_wait3A_774 = tpu.memref_slice %arg6[%dma_wait3A_770, %dma_wait3A_772, %dma_wait3A_773] : memref<4x1x125xi32, #tpu.memory_space<vmem>> -> memref<1x1x125xi32, #tpu.memory_space<vmem>>
      %dma_wait3A_775 = tpu.memref_squeeze %dma_wait3A_774 : memref<1x1x125xi32, #tpu.memory_space<vmem>> -> memref<1x125xi32, #tpu.memory_space<vmem>>
      %dma_wait3A_776 = arith.constant 0 : i32
      %dma_wait3A_777 = arith.constant 0 : i32
      %dma_wait3A_778 = tpu.memref_slice %arg3[%add3A, %add3A_769, %dma_wait3A_776, %dma_wait3A_777] : memref<32x80x1x125xi32, #tpu.memory_space<hbm>> -> memref<1x1x1x125xi32, #tpu.memory_space<hbm>>
      %dma_wait3A_779 = tpu.memref_squeeze %dma_wait3A_778 : memref<1x1x1x125xi32, #tpu.memory_space<hbm>> -> memref<1x125xi32, #tpu.memory_space<hbm>>
      %dma_wait3A_780 = tpu.memref_slice %arg11[%dma_wait3A_771] : memref<4x!tpu.dma_semaphore, #tpu.memory_space<semaphore_mem>> -> memref<1x!tpu.dma_semaphore, #tpu.memory_space<semaphore_mem>>
      %dma_wait3A_781 = tpu.memref_squeeze %dma_wait3A_780 : memref<1x!tpu.dma_semaphore, #tpu.memory_space<semaphore_mem>> -> memref<!tpu.dma_semaphore, #tpu.memory_space<semaphore_mem>>
      %dma_wait3A_782 = arith.constant 0 : i32
      %dma_wait3A_783 = arith.constant 0 : i32
      %dma_wait3A_784 = tpu.memref_slice %arg6[%dma_wait3A_770, %dma_wait3A_782, %dma_wait3A_783] : memref<4x1x125xi32, #tpu.memory_space<vmem>> -> memref<1x1x125xi32, #tpu.memory_space<vmem>>
      %dma_wait3A_785 = tpu.memref_squeeze %dma_wait3A_784 : memref<1x1x125xi32, #tpu.memory_space<vmem>> -> memref<1x125xi32, #tpu.memory_space<vmem>>
      %dma_wait3A_786 = arith.constant 0 : i32
      %dma_wait3A_787 = arith.constant 0 : i32
      %dma_wait3A_788 = tpu.memref_slice %arg3[%add3A, %add3A_769, %dma_wait3A_786, %dma_wait3A_787] : memref<32x80x1x125xi32, #tpu.memory_space<hbm>> -> memref<1x1x1x125xi32, #tpu.memory_space<hbm>>
      %dma_wait3A_789 = tpu.memref_squeeze %dma_wait3A_788 : memref<1x1x1x125xi32, #tpu.memory_space<hbm>> -> memref<1x125xi32, #tpu.memory_space<hbm>>
      tpu.wait_dma2 semaphore(%dma_wait3A_781 : memref<!tpu.dma_semaphore, #tpu.memory_space<semaphore_mem>>) src(%dma_wait3A_789 : memref<1x125xi32, #tpu.memory_space<hbm>>) dst(%dma_wait3A_785 : memref<1x125xi32, #tpu.memory_space<vmem>>)
      %dma_wait3A_790 = arith.constant 3 : i32
      %dma_wait3A_791 = arith.constant 3 : i32
      %dma_wait3A_792 = arith.constant 0 : i32
      %dma_wait3A_793 = arith.constant 0 : i32
      %dma_wait3A_794 = tpu.memref_slice %arg7[%dma_wait3A_790, %dma_wait3A_792, %dma_wait3A_793] : memref<4x1x125xi32, #tpu.memory_space<vmem>> -> memref<1x1x125xi32, #tpu.memory_space<vmem>>
      %dma_wait3A_795 = tpu.memref_squeeze %dma_wait3A_794 : memref<1x1x125xi32, #tpu.memory_space<vmem>> -> memref<1x125xi32, #tpu.memory_space<vmem>>
      %dma_wait3A_796 = arith.constant 0 : i32
      %dma_wait3A_797 = arith.constant 0 : i32
      %dma_wait3A_798 = tpu.memref_slice %arg4[%add3A, %add3A_769, %dma_wait3A_796, %dma_wait3A_797] : memref<32x80x1x125xi32, #tpu.memory_space<hbm>> -> memref<1x1x1x125xi32, #tpu.memory_space<hbm>>
      %dma_wait3A_799 = tpu.memref_squeeze %dma_wait3A_798 : memref<1x1x1x125xi32, #tpu.memory_space<hbm>> -> memref<1x125xi32, #tpu.memory_space<hbm>>
      %dma_wait3A_800 = tpu.memref_slice %arg12[%dma_wait3A_791] : memref<4x!tpu.dma_semaphore, #tpu.memory_space<semaphore_mem>> -> memref<1x!tpu.dma_semaphore, #tpu.memory_space<semaphore_mem>>
      %dma_wait3A_801 = tpu.memref_squeeze %dma_wait3A_800 : memref<1x!tpu.dma_semaphore, #tpu.memory_space<semaphore_mem>> -> memref<!tpu.dma_semaphore, #tpu.memory_space<semaphore_mem>>
      %dma_wait3A_802 = arith.constant 0 : i32
      %dma_wait3A_803 = arith.constant 0 : i32
      %dma_wait3A_804 = tpu.memref_slice %arg7[%dma_wait3A_790, %dma_wait3A_802, %dma_wait3A_803] : memref<4x1x125xi32, #tpu.memory_space<vmem>> -> memref<1x1x125xi32, #tpu.memory_space<vmem>>
      %dma_wait3A_805 = tpu.memref_squeeze %dma_wait3A_804 : memref<1x1x125xi32, #tpu.memory_space<vmem>> -> memref<1x125xi32, #tpu.memory_space<vmem>>
      %dma_wait3A_806 = arith.constant 0 : i32
      %dma_wait3A_807 = arith.constant 0 : i32
      %dma_wait3A_808 = tpu.memref_slice %arg4[%add3A, %add3A_769, %dma_wait3A_806, %dma_wait3A_807] : memref<32x80x1x125xi32, #tpu.memory_space<hbm>> -> memref<1x1x1x125xi32, #tpu.memory_space<hbm>>
      %dma_wait3A_809 = tpu.memref_squeeze %dma_wait3A_808 : memref<1x1x1x125xi32, #tpu.memory_space<hbm>> -> memref<1x125xi32, #tpu.memory_space<hbm>>
      tpu.wait_dma2 semaphore(%dma_wait3A_801 : memref<!tpu.dma_semaphore, #tpu.memory_space<semaphore_mem>>) src(%dma_wait3A_809 : memref<1x125xi32, #tpu.memory_space<hbm>>) dst(%dma_wait3A_805 : memref<1x125xi32, #tpu.memory_space<vmem>>)
      %dma_start3A_810 = arith.constant 3 : i32
      %dma_start3A_811 = arith.constant 0 : i32
      %dma_start3A_812 = arith.constant 1 : i32
      %dma_start3A_813 = arith.constant 1 : i32
      %dma_start3A_814 = arith.constant 0 : i32
      %dma_start3A_815 = arith.constant 0 : i32
      %dma_start3A_816 = tpu.memref_slice %arg8[%dma_start3A_812, %dma_start3A_814, %dma_start3A_815] : memref<2x125x128xf32, #tpu.memory_space<vmem>> -> memref<1x125x128xf32, #tpu.memory_space<vmem>>
      %dma_start3A_817 = tpu.memref_squeeze %dma_start3A_816 : memref<1x125x128xf32, #tpu.memory_space<vmem>> -> memref<125x128xf32, #tpu.memory_space<vmem>>
      %dma_start3A_818 = arith.constant 0 : i32
      %dma_start3A_819 = tpu.memref_slice %arg6[%dma_start3A_810, %dma_start3A_811, %dma_start3A_818] : memref<4x1x125xi32, #tpu.memory_space<vmem>> -> memref<1x1x125xi32, #tpu.memory_space<vmem>>
      %dma_start3A_820 = tpu.memref_squeeze %dma_start3A_819 : memref<1x1x125xi32, #tpu.memory_space<vmem>> -> memref<125xi32, #tpu.memory_space<vmem>>
      %dma_start3A_821 = arith.constant 0 : i32
      %dma_start3A_822 = arith.constant 0 : i32
      %dma_start3A_823 = tpu.memref_slice %arg2[%dma_start3A_821, %dma_start3A_822] : memref<100000x128xf32, #tpu.memory_space<hbm>> -> memref<100000x128xf32, #tpu.memory_space<hbm>>
      %dma_start3A_824 = tpu.memref_slice %arg13[%dma_start3A_813] : memref<2x!tpu.dma_semaphore, #tpu.memory_space<semaphore_mem>> -> memref<1x!tpu.dma_semaphore, #tpu.memory_space<semaphore_mem>>
      %dma_start3A_825 = tpu.memref_squeeze %dma_start3A_824 : memref<1x!tpu.dma_semaphore, #tpu.memory_space<semaphore_mem>> -> memref<!tpu.dma_semaphore, #tpu.memory_space<semaphore_mem>>
      tpu.enqueue_indirect_dma source(%dma_start3A_823 : memref<100000x128xf32, #tpu.memory_space<hbm>>) target(%dma_start3A_817 : memref<125x128xf32, #tpu.memory_space<vmem>>) offsets(%dma_start3A_820 : memref<125xi32, #tpu.memory_space<vmem>>) semaphore(%dma_start3A_825 : memref<!tpu.dma_semaphore, #tpu.memory_space<semaphore_mem>>)
      %dma_wait3A_826 = arith.constant 2 : i32
      %dma_wait3A_827 = arith.constant 0 : i32
      %dma_wait3A_828 = arith.constant 0 : i32
      %dma_wait3A_829 = arith.constant 0 : i32
      %dma_wait3A_830 = arith.constant 0 : i32
      %dma_wait3A_831 = arith.constant 0 : i32
      %dma_wait3A_832 = tpu.memref_slice %arg8[%dma_wait3A_828, %dma_wait3A_830, %dma_wait3A_831] : memref<2x125x128xf32, #tpu.memory_space<vmem>> -> memref<1x125x128xf32, #tpu.memory_space<vmem>>
      %dma_wait3A_833 = tpu.memref_squeeze %dma_wait3A_832 : memref<1x125x128xf32, #tpu.memory_space<vmem>> -> memref<125x128xf32, #tpu.memory_space<vmem>>
      %dma_wait3A_834 = arith.constant 0 : i32
      %dma_wait3A_835 = tpu.memref_slice %arg6[%dma_wait3A_826, %dma_wait3A_827, %dma_wait3A_834] : memref<4x1x125xi32, #tpu.memory_space<vmem>> -> memref<1x1x125xi32, #tpu.memory_space<vmem>>
      %dma_wait3A_836 = tpu.memref_squeeze %dma_wait3A_835 : memref<1x1x125xi32, #tpu.memory_space<vmem>> -> memref<125xi32, #tpu.memory_space<vmem>>
      %dma_wait3A_837 = arith.constant 0 : i32
      %dma_wait3A_838 = arith.constant 0 : i32
      %dma_wait3A_839 = tpu.memref_slice %arg2[%dma_wait3A_837, %dma_wait3A_838] : memref<100000x128xf32, #tpu.memory_space<hbm>> -> memref<100000x128xf32, #tpu.memory_space<hbm>>
      %dma_wait3A_840 = tpu.memref_slice %arg13[%dma_wait3A_829] : memref<2x!tpu.dma_semaphore, #tpu.memory_space<semaphore_mem>> -> memref<1x!tpu.dma_semaphore, #tpu.memory_space<semaphore_mem>>
      %dma_wait3A_841 = tpu.memref_squeeze %dma_wait3A_840 : memref<1x!tpu.dma_semaphore, #tpu.memory_space<semaphore_mem>> -> memref<!tpu.dma_semaphore, #tpu.memory_space<semaphore_mem>>
      tpu.wait_indirect_dma semaphore(%dma_wait3A_841 : memref<!tpu.dma_semaphore, #tpu.memory_space<semaphore_mem>>) src(%dma_wait3A_839 : memref<100000x128xf32, #tpu.memory_space<hbm>>) dst(%dma_wait3A_833 : memref<125x128xf32, #tpu.memory_space<vmem>>)
      %run_scoped3A_842 = arith.constant 0 : i32
      %run_scoped3A_843 = arith.constant 2 : i32
      %run_scoped3A_844 = arith.constant 0 : i32
      "tpu.region"() ({
        %run_scoped3A_1008 = tpu.sem_alloc : memref<!tpu.dma_semaphore, #tpu.memory_space<semaphore_mem>>
        %dma_start3A_1009 = arith.constant 0 : i32
        %dma_start3A_1010 = arith.constant 0 : i32
        %dma_start3A_1011 = tpu.memref_slice %arg8[%run_scoped3A_842, %dma_start3A_1009, %dma_start3A_1010] : memref<2x125x128xf32, #tpu.memory_space<vmem>> -> memref<1x125x128xf32, #tpu.memory_space<vmem>>
        %dma_start3A_1012 = tpu.memref_squeeze %dma_start3A_1011 : memref<1x125x128xf32, #tpu.memory_space<vmem>> -> memref<125x128xf32, #tpu.memory_space<vmem>>
        %dma_start3A_1013 = arith.constant 0 : i32
        %dma_start3A_1014 = tpu.memref_slice %arg7[%run_scoped3A_843, %run_scoped3A_844, %dma_start3A_1013] : memref<4x1x125xi32, #tpu.memory_space<vmem>> -> memref<1x1x125xi32, #tpu.memory_space<vmem>>
        %dma_start3A_1015 = tpu.memref_squeeze %dma_start3A_1014 : memref<1x1x125xi32, #tpu.memory_space<vmem>> -> memref<125xi32, #tpu.memory_space<vmem>>
        %dma_start3A_1016 = arith.constant 0 : i32
        %dma_start3A_1017 = arith.constant 0 : i32
        %dma_start3A_1018 = tpu.memref_slice %arg10[%dma_start3A_1016, %dma_start3A_1017] : memref<10008x128xf32, #tpu.memory_space<vmem_shared>> -> memref<10008x128xf32, #tpu.memory_space<vmem_shared>>
        tpu.enqueue_indirect_dma source(%dma_start3A_1012 : memref<125x128xf32, #tpu.memory_space<vmem>>) target(%dma_start3A_1018 : memref<10008x128xf32, #tpu.memory_space<vmem_shared>>) offsets(%dma_start3A_1015 : memref<125xi32, #tpu.memory_space<vmem>>) semaphore(%run_scoped3A_1008 : memref<!tpu.dma_semaphore, #tpu.memory_space<semaphore_mem>>) {add = true}
        %dma_wait3A_1019 = arith.constant 0 : i32
        %dma_wait3A_1020 = arith.constant 0 : i32
        %dma_wait3A_1021 = tpu.memref_slice %arg8[%run_scoped3A_842, %dma_wait3A_1019, %dma_wait3A_1020] : memref<2x125x128xf32, #tpu.memory_space<vmem>> -> memref<1x125x128xf32, #tpu.memory_space<vmem>>
        %dma_wait3A_1022 = tpu.memref_squeeze %dma_wait3A_1021 : memref<1x125x128xf32, #tpu.memory_space<vmem>> -> memref<125x128xf32, #tpu.memory_space<vmem>>
        %dma_wait3A_1023 = arith.constant 0 : i32
        %dma_wait3A_1024 = tpu.memref_slice %arg7[%run_scoped3A_843, %run_scoped3A_844, %dma_wait3A_1023] : memref<4x1x125xi32, #tpu.memory_space<vmem>> -> memref<1x1x125xi32, #tpu.memory_space<vmem>>
        %dma_wait3A_1025 = tpu.memref_squeeze %dma_wait3A_1024 : memref<1x1x125xi32, #tpu.memory_space<vmem>> -> memref<125xi32, #tpu.memory_space<vmem>>
        %dma_wait3A_1026 = arith.constant 0 : i32
        %dma_wait3A_1027 = arith.constant 0 : i32
        %dma_wait3A_1028 = tpu.memref_slice %arg10[%dma_wait3A_1026, %dma_wait3A_1027] : memref<10008x128xf32, #tpu.memory_space<vmem_shared>> -> memref<10008x128xf32, #tpu.memory_space<vmem_shared>>
        tpu.wait_indirect_dma semaphore(%run_scoped3A_1008 : memref<!tpu.dma_semaphore, #tpu.memory_space<semaphore_mem>>) src(%dma_wait3A_1022 : memref<125x128xf32, #tpu.memory_space<vmem>>) dst(%dma_wait3A_1028 : memref<10008x128xf32, #tpu.memory_space<vmem_shared>>)
        tpu.yield
      }) : () -> ()
      %add3A_845 = arith.constant 3 : i32
      %add3A_846 = arith.addi %add3A_767, %add3A_845 : i32
      %dma_start3A_847 = arith.constant 1 : i32
      %dma_start3A_848 = arith.constant 1 : i32
      %dma_start3A_849 = arith.constant 0 : i32
      %dma_start3A_850 = arith.constant 0 : i32
      %dma_start3A_851 = tpu.memref_slice %arg6[%dma_start3A_847, %dma_start3A_849, %dma_start3A_850] : memref<4x1x125xi32, #tpu.memory_space<vmem>> -> memref<1x1x125xi32, #tpu.memory_space<vmem>>
      %dma_start3A_852 = tpu.memref_squeeze %dma_start3A_851 : memref<1x1x125xi32, #tpu.memory_space<vmem>> -> memref<1x125xi32, #tpu.memory_space<vmem>>
      %dma_start3A_853 = arith.constant 0 : i32
      %dma_start3A_854 = arith.constant 0 : i32
      %dma_start3A_855 = tpu.memref_slice %arg3[%add3A, %add3A_846, %dma_start3A_853, %dma_start3A_854] : memref<32x80x1x125xi32, #tpu.memory_space<hbm>> -> memref<1x1x1x125xi32, #tpu.memory_space<hbm>>
      %dma_start3A_856 = tpu.memref_squeeze %dma_start3A_855 : memref<1x1x1x125xi32, #tpu.memory_space<hbm>> -> memref<1x125xi32, #tpu.memory_space<hbm>>
      %dma_start3A_857 = tpu.memref_slice %arg11[%dma_start3A_848] : memref<4x!tpu.dma_semaphore, #tpu.memory_space<semaphore_mem>> -> memref<1x!tpu.dma_semaphore, #tpu.memory_space<semaphore_mem>>
      %dma_start3A_858 = tpu.memref_squeeze %dma_start3A_857 : memref<1x!tpu.dma_semaphore, #tpu.memory_space<semaphore_mem>> -> memref<!tpu.dma_semaphore, #tpu.memory_space<semaphore_mem>>
      %dma_start3A_859 = arith.constant 0 : i32
      %dma_start3A_860 = arith.constant 0 : i32
      %dma_start3A_861 = tpu.memref_slice %arg6[%dma_start3A_847, %dma_start3A_859, %dma_start3A_860] : memref<4x1x125xi32, #tpu.memory_space<vmem>> -> memref<1x1x125xi32, #tpu.memory_space<vmem>>
      %dma_start3A_862 = tpu.memref_squeeze %dma_start3A_861 : memref<1x1x125xi32, #tpu.memory_space<vmem>> -> memref<1x125xi32, #tpu.memory_space<vmem>>
      %dma_start3A_863 = arith.constant 0 : i32
      %dma_start3A_864 = arith.constant 0 : i32
      %dma_start3A_865 = tpu.memref_slice %arg3[%add3A, %add3A_846, %dma_start3A_863, %dma_start3A_864] : memref<32x80x1x125xi32, #tpu.memory_space<hbm>> -> memref<1x1x1x125xi32, #tpu.memory_space<hbm>>
      %dma_start3A_866 = tpu.memref_squeeze %dma_start3A_865 : memref<1x1x1x125xi32, #tpu.memory_space<hbm>> -> memref<1x125xi32, #tpu.memory_space<hbm>>
      tpu.enqueue_dma source(%dma_start3A_866 : memref<1x125xi32, #tpu.memory_space<hbm>>) target(%dma_start3A_862 : memref<1x125xi32, #tpu.memory_space<vmem>>) target_semaphore(%dma_start3A_858 : memref<!tpu.dma_semaphore, #tpu.memory_space<semaphore_mem>>)
      %dma_start3A_867 = arith.constant 1 : i32
      %dma_start3A_868 = arith.constant 1 : i32
      %dma_start3A_869 = arith.constant 0 : i32
      %dma_start3A_870 = arith.constant 0 : i32
      %dma_start3A_871 = tpu.memref_slice %arg7[%dma_start3A_867, %dma_start3A_869, %dma_start3A_870] : memref<4x1x125xi32, #tpu.memory_space<vmem>> -> memref<1x1x125xi32, #tpu.memory_space<vmem>>
      %dma_start3A_872 = tpu.memref_squeeze %dma_start3A_871 : memref<1x1x125xi32, #tpu.memory_space<vmem>> -> memref<1x125xi32, #tpu.memory_space<vmem>>
      %dma_start3A_873 = arith.constant 0 : i32
      %dma_start3A_874 = arith.constant 0 : i32
      %dma_start3A_875 = tpu.memref_slice %arg4[%add3A, %add3A_846, %dma_start3A_873, %dma_start3A_874] : memref<32x80x1x125xi32, #tpu.memory_space<hbm>> -> memref<1x1x1x125xi32, #tpu.memory_space<hbm>>
      %dma_start3A_876 = tpu.memref_squeeze %dma_start3A_875 : memref<1x1x1x125xi32, #tpu.memory_space<hbm>> -> memref<1x125xi32, #tpu.memory_space<hbm>>
      %dma_start3A_877 = tpu.memref_slice %arg12[%dma_start3A_868] : memref<4x!tpu.dma_semaphore, #tpu.memory_space<semaphore_mem>> -> memref<1x!tpu.dma_semaphore, #tpu.memory_space<semaphore_mem>>
      %dma_start3A_878 = tpu.memref_squeeze %dma_start3A_877 : memref<1x!tpu.dma_semaphore, #tpu.memory_space<semaphore_mem>> -> memref<!tpu.dma_semaphore, #tpu.memory_space<semaphore_mem>>
      %dma_start3A_879 = arith.constant 0 : i32
      %dma_start3A_880 = arith.constant 0 : i32
      %dma_start3A_881 = tpu.memref_slice %arg7[%dma_start3A_867, %dma_start3A_879, %dma_start3A_880] : memref<4x1x125xi32, #tpu.memory_space<vmem>> -> memref<1x1x125xi32, #tpu.memory_space<vmem>>
      %dma_start3A_882 = tpu.memref_squeeze %dma_start3A_881 : memref<1x1x125xi32, #tpu.memory_space<vmem>> -> memref<1x125xi32, #tpu.memory_space<vmem>>
      %dma_start3A_883 = arith.constant 0 : i32
      %dma_start3A_884 = arith.constant 0 : i32
      %dma_start3A_885 = tpu.memref_slice %arg4[%add3A, %add3A_846, %dma_start3A_883, %dma_start3A_884] : memref<32x80x1x125xi32, #tpu.memory_space<hbm>> -> memref<1x1x1x125xi32, #tpu.memory_space<hbm>>
      %dma_start3A_886 = tpu.memref_squeeze %dma_start3A_885 : memref<1x1x1x125xi32, #tpu.memory_space<hbm>> -> memref<1x125xi32, #tpu.memory_space<hbm>>
      tpu.enqueue_dma source(%dma_start3A_886 : memref<1x125xi32, #tpu.memory_space<hbm>>) target(%dma_start3A_882 : memref<1x125xi32, #tpu.memory_space<vmem>>) target_semaphore(%dma_start3A_878 : memref<!tpu.dma_semaphore, #tpu.memory_space<semaphore_mem>>)
      %add3A_887 = arith.constant 3 : i32
      %add3A_888 = arith.addi %mul3A_523, %add3A_887 : i32
      %add3A_889 = arith.constant 1 : i32
      %add3A_890 = arith.addi %add3A_888, %add3A_889 : i32
      %dma_wait3A_891 = arith.constant 0 : i32
      %dma_wait3A_892 = arith.constant 0 : i32
      %dma_wait3A_893 = arith.constant 0 : i32
      %dma_wait3A_894 = arith.constant 0 : i32
      %dma_wait3A_895 = tpu.memref_slice %arg6[%dma_wait3A_891, %dma_wait3A_893, %dma_wait3A_894] : memref<4x1x125xi32, #tpu.memory_space<vmem>> -> memref<1x1x125xi32, #tpu.memory_space<vmem>>
      %dma_wait3A_896 = tpu.memref_squeeze %dma_wait3A_895 : memref<1x1x125xi32, #tpu.memory_space<vmem>> -> memref<1x125xi32, #tpu.memory_space<vmem>>
      %dma_wait3A_897 = arith.constant 0 : i32
      %dma_wait3A_898 = arith.constant 0 : i32
      %dma_wait3A_899 = tpu.memref_slice %arg3[%add3A, %add3A_890, %dma_wait3A_897, %dma_wait3A_898] : memref<32x80x1x125xi32, #tpu.memory_space<hbm>> -> memref<1x1x1x125xi32, #tpu.memory_space<hbm>>
      %dma_wait3A_900 = tpu.memref_squeeze %dma_wait3A_899 : memref<1x1x1x125xi32, #tpu.memory_space<hbm>> -> memref<1x125xi32, #tpu.memory_space<hbm>>
      %dma_wait3A_901 = tpu.memref_slice %arg11[%dma_wait3A_892] : memref<4x!tpu.dma_semaphore, #tpu.memory_space<semaphore_mem>> -> memref<1x!tpu.dma_semaphore, #tpu.memory_space<semaphore_mem>>
      %dma_wait3A_902 = tpu.memref_squeeze %dma_wait3A_901 : memref<1x!tpu.dma_semaphore, #tpu.memory_space<semaphore_mem>> -> memref<!tpu.dma_semaphore, #tpu.memory_space<semaphore_mem>>
      %dma_wait3A_903 = arith.constant 0 : i32
      %dma_wait3A_904 = arith.constant 0 : i32
      %dma_wait3A_905 = tpu.memref_slice %arg6[%dma_wait3A_891, %dma_wait3A_903, %dma_wait3A_904] : memref<4x1x125xi32, #tpu.memory_space<vmem>> -> memref<1x1x125xi32, #tpu.memory_space<vmem>>
      %dma_wait3A_906 = tpu.memref_squeeze %dma_wait3A_905 : memref<1x1x125xi32, #tpu.memory_space<vmem>> -> memref<1x125xi32, #tpu.memory_space<vmem>>
      %dma_wait3A_907 = arith.constant 0 : i32
      %dma_wait3A_908 = arith.constant 0 : i32
      %dma_wait3A_909 = tpu.memref_slice %arg3[%add3A, %add3A_890, %dma_wait3A_907, %dma_wait3A_908] : memref<32x80x1x125xi32, #tpu.memory_space<hbm>> -> memref<1x1x1x125xi32, #tpu.memory_space<hbm>>
      %dma_wait3A_910 = tpu.memref_squeeze %dma_wait3A_909 : memref<1x1x1x125xi32, #tpu.memory_space<hbm>> -> memref<1x125xi32, #tpu.memory_space<hbm>>
      tpu.wait_dma2 semaphore(%dma_wait3A_902 : memref<!tpu.dma_semaphore, #tpu.memory_space<semaphore_mem>>) src(%dma_wait3A_910 : memref<1x125xi32, #tpu.memory_space<hbm>>) dst(%dma_wait3A_906 : memref<1x125xi32, #tpu.memory_space<vmem>>)
      %dma_wait3A_911 = arith.constant 0 : i32
      %dma_wait3A_912 = arith.constant 0 : i32
      %dma_wait3A_913 = arith.constant 0 : i32
      %dma_wait3A_914 = arith.constant 0 : i32
      %dma_wait3A_915 = tpu.memref_slice %arg7[%dma_wait3A_911, %dma_wait3A_913, %dma_wait3A_914] : memref<4x1x125xi32, #tpu.memory_space<vmem>> -> memref<1x1x125xi32, #tpu.memory_space<vmem>>
      %dma_wait3A_916 = tpu.memref_squeeze %dma_wait3A_915 : memref<1x1x125xi32, #tpu.memory_space<vmem>> -> memref<1x125xi32, #tpu.memory_space<vmem>>
      %dma_wait3A_917 = arith.constant 0 : i32
      %dma_wait3A_918 = arith.constant 0 : i32
      %dma_wait3A_919 = tpu.memref_slice %arg4[%add3A, %add3A_890, %dma_wait3A_917, %dma_wait3A_918] : memref<32x80x1x125xi32, #tpu.memory_space<hbm>> -> memref<1x1x1x125xi32, #tpu.memory_space<hbm>>
      %dma_wait3A_920 = tpu.memref_squeeze %dma_wait3A_919 : memref<1x1x1x125xi32, #tpu.memory_space<hbm>> -> memref<1x125xi32, #tpu.memory_space<hbm>>
      %dma_wait3A_921 = tpu.memref_slice %arg12[%dma_wait3A_912] : memref<4x!tpu.dma_semaphore, #tpu.memory_space<semaphore_mem>> -> memref<1x!tpu.dma_semaphore, #tpu.memory_space<semaphore_mem>>
      %dma_wait3A_922 = tpu.memref_squeeze %dma_wait3A_921 : memref<1x!tpu.dma_semaphore, #tpu.memory_space<semaphore_mem>> -> memref<!tpu.dma_semaphore, #tpu.memory_space<semaphore_mem>>
      %dma_wait3A_923 = arith.constant 0 : i32
      %dma_wait3A_924 = arith.constant 0 : i32
      %dma_wait3A_925 = tpu.memref_slice %arg7[%dma_wait3A_911, %dma_wait3A_923, %dma_wait3A_924] : memref<4x1x125xi32, #tpu.memory_space<vmem>> -> memref<1x1x125xi32, #tpu.memory_space<vmem>>
      %dma_wait3A_926 = tpu.memref_squeeze %dma_wait3A_925 : memref<1x1x125xi32, #tpu.memory_space<vmem>> -> memref<1x125xi32, #tpu.memory_space<vmem>>
      %dma_wait3A_927 = arith.constant 0 : i32
      %dma_wait3A_928 = arith.constant 0 : i32
      %dma_wait3A_929 = tpu.memref_slice %arg4[%add3A, %add3A_890, %dma_wait3A_927, %dma_wait3A_928] : memref<32x80x1x125xi32, #tpu.memory_space<hbm>> -> memref<1x1x1x125xi32, #tpu.memory_space<hbm>>
      %dma_wait3A_930 = tpu.memref_squeeze %dma_wait3A_929 : memref<1x1x1x125xi32, #tpu.memory_space<hbm>> -> memref<1x125xi32, #tpu.memory_space<hbm>>
      tpu.wait_dma2 semaphore(%dma_wait3A_922 : memref<!tpu.dma_semaphore, #tpu.memory_space<semaphore_mem>>) src(%dma_wait3A_930 : memref<1x125xi32, #tpu.memory_space<hbm>>) dst(%dma_wait3A_926 : memref<1x125xi32, #tpu.memory_space<vmem>>)
      %dma_start3A_931 = arith.constant 0 : i32
      %dma_start3A_932 = arith.constant 0 : i32
      %dma_start3A_933 = arith.constant 0 : i32
      %dma_start3A_934 = arith.constant 0 : i32
      %dma_start3A_935 = arith.constant 0 : i32
      %dma_start3A_936 = arith.constant 0 : i32
      %dma_start3A_937 = tpu.memref_slice %arg8[%dma_start3A_933, %dma_start3A_935, %dma_start3A_936] : memref<2x125x128xf32, #tpu.memory_space<vmem>> -> memref<1x125x128xf32, #tpu.memory_space<vmem>>
      %dma_start3A_938 = tpu.memref_squeeze %dma_start3A_937 : memref<1x125x128xf32, #tpu.memory_space<vmem>> -> memref<125x128xf32, #tpu.memory_space<vmem>>
      %dma_start3A_939 = arith.constant 0 : i32
      %dma_start3A_940 = tpu.memref_slice %arg6[%dma_start3A_931, %dma_start3A_932, %dma_start3A_939] : memref<4x1x125xi32, #tpu.memory_space<vmem>> -> memref<1x1x125xi32, #tpu.memory_space<vmem>>
      %dma_start3A_941 = tpu.memref_squeeze %dma_start3A_940 : memref<1x1x125xi32, #tpu.memory_space<vmem>> -> memref<125xi32, #tpu.memory_space<vmem>>
      %dma_start3A_942 = arith.constant 0 : i32
      %dma_start3A_943 = arith.constant 0 : i32
      %dma_start3A_944 = tpu.memref_slice %arg2[%dma_start3A_942, %dma_start3A_943] : memref<100000x128xf32, #tpu.memory_space<hbm>> -> memref<100000x128xf32, #tpu.memory_space<hbm>>
      %dma_start3A_945 = tpu.memref_slice %arg13[%dma_start3A_934] : memref<2x!tpu.dma_semaphore, #tpu.memory_space<semaphore_mem>> -> memref<1x!tpu.dma_semaphore, #tpu.memory_space<semaphore_mem>>
      %dma_start3A_946 = tpu.memref_squeeze %dma_start3A_945 : memref<1x!tpu.dma_semaphore, #tpu.memory_space<semaphore_mem>> -> memref<!tpu.dma_semaphore, #tpu.memory_space<semaphore_mem>>
      tpu.enqueue_indirect_dma source(%dma_start3A_944 : memref<100000x128xf32, #tpu.memory_space<hbm>>) target(%dma_start3A_938 : memref<125x128xf32, #tpu.memory_space<vmem>>) offsets(%dma_start3A_941 : memref<125xi32, #tpu.memory_space<vmem>>) semaphore(%dma_start3A_946 : memref<!tpu.dma_semaphore, #tpu.memory_space<semaphore_mem>>)
      %dma_wait3A_947 = arith.constant 3 : i32
      %dma_wait3A_948 = arith.constant 0 : i32
      %dma_wait3A_949 = arith.constant 1 : i32
      %dma_wait3A_950 = arith.constant 1 : i32
      %dma_wait3A_951 = arith.constant 0 : i32
      %dma_wait3A_952 = arith.constant 0 : i32
      %dma_wait3A_953 = tpu.memref_slice %arg8[%dma_wait3A_949, %dma_wait3A_951, %dma_wait3A_952] : memref<2x125x128xf32, #tpu.memory_space<vmem>> -> memref<1x125x128xf32, #tpu.memory_space<vmem>>
      %dma_wait3A_954 = tpu.memref_squeeze %dma_wait3A_953 : memref<1x125x128xf32, #tpu.memory_space<vmem>> -> memref<125x128xf32, #tpu.memory_space<vmem>>
      %dma_wait3A_955 = arith.constant 0 : i32
      %dma_wait3A_956 = tpu.memref_slice %arg6[%dma_wait3A_947, %dma_wait3A_948, %dma_wait3A_955] : memref<4x1x125xi32, #tpu.memory_space<vmem>> -> memref<1x1x125xi32, #tpu.memory_space<vmem>>
      %dma_wait3A_957 = tpu.memref_squeeze %dma_wait3A_956 : memref<1x1x125xi32, #tpu.memory_space<vmem>> -> memref<125xi32, #tpu.memory_space<vmem>>
      %dma_wait3A_958 = arith.constant 0 : i32
      %dma_wait3A_959 = arith.constant 0 : i32
      %dma_wait3A_960 = tpu.memref_slice %arg2[%dma_wait3A_958, %dma_wait3A_959] : memref<100000x128xf32, #tpu.memory_space<hbm>> -> memref<100000x128xf32, #tpu.memory_space<hbm>>
      %dma_wait3A_961 = tpu.memref_slice %arg13[%dma_wait3A_950] : memref<2x!tpu.dma_semaphore, #tpu.memory_space<semaphore_mem>> -> memref<1x!tpu.dma_semaphore, #tpu.memory_space<semaphore_mem>>
      %dma_wait3A_962 = tpu.memref_squeeze %dma_wait3A_961 : memref<1x!tpu.dma_semaphore, #tpu.memory_space<semaphore_mem>> -> memref<!tpu.dma_semaphore, #tpu.memory_space<semaphore_mem>>
      tpu.wait_indirect_dma semaphore(%dma_wait3A_962 : memref<!tpu.dma_semaphore, #tpu.memory_space<semaphore_mem>>) src(%dma_wait3A_960 : memref<100000x128xf32, #tpu.memory_space<hbm>>) dst(%dma_wait3A_954 : memref<125x128xf32, #tpu.memory_space<vmem>>)
      %run_scoped3A_963 = arith.constant 1 : i32
      %run_scoped3A_964 = arith.constant 3 : i32
      %run_scoped3A_965 = arith.constant 0 : i32
      "tpu.region"() ({
        %run_scoped3A_1008 = tpu.sem_alloc : memref<!tpu.dma_semaphore, #tpu.memory_space<semaphore_mem>>
        %dma_start3A_1009 = arith.constant 0 : i32
        %dma_start3A_1010 = arith.constant 0 : i32
        %dma_start3A_1011 = tpu.memref_slice %arg8[%run_scoped3A_963, %dma_start3A_1009, %dma_start3A_1010] : memref<2x125x128xf32, #tpu.memory_space<vmem>> -> memref<1x125x128xf32, #tpu.memory_space<vmem>>
        %dma_start3A_1012 = tpu.memref_squeeze %dma_start3A_1011 : memref<1x125x128xf32, #tpu.memory_space<vmem>> -> memref<125x128xf32, #tpu.memory_space<vmem>>
        %dma_start3A_1013 = arith.constant 0 : i32
        %dma_start3A_1014 = tpu.memref_slice %arg7[%run_scoped3A_964, %run_scoped3A_965, %dma_start3A_1013] : memref<4x1x125xi32, #tpu.memory_space<vmem>> -> memref<1x1x125xi32, #tpu.memory_space<vmem>>
        %dma_start3A_1015 = tpu.memref_squeeze %dma_start3A_1014 : memref<1x1x125xi32, #tpu.memory_space<vmem>> -> memref<125xi32, #tpu.memory_space<vmem>>
        %dma_start3A_1016 = arith.constant 0 : i32
        %dma_start3A_1017 = arith.constant 0 : i32
        %dma_start3A_1018 = tpu.memref_slice %arg10[%dma_start3A_1016, %dma_start3A_1017] : memref<10008x128xf32, #tpu.memory_space<vmem_shared>> -> memref<10008x128xf32, #tpu.memory_space<vmem_shared>>
        tpu.enqueue_indirect_dma source(%dma_start3A_1012 : memref<125x128xf32, #tpu.memory_space<vmem>>) target(%dma_start3A_1018 : memref<10008x128xf32, #tpu.memory_space<vmem_shared>>) offsets(%dma_start3A_1015 : memref<125xi32, #tpu.memory_space<vmem>>) semaphore(%run_scoped3A_1008 : memref<!tpu.dma_semaphore, #tpu.memory_space<semaphore_mem>>) {add = true}
        %dma_wait3A_1019 = arith.constant 0 : i32
        %dma_wait3A_1020 = arith.constant 0 : i32
        %dma_wait3A_1021 = tpu.memref_slice %arg8[%run_scoped3A_963, %dma_wait3A_1019, %dma_wait3A_1020] : memref<2x125x128xf32, #tpu.memory_space<vmem>> -> memref<1x125x128xf32, #tpu.memory_space<vmem>>
        %dma_wait3A_1022 = tpu.memref_squeeze %dma_wait3A_1021 : memref<1x125x128xf32, #tpu.memory_space<vmem>> -> memref<125x128xf32, #tpu.memory_space<vmem>>
        %dma_wait3A_1023 = arith.constant 0 : i32
        %dma_wait3A_1024 = tpu.memref_slice %arg7[%run_scoped3A_964, %run_scoped3A_965, %dma_wait3A_1023] : memref<4x1x125xi32, #tpu.memory_space<vmem>> -> memref<1x1x125xi32, #tpu.memory_space<vmem>>
        %dma_wait3A_1025 = tpu.memref_squeeze %dma_wait3A_1024 : memref<1x1x125xi32, #tpu.memory_space<vmem>> -> memref<125xi32, #tpu.memory_space<vmem>>
        %dma_wait3A_1026 = arith.constant 0 : i32
        %dma_wait3A_1027 = arith.constant 0 : i32
        %dma_wait3A_1028 = tpu.memref_slice %arg10[%dma_wait3A_1026, %dma_wait3A_1027] : memref<10008x128xf32, #tpu.memory_space<vmem_shared>> -> memref<10008x128xf32, #tpu.memory_space<vmem_shared>>
        tpu.wait_indirect_dma semaphore(%run_scoped3A_1008 : memref<!tpu.dma_semaphore, #tpu.memory_space<semaphore_mem>>) src(%dma_wait3A_1022 : memref<125x128xf32, #tpu.memory_space<vmem>>) dst(%dma_wait3A_1028 : memref<10008x128xf32, #tpu.memory_space<vmem_shared>>)
        tpu.yield
      }) : () -> ()
      %add3A_966 = arith.constant 3 : i32
      %add3A_967 = arith.addi %add3A_888, %add3A_966 : i32
      %dma_start3A_968 = arith.constant 2 : i32
      %dma_start3A_969 = arith.constant 2 : i32
      %dma_start3A_970 = arith.constant 0 : i32
      %dma_start3A_971 = arith.constant 0 : i32
      %dma_start3A_972 = tpu.memref_slice %arg6[%dma_start3A_968, %dma_start3A_970, %dma_start3A_971] : memref<4x1x125xi32, #tpu.memory_space<vmem>> -> memref<1x1x125xi32, #tpu.memory_space<vmem>>
      %dma_start3A_973 = tpu.memref_squeeze %dma_start3A_972 : memref<1x1x125xi32, #tpu.memory_space<vmem>> -> memref<1x125xi32, #tpu.memory_space<vmem>>
      %dma_start3A_974 = arith.constant 0 : i32
      %dma_start3A_975 = arith.constant 0 : i32
      %dma_start3A_976 = tpu.memref_slice %arg3[%add3A, %add3A_967, %dma_start3A_974, %dma_start3A_975] : memref<32x80x1x125xi32, #tpu.memory_space<hbm>> -> memref<1x1x1x125xi32, #tpu.memory_space<hbm>>
      %dma_start3A_977 = tpu.memref_squeeze %dma_start3A_976 : memref<1x1x1x125xi32, #tpu.memory_space<hbm>> -> memref<1x125xi32, #tpu.memory_space<hbm>>
      %dma_start3A_978 = tpu.memref_slice %arg11[%dma_start3A_969] : memref<4x!tpu.dma_semaphore, #tpu.memory_space<semaphore_mem>> -> memref<1x!tpu.dma_semaphore, #tpu.memory_space<semaphore_mem>>
      %dma_start3A_979 = tpu.memref_squeeze %dma_start3A_978 : memref<1x!tpu.dma_semaphore, #tpu.memory_space<semaphore_mem>> -> memref<!tpu.dma_semaphore, #tpu.memory_space<semaphore_mem>>
      %dma_start3A_980 = arith.constant 0 : i32
      %dma_start3A_981 = arith.constant 0 : i32
      %dma_start3A_982 = tpu.memref_slice %arg6[%dma_start3A_968, %dma_start3A_980, %dma_start3A_981] : memref<4x1x125xi32, #tpu.memory_space<vmem>> -> memref<1x1x125xi32, #tpu.memory_space<vmem>>
      %dma_start3A_983 = tpu.memref_squeeze %dma_start3A_982 : memref<1x1x125xi32, #tpu.memory_space<vmem>> -> memref<1x125xi32, #tpu.memory_space<vmem>>
      %dma_start3A_984 = arith.constant 0 : i32
      %dma_start3A_985 = arith.constant 0 : i32
      %dma_start3A_986 = tpu.memref_slice %arg3[%add3A, %add3A_967, %dma_start3A_984, %dma_start3A_985] : memref<32x80x1x125xi32, #tpu.memory_space<hbm>> -> memref<1x1x1x125xi32, #tpu.memory_space<hbm>>
      %dma_start3A_987 = tpu.memref_squeeze %dma_start3A_986 : memref<1x1x1x125xi32, #tpu.memory_space<hbm>> -> memref<1x125xi32, #tpu.memory_space<hbm>>
      tpu.enqueue_dma source(%dma_start3A_987 : memref<1x125xi32, #tpu.memory_space<hbm>>) target(%dma_start3A_983 : memref<1x125xi32, #tpu.memory_space<vmem>>) target_semaphore(%dma_start3A_979 : memref<!tpu.dma_semaphore, #tpu.memory_space<semaphore_mem>>)
      %dma_start3A_988 = arith.constant 2 : i32
      %dma_start3A_989 = arith.constant 2 : i32
      %dma_start3A_990 = arith.constant 0 : i32
      %dma_start3A_991 = arith.constant 0 : i32
      %dma_start3A_992 = tpu.memref_slice %arg7[%dma_start3A_988, %dma_start3A_990, %dma_start3A_991] : memref<4x1x125xi32, #tpu.memory_space<vmem>> -> memref<1x1x125xi32, #tpu.memory_space<vmem>>
      %dma_start3A_993 = tpu.memref_squeeze %dma_start3A_992 : memref<1x1x125xi32, #tpu.memory_space<vmem>> -> memref<1x125xi32, #tpu.memory_space<vmem>>
      %dma_start3A_994 = arith.constant 0 : i32
      %dma_start3A_995 = arith.constant 0 : i32
      %dma_start3A_996 = tpu.memref_slice %arg4[%add3A, %add3A_967, %dma_start3A_994, %dma_start3A_995] : memref<32x80x1x125xi32, #tpu.memory_space<hbm>> -> memref<1x1x1x125xi32, #tpu.memory_space<hbm>>
      %dma_start3A_997 = tpu.memref_squeeze %dma_start3A_996 : memref<1x1x1x125xi32, #tpu.memory_space<hbm>> -> memref<1x125xi32, #tpu.memory_space<hbm>>
      %dma_start3A_998 = tpu.memref_slice %arg12[%dma_start3A_989] : memref<4x!tpu.dma_semaphore, #tpu.memory_space<semaphore_mem>> -> memref<1x!tpu.dma_semaphore, #tpu.memory_space<semaphore_mem>>
      %dma_start3A_999 = tpu.memref_squeeze %dma_start3A_998 : memref<1x!tpu.dma_semaphore, #tpu.memory_space<semaphore_mem>> -> memref<!tpu.dma_semaphore, #tpu.memory_space<semaphore_mem>>
      %dma_start3A_1000 = arith.constant 0 : i32
      %dma_start3A_1001 = arith.constant 0 : i32
      %dma_start3A_1002 = tpu.memref_slice %arg7[%dma_start3A_988, %dma_start3A_1000, %dma_start3A_1001] : memref<4x1x125xi32, #tpu.memory_space<vmem>> -> memref<1x1x125xi32, #tpu.memory_space<vmem>>
      %dma_start3A_1003 = tpu.memref_squeeze %dma_start3A_1002 : memref<1x1x125xi32, #tpu.memory_space<vmem>> -> memref<1x125xi32, #tpu.memory_space<vmem>>
      %dma_start3A_1004 = arith.constant 0 : i32
      %dma_start3A_1005 = arith.constant 0 : i32
      %dma_start3A_1006 = tpu.memref_slice %arg4[%add3A, %add3A_967, %dma_start3A_1004, %dma_start3A_1005] : memref<32x80x1x125xi32, #tpu.memory_space<hbm>> -> memref<1x1x1x125xi32, #tpu.memory_space<hbm>>
      %dma_start3A_1007 = tpu.memref_squeeze %dma_start3A_1006 : memref<1x1x1x125xi32, #tpu.memory_space<hbm>> -> memref<1x125xi32, #tpu.memory_space<hbm>>
      tpu.enqueue_dma source(%dma_start3A_1007 : memref<1x125xi32, #tpu.memory_space<hbm>>) target(%dma_start3A_1003 : memref<1x125xi32, #tpu.memory_space<vmem>>) target_semaphore(%dma_start3A_999 : memref<!tpu.dma_semaphore, #tpu.memory_space<semaphore_mem>>)
    }
    %scan3A_219 = arith.constant 19 : i32
    %dma_wait3A_220 = arith.constant 77 : i32
    %dma_wait3A_221 = arith.constant 1 : i32
    %dma_wait3A_222 = arith.constant 1 : i32
    %dma_wait3A_223 = arith.constant 0 : i32
    %dma_wait3A_224 = arith.constant 0 : i32
    %dma_wait3A_225 = tpu.memref_slice %arg6[%dma_wait3A_221, %dma_wait3A_223, %dma_wait3A_224] : memref<4x1x125xi32, #tpu.memory_space<vmem>> -> memref<1x1x125xi32, #tpu.memory_space<vmem>>
    %dma_wait3A_226 = tpu.memref_squeeze %dma_wait3A_225 : memref<1x1x125xi32, #tpu.memory_space<vmem>> -> memref<1x125xi32, #tpu.memory_space<vmem>>
    %dma_wait3A_227 = arith.constant 0 : i32
    %dma_wait3A_228 = arith.constant 0 : i32
    %dma_wait3A_229 = tpu.memref_slice %arg3[%add3A, %dma_wait3A_220, %dma_wait3A_227, %dma_wait3A_228] : memref<32x80x1x125xi32, #tpu.memory_space<hbm>> -> memref<1x1x1x125xi32, #tpu.memory_space<hbm>>
    %dma_wait3A_230 = tpu.memref_squeeze %dma_wait3A_229 : memref<1x1x1x125xi32, #tpu.memory_space<hbm>> -> memref<1x125xi32, #tpu.memory_space<hbm>>
    %dma_wait3A_231 = tpu.memref_slice %arg11[%dma_wait3A_222] : memref<4x!tpu.dma_semaphore, #tpu.memory_space<semaphore_mem>> -> memref<1x!tpu.dma_semaphore, #tpu.memory_space<semaphore_mem>>
    %dma_wait3A_232 = tpu.memref_squeeze %dma_wait3A_231 : memref<1x!tpu.dma_semaphore, #tpu.memory_space<semaphore_mem>> -> memref<!tpu.dma_semaphore, #tpu.memory_space<semaphore_mem>>
    %dma_wait3A_233 = arith.constant 0 : i32
    %dma_wait3A_234 = arith.constant 0 : i32
    %dma_wait3A_235 = tpu.memref_slice %arg6[%dma_wait3A_221, %dma_wait3A_233, %dma_wait3A_234] : memref<4x1x125xi32, #tpu.memory_space<vmem>> -> memref<1x1x125xi32, #tpu.memory_space<vmem>>
    %dma_wait3A_236 = tpu.memref_squeeze %dma_wait3A_235 : memref<1x1x125xi32, #tpu.memory_space<vmem>> -> memref<1x125xi32, #tpu.memory_space<vmem>>
    %dma_wait3A_237 = arith.constant 0 : i32
    %dma_wait3A_238 = arith.constant 0 : i32
    %dma_wait3A_239 = tpu.memref_slice %arg3[%add3A, %dma_wait3A_220, %dma_wait3A_237, %dma_wait3A_238] : memref<32x80x1x125xi32, #tpu.memory_space<hbm>> -> memref<1x1x1x125xi32, #tpu.memory_space<hbm>>
    %dma_wait3A_240 = tpu.memref_squeeze %dma_wait3A_239 : memref<1x1x1x125xi32, #tpu.memory_space<hbm>> -> memref<1x125xi32, #tpu.memory_space<hbm>>
    tpu.wait_dma2 semaphore(%dma_wait3A_232 : memref<!tpu.dma_semaphore, #tpu.memory_space<semaphore_mem>>) src(%dma_wait3A_240 : memref<1x125xi32, #tpu.memory_space<hbm>>) dst(%dma_wait3A_236 : memref<1x125xi32, #tpu.memory_space<vmem>>)
    %dma_wait3A_241 = arith.constant 77 : i32
    %dma_wait3A_242 = arith.constant 1 : i32
    %dma_wait3A_243 = arith.constant 1 : i32
    %dma_wait3A_244 = arith.constant 0 : i32
    %dma_wait3A_245 = arith.constant 0 : i32
    %dma_wait3A_246 = tpu.memref_slice %arg7[%dma_wait3A_242, %dma_wait3A_244, %dma_wait3A_245] : memref<4x1x125xi32, #tpu.memory_space<vmem>> -> memref<1x1x125xi32, #tpu.memory_space<vmem>>
    %dma_wait3A_247 = tpu.memref_squeeze %dma_wait3A_246 : memref<1x1x125xi32, #tpu.memory_space<vmem>> -> memref<1x125xi32, #tpu.memory_space<vmem>>
    %dma_wait3A_248 = arith.constant 0 : i32
    %dma_wait3A_249 = arith.constant 0 : i32
    %dma_wait3A_250 = tpu.memref_slice %arg4[%add3A, %dma_wait3A_241, %dma_wait3A_248, %dma_wait3A_249] : memref<32x80x1x125xi32, #tpu.memory_space<hbm>> -> memref<1x1x1x125xi32, #tpu.memory_space<hbm>>
    %dma_wait3A_251 = tpu.memref_squeeze %dma_wait3A_250 : memref<1x1x1x125xi32, #tpu.memory_space<hbm>> -> memref<1x125xi32, #tpu.memory_space<hbm>>
    %dma_wait3A_252 = tpu.memref_slice %arg12[%dma_wait3A_243] : memref<4x!tpu.dma_semaphore, #tpu.memory_space<semaphore_mem>> -> memref<1x!tpu.dma_semaphore, #tpu.memory_space<semaphore_mem>>
    %dma_wait3A_253 = tpu.memref_squeeze %dma_wait3A_252 : memref<1x!tpu.dma_semaphore, #tpu.memory_space<semaphore_mem>> -> memref<!tpu.dma_semaphore, #tpu.memory_space<semaphore_mem>>
    %dma_wait3A_254 = arith.constant 0 : i32
    %dma_wait3A_255 = arith.constant 0 : i32
    %dma_wait3A_256 = tpu.memref_slice %arg7[%dma_wait3A_242, %dma_wait3A_254, %dma_wait3A_255] : memref<4x1x125xi32, #tpu.memory_space<vmem>> -> memref<1x1x125xi32, #tpu.memory_space<vmem>>
    %dma_wait3A_257 = tpu.memref_squeeze %dma_wait3A_256 : memref<1x1x125xi32, #tpu.memory_space<vmem>> -> memref<1x125xi32, #tpu.memory_space<vmem>>
    %dma_wait3A_258 = arith.constant 0 : i32
    %dma_wait3A_259 = arith.constant 0 : i32
    %dma_wait3A_260 = tpu.memref_slice %arg4[%add3A, %dma_wait3A_241, %dma_wait3A_258, %dma_wait3A_259] : memref<32x80x1x125xi32, #tpu.memory_space<hbm>> -> memref<1x1x1x125xi32, #tpu.memory_space<hbm>>
    %dma_wait3A_261 = tpu.memref_squeeze %dma_wait3A_260 : memref<1x1x1x125xi32, #tpu.memory_space<hbm>> -> memref<1x125xi32, #tpu.memory_space<hbm>>
    tpu.wait_dma2 semaphore(%dma_wait3A_253 : memref<!tpu.dma_semaphore, #tpu.memory_space<semaphore_mem>>) src(%dma_wait3A_261 : memref<1x125xi32, #tpu.memory_space<hbm>>) dst(%dma_wait3A_257 : memref<1x125xi32, #tpu.memory_space<vmem>>)
    %dma_start3A_262 = arith.constant 1 : i32
    %dma_start3A_263 = arith.constant 0 : i32
    %dma_start3A_264 = arith.constant 1 : i32
    %dma_start3A_265 = arith.constant 1 : i32
    %dma_start3A_266 = arith.constant 0 : i32
    %dma_start3A_267 = arith.constant 0 : i32
    %dma_start3A_268 = tpu.memref_slice %arg8[%dma_start3A_264, %dma_start3A_266, %dma_start3A_267] : memref<2x125x128xf32, #tpu.memory_space<vmem>> -> memref<1x125x128xf32, #tpu.memory_space<vmem>>
    %dma_start3A_269 = tpu.memref_squeeze %dma_start3A_268 : memref<1x125x128xf32, #tpu.memory_space<vmem>> -> memref<125x128xf32, #tpu.memory_space<vmem>>
    %dma_start3A_270 = arith.constant 0 : i32
    %dma_start3A_271 = tpu.memref_slice %arg6[%dma_start3A_262, %dma_start3A_263, %dma_start3A_270] : memref<4x1x125xi32, #tpu.memory_space<vmem>> -> memref<1x1x125xi32, #tpu.memory_space<vmem>>
    %dma_start3A_272 = tpu.memref_squeeze %dma_start3A_271 : memref<1x1x125xi32, #tpu.memory_space<vmem>> -> memref<125xi32, #tpu.memory_space<vmem>>
    %dma_start3A_273 = arith.constant 0 : i32
    %dma_start3A_274 = arith.constant 0 : i32
    %dma_start3A_275 = tpu.memref_slice %arg2[%dma_start3A_273, %dma_start3A_274] : memref<100000x128xf32, #tpu.memory_space<hbm>> -> memref<100000x128xf32, #tpu.memory_space<hbm>>
    %dma_start3A_276 = tpu.memref_slice %arg13[%dma_start3A_265] : memref<2x!tpu.dma_semaphore, #tpu.memory_space<semaphore_mem>> -> memref<1x!tpu.dma_semaphore, #tpu.memory_space<semaphore_mem>>
    %dma_start3A_277 = tpu.memref_squeeze %dma_start3A_276 : memref<1x!tpu.dma_semaphore, #tpu.memory_space<semaphore_mem>> -> memref<!tpu.dma_semaphore, #tpu.memory_space<semaphore_mem>>
    tpu.enqueue_indirect_dma source(%dma_start3A_275 : memref<100000x128xf32, #tpu.memory_space<hbm>>) target(%dma_start3A_269 : memref<125x128xf32, #tpu.memory_space<vmem>>) offsets(%dma_start3A_272 : memref<125xi32, #tpu.memory_space<vmem>>) semaphore(%dma_start3A_277 : memref<!tpu.dma_semaphore, #tpu.memory_space<semaphore_mem>>)
    %dma_wait3A_278 = arith.constant 0 : i32
    %dma_wait3A_279 = arith.constant 0 : i32
    %dma_wait3A_280 = arith.constant 0 : i32
    %dma_wait3A_281 = arith.constant 0 : i32
    %dma_wait3A_282 = arith.constant 0 : i32
    %dma_wait3A_283 = arith.constant 0 : i32
    %dma_wait3A_284 = tpu.memref_slice %arg8[%dma_wait3A_280, %dma_wait3A_282, %dma_wait3A_283] : memref<2x125x128xf32, #tpu.memory_space<vmem>> -> memref<1x125x128xf32, #tpu.memory_space<vmem>>
    %dma_wait3A_285 = tpu.memref_squeeze %dma_wait3A_284 : memref<1x125x128xf32, #tpu.memory_space<vmem>> -> memref<125x128xf32, #tpu.memory_space<vmem>>
    %dma_wait3A_286 = arith.constant 0 : i32
    %dma_wait3A_287 = tpu.memref_slice %arg6[%dma_wait3A_278, %dma_wait3A_279, %dma_wait3A_286] : memref<4x1x125xi32, #tpu.memory_space<vmem>> -> memref<1x1x125xi32, #tpu.memory_space<vmem>>
    %dma_wait3A_288 = tpu.memref_squeeze %dma_wait3A_287 : memref<1x1x125xi32, #tpu.memory_space<vmem>> -> memref<125xi32, #tpu.memory_space<vmem>>
    %dma_wait3A_289 = arith.constant 0 : i32
    %dma_wait3A_290 = arith.constant 0 : i32
    %dma_wait3A_291 = tpu.memref_slice %arg2[%dma_wait3A_289, %dma_wait3A_290] : memref<100000x128xf32, #tpu.memory_space<hbm>> -> memref<100000x128xf32, #tpu.memory_space<hbm>>
    %dma_wait3A_292 = tpu.memref_slice %arg13[%dma_wait3A_281] : memref<2x!tpu.dma_semaphore, #tpu.memory_space<semaphore_mem>> -> memref<1x!tpu.dma_semaphore, #tpu.memory_space<semaphore_mem>>
    %dma_wait3A_293 = tpu.memref_squeeze %dma_wait3A_292 : memref<1x!tpu.dma_semaphore, #tpu.memory_space<semaphore_mem>> -> memref<!tpu.dma_semaphore, #tpu.memory_space<semaphore_mem>>
    tpu.wait_indirect_dma semaphore(%dma_wait3A_293 : memref<!tpu.dma_semaphore, #tpu.memory_space<semaphore_mem>>) src(%dma_wait3A_291 : memref<100000x128xf32, #tpu.memory_space<hbm>>) dst(%dma_wait3A_285 : memref<125x128xf32, #tpu.memory_space<vmem>>)
    %run_scoped3A = arith.constant 0 : i32
    %run_scoped3A_294 = arith.constant 0 : i32
    %run_scoped3A_295 = arith.constant 0 : i32
    "tpu.region"() ({
      %run_scoped3A_521 = tpu.sem_alloc : memref<!tpu.dma_semaphore, #tpu.memory_space<semaphore_mem>>
      %dma_start3A_522 = arith.constant 0 : i32
      %dma_start3A_523 = arith.constant 0 : i32
      %dma_start3A_524 = tpu.memref_slice %arg8[%run_scoped3A, %dma_start3A_522, %dma_start3A_523] : memref<2x125x128xf32, #tpu.memory_space<vmem>> -> memref<1x125x128xf32, #tpu.memory_space<vmem>>
      %dma_start3A_525 = tpu.memref_squeeze %dma_start3A_524 : memref<1x125x128xf32, #tpu.memory_space<vmem>> -> memref<125x128xf32, #tpu.memory_space<vmem>>
      %dma_start3A_526 = arith.constant 0 : i32
      %dma_start3A_527 = tpu.memref_slice %arg7[%run_scoped3A_294, %run_scoped3A_295, %dma_start3A_526] : memref<4x1x125xi32, #tpu.memory_space<vmem>> -> memref<1x1x125xi32, #tpu.memory_space<vmem>>
      %dma_start3A_528 = tpu.memref_squeeze %dma_start3A_527 : memref<1x1x125xi32, #tpu.memory_space<vmem>> -> memref<125xi32, #tpu.memory_space<vmem>>
      %dma_start3A_529 = arith.constant 0 : i32
      %dma_start3A_530 = arith.constant 0 : i32
      %dma_start3A_531 = tpu.memref_slice %arg10[%dma_start3A_529, %dma_start3A_530] : memref<10008x128xf32, #tpu.memory_space<vmem_shared>> -> memref<10008x128xf32, #tpu.memory_space<vmem_shared>>
      tpu.enqueue_indirect_dma source(%dma_start3A_525 : memref<125x128xf32, #tpu.memory_space<vmem>>) target(%dma_start3A_531 : memref<10008x128xf32, #tpu.memory_space<vmem_shared>>) offsets(%dma_start3A_528 : memref<125xi32, #tpu.memory_space<vmem>>) semaphore(%run_scoped3A_521 : memref<!tpu.dma_semaphore, #tpu.memory_space<semaphore_mem>>) {add = true}
      %dma_wait3A_532 = arith.constant 0 : i32
      %dma_wait3A_533 = arith.constant 0 : i32
      %dma_wait3A_534 = tpu.memref_slice %arg8[%run_scoped3A, %dma_wait3A_532, %dma_wait3A_533] : memref<2x125x128xf32, #tpu.memory_space<vmem>> -> memref<1x125x128xf32, #tpu.memory_space<vmem>>
      %dma_wait3A_535 = tpu.memref_squeeze %dma_wait3A_534 : memref<1x125x128xf32, #tpu.memory_space<vmem>> -> memref<125x128xf32, #tpu.memory_space<vmem>>
      %dma_wait3A_536 = arith.constant 0 : i32
      %dma_wait3A_537 = tpu.memref_slice %arg7[%run_scoped3A_294, %run_scoped3A_295, %dma_wait3A_536] : memref<4x1x125xi32, #tpu.memory_space<vmem>> -> memref<1x1x125xi32, #tpu.memory_space<vmem>>
      %dma_wait3A_538 = tpu.memref_squeeze %dma_wait3A_537 : memref<1x1x125xi32, #tpu.memory_space<vmem>> -> memref<125xi32, #tpu.memory_space<vmem>>
      %dma_wait3A_539 = arith.constant 0 : i32
      %dma_wait3A_540 = arith.constant 0 : i32
      %dma_wait3A_541 = tpu.memref_slice %arg10[%dma_wait3A_539, %dma_wait3A_540] : memref<10008x128xf32, #tpu.memory_space<vmem_shared>> -> memref<10008x128xf32, #tpu.memory_space<vmem_shared>>
      tpu.wait_indirect_dma semaphore(%run_scoped3A_521 : memref<!tpu.dma_semaphore, #tpu.memory_space<semaphore_mem>>) src(%dma_wait3A_535 : memref<125x128xf32, #tpu.memory_space<vmem>>) dst(%dma_wait3A_541 : memref<10008x128xf32, #tpu.memory_space<vmem_shared>>)
      tpu.yield
    }) : () -> ()
    %dma_start3A_296 = arith.constant 79 : i32
    %dma_start3A_297 = arith.constant 3 : i32
    %dma_start3A_298 = arith.constant 3 : i32
    %dma_start3A_299 = arith.constant 0 : i32
    %dma_start3A_300 = arith.constant 0 : i32
    %dma_start3A_301 = tpu.memref_slice %arg6[%dma_start3A_297, %dma_start3A_299, %dma_start3A_300] : memref<4x1x125xi32, #tpu.memory_space<vmem>> -> memref<1x1x125xi32, #tpu.memory_space<vmem>>
    %dma_start3A_302 = tpu.memref_squeeze %dma_start3A_301 : memref<1x1x125xi32, #tpu.memory_space<vmem>> -> memref<1x125xi32, #tpu.memory_space<vmem>>
    %dma_start3A_303 = arith.constant 0 : i32
    %dma_start3A_304 = arith.constant 0 : i32
    %dma_start3A_305 = tpu.memref_slice %arg3[%add3A, %dma_start3A_296, %dma_start3A_303, %dma_start3A_304] : memref<32x80x1x125xi32, #tpu.memory_space<hbm>> -> memref<1x1x1x125xi32, #tpu.memory_space<hbm>>
    %dma_start3A_306 = tpu.memref_squeeze %dma_start3A_305 : memref<1x1x1x125xi32, #tpu.memory_space<hbm>> -> memref<1x125xi32, #tpu.memory_space<hbm>>
    %dma_start3A_307 = tpu.memref_slice %arg11[%dma_start3A_298] : memref<4x!tpu.dma_semaphore, #tpu.memory_space<semaphore_mem>> -> memref<1x!tpu.dma_semaphore, #tpu.memory_space<semaphore_mem>>
    %dma_start3A_308 = tpu.memref_squeeze %dma_start3A_307 : memref<1x!tpu.dma_semaphore, #tpu.memory_space<semaphore_mem>> -> memref<!tpu.dma_semaphore, #tpu.memory_space<semaphore_mem>>
    %dma_start3A_309 = arith.constant 0 : i32
    %dma_start3A_310 = arith.constant 0 : i32
    %dma_start3A_311 = tpu.memref_slice %arg6[%dma_start3A_297, %dma_start3A_309, %dma_start3A_310] : memref<4x1x125xi32, #tpu.memory_space<vmem>> -> memref<1x1x125xi32, #tpu.memory_space<vmem>>
    %dma_start3A_312 = tpu.memref_squeeze %dma_start3A_311 : memref<1x1x125xi32, #tpu.memory_space<vmem>> -> memref<1x125xi32, #tpu.memory_space<vmem>>
    %dma_start3A_313 = arith.constant 0 : i32
    %dma_start3A_314 = arith.constant 0 : i32
    %dma_start3A_315 = tpu.memref_slice %arg3[%add3A, %dma_start3A_296, %dma_start3A_313, %dma_start3A_314] : memref<32x80x1x125xi32, #tpu.memory_space<hbm>> -> memref<1x1x1x125xi32, #tpu.memory_space<hbm>>
    %dma_start3A_316 = tpu.memref_squeeze %dma_start3A_315 : memref<1x1x1x125xi32, #tpu.memory_space<hbm>> -> memref<1x125xi32, #tpu.memory_space<hbm>>
    tpu.enqueue_dma source(%dma_start3A_316 : memref<1x125xi32, #tpu.memory_space<hbm>>) target(%dma_start3A_312 : memref<1x125xi32, #tpu.memory_space<vmem>>) target_semaphore(%dma_start3A_308 : memref<!tpu.dma_semaphore, #tpu.memory_space<semaphore_mem>>)
    %dma_start3A_317 = arith.constant 79 : i32
    %dma_start3A_318 = arith.constant 3 : i32
    %dma_start3A_319 = arith.constant 3 : i32
    %dma_start3A_320 = arith.constant 0 : i32
    %dma_start3A_321 = arith.constant 0 : i32
    %dma_start3A_322 = tpu.memref_slice %arg7[%dma_start3A_318, %dma_start3A_320, %dma_start3A_321] : memref<4x1x125xi32, #tpu.memory_space<vmem>> -> memref<1x1x125xi32, #tpu.memory_space<vmem>>
    %dma_start3A_323 = tpu.memref_squeeze %dma_start3A_322 : memref<1x1x125xi32, #tpu.memory_space<vmem>> -> memref<1x125xi32, #tpu.memory_space<vmem>>
    %dma_start3A_324 = arith.constant 0 : i32
    %dma_start3A_325 = arith.constant 0 : i32
    %dma_start3A_326 = tpu.memref_slice %arg4[%add3A, %dma_start3A_317, %dma_start3A_324, %dma_start3A_325] : memref<32x80x1x125xi32, #tpu.memory_space<hbm>> -> memref<1x1x1x125xi32, #tpu.memory_space<hbm>>
    %dma_start3A_327 = tpu.memref_squeeze %dma_start3A_326 : memref<1x1x1x125xi32, #tpu.memory_space<hbm>> -> memref<1x125xi32, #tpu.memory_space<hbm>>
    %dma_start3A_328 = tpu.memref_slice %arg12[%dma_start3A_319] : memref<4x!tpu.dma_semaphore, #tpu.memory_space<semaphore_mem>> -> memref<1x!tpu.dma_semaphore, #tpu.memory_space<semaphore_mem>>
    %dma_start3A_329 = tpu.memref_squeeze %dma_start3A_328 : memref<1x!tpu.dma_semaphore, #tpu.memory_space<semaphore_mem>> -> memref<!tpu.dma_semaphore, #tpu.memory_space<semaphore_mem>>
    %dma_start3A_330 = arith.constant 0 : i32
    %dma_start3A_331 = arith.constant 0 : i32
    %dma_start3A_332 = tpu.memref_slice %arg7[%dma_start3A_318, %dma_start3A_330, %dma_start3A_331] : memref<4x1x125xi32, #tpu.memory_space<vmem>> -> memref<1x1x125xi32, #tpu.memory_space<vmem>>
    %dma_start3A_333 = tpu.memref_squeeze %dma_start3A_332 : memref<1x1x125xi32, #tpu.memory_space<vmem>> -> memref<1x125xi32, #tpu.memory_space<vmem>>
    %dma_start3A_334 = arith.constant 0 : i32
    %dma_start3A_335 = arith.constant 0 : i32
    %dma_start3A_336 = tpu.memref_slice %arg4[%add3A, %dma_start3A_317, %dma_start3A_334, %dma_start3A_335] : memref<32x80x1x125xi32, #tpu.memory_space<hbm>> -> memref<1x1x1x125xi32, #tpu.memory_space<hbm>>
    %dma_start3A_337 = tpu.memref_squeeze %dma_start3A_336 : memref<1x1x1x125xi32, #tpu.memory_space<hbm>> -> memref<1x125xi32, #tpu.memory_space<hbm>>
    tpu.enqueue_dma source(%dma_start3A_337 : memref<1x125xi32, #tpu.memory_space<hbm>>) target(%dma_start3A_333 : memref<1x125xi32, #tpu.memory_space<vmem>>) target_semaphore(%dma_start3A_329 : memref<!tpu.dma_semaphore, #tpu.memory_space<semaphore_mem>>)
    %dma_wait3A_338 = arith.constant 78 : i32
    %dma_wait3A_339 = arith.constant 2 : i32
    %dma_wait3A_340 = arith.constant 2 : i32
    %dma_wait3A_341 = arith.constant 0 : i32
    %dma_wait3A_342 = arith.constant 0 : i32
    %dma_wait3A_343 = tpu.memref_slice %arg6[%dma_wait3A_339, %dma_wait3A_341, %dma_wait3A_342] : memref<4x1x125xi32, #tpu.memory_space<vmem>> -> memref<1x1x125xi32, #tpu.memory_space<vmem>>
    %dma_wait3A_344 = tpu.memref_squeeze %dma_wait3A_343 : memref<1x1x125xi32, #tpu.memory_space<vmem>> -> memref<1x125xi32, #tpu.memory_space<vmem>>
    %dma_wait3A_345 = arith.constant 0 : i32
    %dma_wait3A_346 = arith.constant 0 : i32
    %dma_wait3A_347 = tpu.memref_slice %arg3[%add3A, %dma_wait3A_338, %dma_wait3A_345, %dma_wait3A_346] : memref<32x80x1x125xi32, #tpu.memory_space<hbm>> -> memref<1x1x1x125xi32, #tpu.memory_space<hbm>>
    %dma_wait3A_348 = tpu.memref_squeeze %dma_wait3A_347 : memref<1x1x1x125xi32, #tpu.memory_space<hbm>> -> memref<1x125xi32, #tpu.memory_space<hbm>>
    %dma_wait3A_349 = tpu.memref_slice %arg11[%dma_wait3A_340] : memref<4x!tpu.dma_semaphore, #tpu.memory_space<semaphore_mem>> -> memref<1x!tpu.dma_semaphore, #tpu.memory_space<semaphore_mem>>
    %dma_wait3A_350 = tpu.memref_squeeze %dma_wait3A_349 : memref<1x!tpu.dma_semaphore, #tpu.memory_space<semaphore_mem>> -> memref<!tpu.dma_semaphore, #tpu.memory_space<semaphore_mem>>
    %dma_wait3A_351 = arith.constant 0 : i32
    %dma_wait3A_352 = arith.constant 0 : i32
    %dma_wait3A_353 = tpu.memref_slice %arg6[%dma_wait3A_339, %dma_wait3A_351, %dma_wait3A_352] : memref<4x1x125xi32, #tpu.memory_space<vmem>> -> memref<1x1x125xi32, #tpu.memory_space<vmem>>
    %dma_wait3A_354 = tpu.memref_squeeze %dma_wait3A_353 : memref<1x1x125xi32, #tpu.memory_space<vmem>> -> memref<1x125xi32, #tpu.memory_space<vmem>>
    %dma_wait3A_355 = arith.constant 0 : i32
    %dma_wait3A_356 = arith.constant 0 : i32
    %dma_wait3A_357 = tpu.memref_slice %arg3[%add3A, %dma_wait3A_338, %dma_wait3A_355, %dma_wait3A_356] : memref<32x80x1x125xi32, #tpu.memory_space<hbm>> -> memref<1x1x1x125xi32, #tpu.memory_space<hbm>>
    %dma_wait3A_358 = tpu.memref_squeeze %dma_wait3A_357 : memref<1x1x1x125xi32, #tpu.memory_space<hbm>> -> memref<1x125xi32, #tpu.memory_space<hbm>>
    tpu.wait_dma2 semaphore(%dma_wait3A_350 : memref<!tpu.dma_semaphore, #tpu.memory_space<semaphore_mem>>) src(%dma_wait3A_358 : memref<1x125xi32, #tpu.memory_space<hbm>>) dst(%dma_wait3A_354 : memref<1x125xi32, #tpu.memory_space<vmem>>)
    %dma_wait3A_359 = arith.constant 78 : i32
    %dma_wait3A_360 = arith.constant 2 : i32
    %dma_wait3A_361 = arith.constant 2 : i32
    %dma_wait3A_362 = arith.constant 0 : i32
    %dma_wait3A_363 = arith.constant 0 : i32
    %dma_wait3A_364 = tpu.memref_slice %arg7[%dma_wait3A_360, %dma_wait3A_362, %dma_wait3A_363] : memref<4x1x125xi32, #tpu.memory_space<vmem>> -> memref<1x1x125xi32, #tpu.memory_space<vmem>>
    %dma_wait3A_365 = tpu.memref_squeeze %dma_wait3A_364 : memref<1x1x125xi32, #tpu.memory_space<vmem>> -> memref<1x125xi32, #tpu.memory_space<vmem>>
    %dma_wait3A_366 = arith.constant 0 : i32
    %dma_wait3A_367 = arith.constant 0 : i32
    %dma_wait3A_368 = tpu.memref_slice %arg4[%add3A, %dma_wait3A_359, %dma_wait3A_366, %dma_wait3A_367] : memref<32x80x1x125xi32, #tpu.memory_space<hbm>> -> memref<1x1x1x125xi32, #tpu.memory_space<hbm>>
    %dma_wait3A_369 = tpu.memref_squeeze %dma_wait3A_368 : memref<1x1x1x125xi32, #tpu.memory_space<hbm>> -> memref<1x125xi32, #tpu.memory_space<hbm>>
    %dma_wait3A_370 = tpu.memref_slice %arg12[%dma_wait3A_361] : memref<4x!tpu.dma_semaphore, #tpu.memory_space<semaphore_mem>> -> memref<1x!tpu.dma_semaphore, #tpu.memory_space<semaphore_mem>>
    %dma_wait3A_371 = tpu.memref_squeeze %dma_wait3A_370 : memref<1x!tpu.dma_semaphore, #tpu.memory_space<semaphore_mem>> -> memref<!tpu.dma_semaphore, #tpu.memory_space<semaphore_mem>>
    %dma_wait3A_372 = arith.constant 0 : i32
    %dma_wait3A_373 = arith.constant 0 : i32
    %dma_wait3A_374 = tpu.memref_slice %arg7[%dma_wait3A_360, %dma_wait3A_372, %dma_wait3A_373] : memref<4x1x125xi32, #tpu.memory_space<vmem>> -> memref<1x1x125xi32, #tpu.memory_space<vmem>>
    %dma_wait3A_375 = tpu.memref_squeeze %dma_wait3A_374 : memref<1x1x125xi32, #tpu.memory_space<vmem>> -> memref<1x125xi32, #tpu.memory_space<vmem>>
    %dma_wait3A_376 = arith.constant 0 : i32
    %dma_wait3A_377 = arith.constant 0 : i32
    %dma_wait3A_378 = tpu.memref_slice %arg4[%add3A, %dma_wait3A_359, %dma_wait3A_376, %dma_wait3A_377] : memref<32x80x1x125xi32, #tpu.memory_space<hbm>> -> memref<1x1x1x125xi32, #tpu.memory_space<hbm>>
    %dma_wait3A_379 = tpu.memref_squeeze %dma_wait3A_378 : memref<1x1x1x125xi32, #tpu.memory_space<hbm>> -> memref<1x125xi32, #tpu.memory_space<hbm>>
    tpu.wait_dma2 semaphore(%dma_wait3A_371 : memref<!tpu.dma_semaphore, #tpu.memory_space<semaphore_mem>>) src(%dma_wait3A_379 : memref<1x125xi32, #tpu.memory_space<hbm>>) dst(%dma_wait3A_375 : memref<1x125xi32, #tpu.memory_space<vmem>>)
    %dma_start3A_380 = arith.constant 2 : i32
    %dma_start3A_381 = arith.constant 0 : i32
    %dma_start3A_382 = arith.constant 0 : i32
    %dma_start3A_383 = arith.constant 0 : i32
    %dma_start3A_384 = arith.constant 0 : i32
    %dma_start3A_385 = arith.constant 0 : i32
    %dma_start3A_386 = tpu.memref_slice %arg8[%dma_start3A_382, %dma_start3A_384, %dma_start3A_385] : memref<2x125x128xf32, #tpu.memory_space<vmem>> -> memref<1x125x128xf32, #tpu.memory_space<vmem>>
    %dma_start3A_387 = tpu.memref_squeeze %dma_start3A_386 : memref<1x125x128xf32, #tpu.memory_space<vmem>> -> memref<125x128xf32, #tpu.memory_space<vmem>>
    %dma_start3A_388 = arith.constant 0 : i32
    %dma_start3A_389 = tpu.memref_slice %arg6[%dma_start3A_380, %dma_start3A_381, %dma_start3A_388] : memref<4x1x125xi32, #tpu.memory_space<vmem>> -> memref<1x1x125xi32, #tpu.memory_space<vmem>>
    %dma_start3A_390 = tpu.memref_squeeze %dma_start3A_389 : memref<1x1x125xi32, #tpu.memory_space<vmem>> -> memref<125xi32, #tpu.memory_space<vmem>>
    %dma_start3A_391 = arith.constant 0 : i32
    %dma_start3A_392 = arith.constant 0 : i32
    %dma_start3A_393 = tpu.memref_slice %arg2[%dma_start3A_391, %dma_start3A_392] : memref<100000x128xf32, #tpu.memory_space<hbm>> -> memref<100000x128xf32, #tpu.memory_space<hbm>>
    %dma_start3A_394 = tpu.memref_slice %arg13[%dma_start3A_383] : memref<2x!tpu.dma_semaphore, #tpu.memory_space<semaphore_mem>> -> memref<1x!tpu.dma_semaphore, #tpu.memory_space<semaphore_mem>>
    %dma_start3A_395 = tpu.memref_squeeze %dma_start3A_394 : memref<1x!tpu.dma_semaphore, #tpu.memory_space<semaphore_mem>> -> memref<!tpu.dma_semaphore, #tpu.memory_space<semaphore_mem>>
    tpu.enqueue_indirect_dma source(%dma_start3A_393 : memref<100000x128xf32, #tpu.memory_space<hbm>>) target(%dma_start3A_387 : memref<125x128xf32, #tpu.memory_space<vmem>>) offsets(%dma_start3A_390 : memref<125xi32, #tpu.memory_space<vmem>>) semaphore(%dma_start3A_395 : memref<!tpu.dma_semaphore, #tpu.memory_space<semaphore_mem>>)
    %dma_wait3A_396 = arith.constant 1 : i32
    %dma_wait3A_397 = arith.constant 0 : i32
    %dma_wait3A_398 = arith.constant 1 : i32
    %dma_wait3A_399 = arith.constant 1 : i32
    %dma_wait3A_400 = arith.constant 0 : i32
    %dma_wait3A_401 = arith.constant 0 : i32
    %dma_wait3A_402 = tpu.memref_slice %arg8[%dma_wait3A_398, %dma_wait3A_400, %dma_wait3A_401] : memref<2x125x128xf32, #tpu.memory_space<vmem>> -> memref<1x125x128xf32, #tpu.memory_space<vmem>>
    %dma_wait3A_403 = tpu.memref_squeeze %dma_wait3A_402 : memref<1x125x128xf32, #tpu.memory_space<vmem>> -> memref<125x128xf32, #tpu.memory_space<vmem>>
    %dma_wait3A_404 = arith.constant 0 : i32
    %dma_wait3A_405 = tpu.memref_slice %arg6[%dma_wait3A_396, %dma_wait3A_397, %dma_wait3A_404] : memref<4x1x125xi32, #tpu.memory_space<vmem>> -> memref<1x1x125xi32, #tpu.memory_space<vmem>>
    %dma_wait3A_406 = tpu.memref_squeeze %dma_wait3A_405 : memref<1x1x125xi32, #tpu.memory_space<vmem>> -> memref<125xi32, #tpu.memory_space<vmem>>
    %dma_wait3A_407 = arith.constant 0 : i32
    %dma_wait3A_408 = arith.constant 0 : i32
    %dma_wait3A_409 = tpu.memref_slice %arg2[%dma_wait3A_407, %dma_wait3A_408] : memref<100000x128xf32, #tpu.memory_space<hbm>> -> memref<100000x128xf32, #tpu.memory_space<hbm>>
    %dma_wait3A_410 = tpu.memref_slice %arg13[%dma_wait3A_399] : memref<2x!tpu.dma_semaphore, #tpu.memory_space<semaphore_mem>> -> memref<1x!tpu.dma_semaphore, #tpu.memory_space<semaphore_mem>>
    %dma_wait3A_411 = tpu.memref_squeeze %dma_wait3A_410 : memref<1x!tpu.dma_semaphore, #tpu.memory_space<semaphore_mem>> -> memref<!tpu.dma_semaphore, #tpu.memory_space<semaphore_mem>>
    tpu.wait_indirect_dma semaphore(%dma_wait3A_411 : memref<!tpu.dma_semaphore, #tpu.memory_space<semaphore_mem>>) src(%dma_wait3A_409 : memref<100000x128xf32, #tpu.memory_space<hbm>>) dst(%dma_wait3A_403 : memref<125x128xf32, #tpu.memory_space<vmem>>)
    %run_scoped3A_412 = arith.constant 1 : i32
    %run_scoped3A_413 = arith.constant 1 : i32
    %run_scoped3A_414 = arith.constant 0 : i32
    "tpu.region"() ({
      %run_scoped3A_521 = tpu.sem_alloc : memref<!tpu.dma_semaphore, #tpu.memory_space<semaphore_mem>>
      %dma_start3A_522 = arith.constant 0 : i32
      %dma_start3A_523 = arith.constant 0 : i32
      %dma_start3A_524 = tpu.memref_slice %arg8[%run_scoped3A_412, %dma_start3A_522, %dma_start3A_523] : memref<2x125x128xf32, #tpu.memory_space<vmem>> -> memref<1x125x128xf32, #tpu.memory_space<vmem>>
      %dma_start3A_525 = tpu.memref_squeeze %dma_start3A_524 : memref<1x125x128xf32, #tpu.memory_space<vmem>> -> memref<125x128xf32, #tpu.memory_space<vmem>>
      %dma_start3A_526 = arith.constant 0 : i32
      %dma_start3A_527 = tpu.memref_slice %arg7[%run_scoped3A_413, %run_scoped3A_414, %dma_start3A_526] : memref<4x1x125xi32, #tpu.memory_space<vmem>> -> memref<1x1x125xi32, #tpu.memory_space<vmem>>
      %dma_start3A_528 = tpu.memref_squeeze %dma_start3A_527 : memref<1x1x125xi32, #tpu.memory_space<vmem>> -> memref<125xi32, #tpu.memory_space<vmem>>
      %dma_start3A_529 = arith.constant 0 : i32
      %dma_start3A_530 = arith.constant 0 : i32
      %dma_start3A_531 = tpu.memref_slice %arg10[%dma_start3A_529, %dma_start3A_530] : memref<10008x128xf32, #tpu.memory_space<vmem_shared>> -> memref<10008x128xf32, #tpu.memory_space<vmem_shared>>
      tpu.enqueue_indirect_dma source(%dma_start3A_525 : memref<125x128xf32, #tpu.memory_space<vmem>>) target(%dma_start3A_531 : memref<10008x128xf32, #tpu.memory_space<vmem_shared>>) offsets(%dma_start3A_528 : memref<125xi32, #tpu.memory_space<vmem>>) semaphore(%run_scoped3A_521 : memref<!tpu.dma_semaphore, #tpu.memory_space<semaphore_mem>>) {add = true}
      %dma_wait3A_532 = arith.constant 0 : i32
      %dma_wait3A_533 = arith.constant 0 : i32
      %dma_wait3A_534 = tpu.memref_slice %arg8[%run_scoped3A_412, %dma_wait3A_532, %dma_wait3A_533] : memref<2x125x128xf32, #tpu.memory_space<vmem>> -> memref<1x125x128xf32, #tpu.memory_space<vmem>>
      %dma_wait3A_535 = tpu.memref_squeeze %dma_wait3A_534 : memref<1x125x128xf32, #tpu.memory_space<vmem>> -> memref<125x128xf32, #tpu.memory_space<vmem>>
      %dma_wait3A_536 = arith.constant 0 : i32
      %dma_wait3A_537 = tpu.memref_slice %arg7[%run_scoped3A_413, %run_scoped3A_414, %dma_wait3A_536] : memref<4x1x125xi32, #tpu.memory_space<vmem>> -> memref<1x1x125xi32, #tpu.memory_space<vmem>>
      %dma_wait3A_538 = tpu.memref_squeeze %dma_wait3A_537 : memref<1x1x125xi32, #tpu.memory_space<vmem>> -> memref<125xi32, #tpu.memory_space<vmem>>
      %dma_wait3A_539 = arith.constant 0 : i32
      %dma_wait3A_540 = arith.constant 0 : i32
      %dma_wait3A_541 = tpu.memref_slice %arg10[%dma_wait3A_539, %dma_wait3A_540] : memref<10008x128xf32, #tpu.memory_space<vmem_shared>> -> memref<10008x128xf32, #tpu.memory_space<vmem_shared>>
      tpu.wait_indirect_dma semaphore(%run_scoped3A_521 : memref<!tpu.dma_semaphore, #tpu.memory_space<semaphore_mem>>) src(%dma_wait3A_535 : memref<125x128xf32, #tpu.memory_space<vmem>>) dst(%dma_wait3A_541 : memref<10008x128xf32, #tpu.memory_space<vmem_shared>>)
      tpu.yield
    }) : () -> ()
    %dma_wait3A_415 = arith.constant 79 : i32
    %dma_wait3A_416 = arith.constant 3 : i32
    %dma_wait3A_417 = arith.constant 3 : i32
    %dma_wait3A_418 = arith.constant 0 : i32
    %dma_wait3A_419 = arith.constant 0 : i32
    %dma_wait3A_420 = tpu.memref_slice %arg6[%dma_wait3A_416, %dma_wait3A_418, %dma_wait3A_419] : memref<4x1x125xi32, #tpu.memory_space<vmem>> -> memref<1x1x125xi32, #tpu.memory_space<vmem>>
    %dma_wait3A_421 = tpu.memref_squeeze %dma_wait3A_420 : memref<1x1x125xi32, #tpu.memory_space<vmem>> -> memref<1x125xi32, #tpu.memory_space<vmem>>
    %dma_wait3A_422 = arith.constant 0 : i32
    %dma_wait3A_423 = arith.constant 0 : i32
    %dma_wait3A_424 = tpu.memref_slice %arg3[%add3A, %dma_wait3A_415, %dma_wait3A_422, %dma_wait3A_423] : memref<32x80x1x125xi32, #tpu.memory_space<hbm>> -> memref<1x1x1x125xi32, #tpu.memory_space<hbm>>
    %dma_wait3A_425 = tpu.memref_squeeze %dma_wait3A_424 : memref<1x1x1x125xi32, #tpu.memory_space<hbm>> -> memref<1x125xi32, #tpu.memory_space<hbm>>
    %dma_wait3A_426 = tpu.memref_slice %arg11[%dma_wait3A_417] : memref<4x!tpu.dma_semaphore, #tpu.memory_space<semaphore_mem>> -> memref<1x!tpu.dma_semaphore, #tpu.memory_space<semaphore_mem>>
    %dma_wait3A_427 = tpu.memref_squeeze %dma_wait3A_426 : memref<1x!tpu.dma_semaphore, #tpu.memory_space<semaphore_mem>> -> memref<!tpu.dma_semaphore, #tpu.memory_space<semaphore_mem>>
    %dma_wait3A_428 = arith.constant 0 : i32
    %dma_wait3A_429 = arith.constant 0 : i32
    %dma_wait3A_430 = tpu.memref_slice %arg6[%dma_wait3A_416, %dma_wait3A_428, %dma_wait3A_429] : memref<4x1x125xi32, #tpu.memory_space<vmem>> -> memref<1x1x125xi32, #tpu.memory_space<vmem>>
    %dma_wait3A_431 = tpu.memref_squeeze %dma_wait3A_430 : memref<1x1x125xi32, #tpu.memory_space<vmem>> -> memref<1x125xi32, #tpu.memory_space<vmem>>
    %dma_wait3A_432 = arith.constant 0 : i32
    %dma_wait3A_433 = arith.constant 0 : i32
    %dma_wait3A_434 = tpu.memref_slice %arg3[%add3A, %dma_wait3A_415, %dma_wait3A_432, %dma_wait3A_433] : memref<32x80x1x125xi32, #tpu.memory_space<hbm>> -> memref<1x1x1x125xi32, #tpu.memory_space<hbm>>
    %dma_wait3A_435 = tpu.memref_squeeze %dma_wait3A_434 : memref<1x1x1x125xi32, #tpu.memory_space<hbm>> -> memref<1x125xi32, #tpu.memory_space<hbm>>
    tpu.wait_dma2 semaphore(%dma_wait3A_427 : memref<!tpu.dma_semaphore, #tpu.memory_space<semaphore_mem>>) src(%dma_wait3A_435 : memref<1x125xi32, #tpu.memory_space<hbm>>) dst(%dma_wait3A_431 : memref<1x125xi32, #tpu.memory_space<vmem>>)
    %dma_wait3A_436 = arith.constant 79 : i32
    %dma_wait3A_437 = arith.constant 3 : i32
    %dma_wait3A_438 = arith.constant 3 : i32
    %dma_wait3A_439 = arith.constant 0 : i32
    %dma_wait3A_440 = arith.constant 0 : i32
    %dma_wait3A_441 = tpu.memref_slice %arg7[%dma_wait3A_437, %dma_wait3A_439, %dma_wait3A_440] : memref<4x1x125xi32, #tpu.memory_space<vmem>> -> memref<1x1x125xi32, #tpu.memory_space<vmem>>
    %dma_wait3A_442 = tpu.memref_squeeze %dma_wait3A_441 : memref<1x1x125xi32, #tpu.memory_space<vmem>> -> memref<1x125xi32, #tpu.memory_space<vmem>>
    %dma_wait3A_443 = arith.constant 0 : i32
    %dma_wait3A_444 = arith.constant 0 : i32
    %dma_wait3A_445 = tpu.memref_slice %arg4[%add3A, %dma_wait3A_436, %dma_wait3A_443, %dma_wait3A_444] : memref<32x80x1x125xi32, #tpu.memory_space<hbm>> -> memref<1x1x1x125xi32, #tpu.memory_space<hbm>>
    %dma_wait3A_446 = tpu.memref_squeeze %dma_wait3A_445 : memref<1x1x1x125xi32, #tpu.memory_space<hbm>> -> memref<1x125xi32, #tpu.memory_space<hbm>>
    %dma_wait3A_447 = tpu.memref_slice %arg12[%dma_wait3A_438] : memref<4x!tpu.dma_semaphore, #tpu.memory_space<semaphore_mem>> -> memref<1x!tpu.dma_semaphore, #tpu.memory_space<semaphore_mem>>
    %dma_wait3A_448 = tpu.memref_squeeze %dma_wait3A_447 : memref<1x!tpu.dma_semaphore, #tpu.memory_space<semaphore_mem>> -> memref<!tpu.dma_semaphore, #tpu.memory_space<semaphore_mem>>
    %dma_wait3A_449 = arith.constant 0 : i32
    %dma_wait3A_450 = arith.constant 0 : i32
    %dma_wait3A_451 = tpu.memref_slice %arg7[%dma_wait3A_437, %dma_wait3A_449, %dma_wait3A_450] : memref<4x1x125xi32, #tpu.memory_space<vmem>> -> memref<1x1x125xi32, #tpu.memory_space<vmem>>
    %dma_wait3A_452 = tpu.memref_squeeze %dma_wait3A_451 : memref<1x1x125xi32, #tpu.memory_space<vmem>> -> memref<1x125xi32, #tpu.memory_space<vmem>>
    %dma_wait3A_453 = arith.constant 0 : i32
    %dma_wait3A_454 = arith.constant 0 : i32
    %dma_wait3A_455 = tpu.memref_slice %arg4[%add3A, %dma_wait3A_436, %dma_wait3A_453, %dma_wait3A_454] : memref<32x80x1x125xi32, #tpu.memory_space<hbm>> -> memref<1x1x1x125xi32, #tpu.memory_space<hbm>>
    %dma_wait3A_456 = tpu.memref_squeeze %dma_wait3A_455 : memref<1x1x1x125xi32, #tpu.memory_space<hbm>> -> memref<1x125xi32, #tpu.memory_space<hbm>>
    tpu.wait_dma2 semaphore(%dma_wait3A_448 : memref<!tpu.dma_semaphore, #tpu.memory_space<semaphore_mem>>) src(%dma_wait3A_456 : memref<1x125xi32, #tpu.memory_space<hbm>>) dst(%dma_wait3A_452 : memref<1x125xi32, #tpu.memory_space<vmem>>)
    %dma_start3A_457 = arith.constant 3 : i32
    %dma_start3A_458 = arith.constant 0 : i32
    %dma_start3A_459 = arith.constant 1 : i32
    %dma_start3A_460 = arith.constant 1 : i32
    %dma_start3A_461 = arith.constant 0 : i32
    %dma_start3A_462 = arith.constant 0 : i32
    %dma_start3A_463 = tpu.memref_slice %arg8[%dma_start3A_459, %dma_start3A_461, %dma_start3A_462] : memref<2x125x128xf32, #tpu.memory_space<vmem>> -> memref<1x125x128xf32, #tpu.memory_space<vmem>>
    %dma_start3A_464 = tpu.memref_squeeze %dma_start3A_463 : memref<1x125x128xf32, #tpu.memory_space<vmem>> -> memref<125x128xf32, #tpu.memory_space<vmem>>
    %dma_start3A_465 = arith.constant 0 : i32
    %dma_start3A_466 = tpu.memref_slice %arg6[%dma_start3A_457, %dma_start3A_458, %dma_start3A_465] : memref<4x1x125xi32, #tpu.memory_space<vmem>> -> memref<1x1x125xi32, #tpu.memory_space<vmem>>
    %dma_start3A_467 = tpu.memref_squeeze %dma_start3A_466 : memref<1x1x125xi32, #tpu.memory_space<vmem>> -> memref<125xi32, #tpu.memory_space<vmem>>
    %dma_start3A_468 = arith.constant 0 : i32
    %dma_start3A_469 = arith.constant 0 : i32
    %dma_start3A_470 = tpu.memref_slice %arg2[%dma_start3A_468, %dma_start3A_469] : memref<100000x128xf32, #tpu.memory_space<hbm>> -> memref<100000x128xf32, #tpu.memory_space<hbm>>
    %dma_start3A_471 = tpu.memref_slice %arg13[%dma_start3A_460] : memref<2x!tpu.dma_semaphore, #tpu.memory_space<semaphore_mem>> -> memref<1x!tpu.dma_semaphore, #tpu.memory_space<semaphore_mem>>
    %dma_start3A_472 = tpu.memref_squeeze %dma_start3A_471 : memref<1x!tpu.dma_semaphore, #tpu.memory_space<semaphore_mem>> -> memref<!tpu.dma_semaphore, #tpu.memory_space<semaphore_mem>>
    tpu.enqueue_indirect_dma source(%dma_start3A_470 : memref<100000x128xf32, #tpu.memory_space<hbm>>) target(%dma_start3A_464 : memref<125x128xf32, #tpu.memory_space<vmem>>) offsets(%dma_start3A_467 : memref<125xi32, #tpu.memory_space<vmem>>) semaphore(%dma_start3A_472 : memref<!tpu.dma_semaphore, #tpu.memory_space<semaphore_mem>>)
    %dma_wait3A_473 = arith.constant 2 : i32
    %dma_wait3A_474 = arith.constant 0 : i32
    %dma_wait3A_475 = arith.constant 0 : i32
    %dma_wait3A_476 = arith.constant 0 : i32
    %dma_wait3A_477 = arith.constant 0 : i32
    %dma_wait3A_478 = arith.constant 0 : i32
    %dma_wait3A_479 = tpu.memref_slice %arg8[%dma_wait3A_475, %dma_wait3A_477, %dma_wait3A_478] : memref<2x125x128xf32, #tpu.memory_space<vmem>> -> memref<1x125x128xf32, #tpu.memory_space<vmem>>
    %dma_wait3A_480 = tpu.memref_squeeze %dma_wait3A_479 : memref<1x125x128xf32, #tpu.memory_space<vmem>> -> memref<125x128xf32, #tpu.memory_space<vmem>>
    %dma_wait3A_481 = arith.constant 0 : i32
    %dma_wait3A_482 = tpu.memref_slice %arg6[%dma_wait3A_473, %dma_wait3A_474, %dma_wait3A_481] : memref<4x1x125xi32, #tpu.memory_space<vmem>> -> memref<1x1x125xi32, #tpu.memory_space<vmem>>
    %dma_wait3A_483 = tpu.memref_squeeze %dma_wait3A_482 : memref<1x1x125xi32, #tpu.memory_space<vmem>> -> memref<125xi32, #tpu.memory_space<vmem>>
    %dma_wait3A_484 = arith.constant 0 : i32
    %dma_wait3A_485 = arith.constant 0 : i32
    %dma_wait3A_486 = tpu.memref_slice %arg2[%dma_wait3A_484, %dma_wait3A_485] : memref<100000x128xf32, #tpu.memory_space<hbm>> -> memref<100000x128xf32, #tpu.memory_space<hbm>>
    %dma_wait3A_487 = tpu.memref_slice %arg13[%dma_wait3A_476] : memref<2x!tpu.dma_semaphore, #tpu.memory_space<semaphore_mem>> -> memref<1x!tpu.dma_semaphore, #tpu.memory_space<semaphore_mem>>
    %dma_wait3A_488 = tpu.memref_squeeze %dma_wait3A_487 : memref<1x!tpu.dma_semaphore, #tpu.memory_space<semaphore_mem>> -> memref<!tpu.dma_semaphore, #tpu.memory_space<semaphore_mem>>
    tpu.wait_indirect_dma semaphore(%dma_wait3A_488 : memref<!tpu.dma_semaphore, #tpu.memory_space<semaphore_mem>>) src(%dma_wait3A_486 : memref<100000x128xf32, #tpu.memory_space<hbm>>) dst(%dma_wait3A_480 : memref<125x128xf32, #tpu.memory_space<vmem>>)
    %run_scoped3A_489 = arith.constant 0 : i32
    %run_scoped3A_490 = arith.constant 2 : i32
    %run_scoped3A_491 = arith.constant 0 : i32
    "tpu.region"() ({
      %run_scoped3A_521 = tpu.sem_alloc : memref<!tpu.dma_semaphore, #tpu.memory_space<semaphore_mem>>
      %dma_start3A_522 = arith.constant 0 : i32
      %dma_start3A_523 = arith.constant 0 : i32
      %dma_start3A_524 = tpu.memref_slice %arg8[%run_scoped3A_489, %dma_start3A_522, %dma_start3A_523] : memref<2x125x128xf32, #tpu.memory_space<vmem>> -> memref<1x125x128xf32, #tpu.memory_space<vmem>>
      %dma_start3A_525 = tpu.memref_squeeze %dma_start3A_524 : memref<1x125x128xf32, #tpu.memory_space<vmem>> -> memref<125x128xf32, #tpu.memory_space<vmem>>
      %dma_start3A_526 = arith.constant 0 : i32
      %dma_start3A_527 = tpu.memref_slice %arg7[%run_scoped3A_490, %run_scoped3A_491, %dma_start3A_526] : memref<4x1x125xi32, #tpu.memory_space<vmem>> -> memref<1x1x125xi32, #tpu.memory_space<vmem>>
      %dma_start3A_528 = tpu.memref_squeeze %dma_start3A_527 : memref<1x1x125xi32, #tpu.memory_space<vmem>> -> memref<125xi32, #tpu.memory_space<vmem>>
      %dma_start3A_529 = arith.constant 0 : i32
      %dma_start3A_530 = arith.constant 0 : i32
      %dma_start3A_531 = tpu.memref_slice %arg10[%dma_start3A_529, %dma_start3A_530] : memref<10008x128xf32, #tpu.memory_space<vmem_shared>> -> memref<10008x128xf32, #tpu.memory_space<vmem_shared>>
      tpu.enqueue_indirect_dma source(%dma_start3A_525 : memref<125x128xf32, #tpu.memory_space<vmem>>) target(%dma_start3A_531 : memref<10008x128xf32, #tpu.memory_space<vmem_shared>>) offsets(%dma_start3A_528 : memref<125xi32, #tpu.memory_space<vmem>>) semaphore(%run_scoped3A_521 : memref<!tpu.dma_semaphore, #tpu.memory_space<semaphore_mem>>) {add = true}
      %dma_wait3A_532 = arith.constant 0 : i32
      %dma_wait3A_533 = arith.constant 0 : i32
      %dma_wait3A_534 = tpu.memref_slice %arg8[%run_scoped3A_489, %dma_wait3A_532, %dma_wait3A_533] : memref<2x125x128xf32, #tpu.memory_space<vmem>> -> memref<1x125x128xf32, #tpu.memory_space<vmem>>
      %dma_wait3A_535 = tpu.memref_squeeze %dma_wait3A_534 : memref<1x125x128xf32, #tpu.memory_space<vmem>> -> memref<125x128xf32, #tpu.memory_space<vmem>>
      %dma_wait3A_536 = arith.constant 0 : i32
      %dma_wait3A_537 = tpu.memref_slice %arg7[%run_scoped3A_490, %run_scoped3A_491, %dma_wait3A_536] : memref<4x1x125xi32, #tpu.memory_space<vmem>> -> memref<1x1x125xi32, #tpu.memory_space<vmem>>
      %dma_wait3A_538 = tpu.memref_squeeze %dma_wait3A_537 : memref<1x1x125xi32, #tpu.memory_space<vmem>> -> memref<125xi32, #tpu.memory_space<vmem>>
      %dma_wait3A_539 = arith.constant 0 : i32
      %dma_wait3A_540 = arith.constant 0 : i32
      %dma_wait3A_541 = tpu.memref_slice %arg10[%dma_wait3A_539, %dma_wait3A_540] : memref<10008x128xf32, #tpu.memory_space<vmem_shared>> -> memref<10008x128xf32, #tpu.memory_space<vmem_shared>>
      tpu.wait_indirect_dma semaphore(%run_scoped3A_521 : memref<!tpu.dma_semaphore, #tpu.memory_space<semaphore_mem>>) src(%dma_wait3A_535 : memref<125x128xf32, #tpu.memory_space<vmem>>) dst(%dma_wait3A_541 : memref<10008x128xf32, #tpu.memory_space<vmem_shared>>)
      tpu.yield
    }) : () -> ()
    %dma_wait3A_492 = arith.constant 3 : i32
    %dma_wait3A_493 = arith.constant 0 : i32
    %dma_wait3A_494 = arith.constant 1 : i32
    %dma_wait3A_495 = arith.constant 1 : i32
    %dma_wait3A_496 = arith.constant 0 : i32
    %dma_wait3A_497 = arith.constant 0 : i32
    %dma_wait3A_498 = tpu.memref_slice %arg8[%dma_wait3A_494, %dma_wait3A_496, %dma_wait3A_497] : memref<2x125x128xf32, #tpu.memory_space<vmem>> -> memref<1x125x128xf32, #tpu.memory_space<vmem>>
    %dma_wait3A_499 = tpu.memref_squeeze %dma_wait3A_498 : memref<1x125x128xf32, #tpu.memory_space<vmem>> -> memref<125x128xf32, #tpu.memory_space<vmem>>
    %dma_wait3A_500 = arith.constant 0 : i32
    %dma_wait3A_501 = tpu.memref_slice %arg6[%dma_wait3A_492, %dma_wait3A_493, %dma_wait3A_500] : memref<4x1x125xi32, #tpu.memory_space<vmem>> -> memref<1x1x125xi32, #tpu.memory_space<vmem>>
    %dma_wait3A_502 = tpu.memref_squeeze %dma_wait3A_501 : memref<1x1x125xi32, #tpu.memory_space<vmem>> -> memref<125xi32, #tpu.memory_space<vmem>>
    %dma_wait3A_503 = arith.constant 0 : i32
    %dma_wait3A_504 = arith.constant 0 : i32
    %dma_wait3A_505 = tpu.memref_slice %arg2[%dma_wait3A_503, %dma_wait3A_504] : memref<100000x128xf32, #tpu.memory_space<hbm>> -> memref<100000x128xf32, #tpu.memory_space<hbm>>
    %dma_wait3A_506 = tpu.memref_slice %arg13[%dma_wait3A_495] : memref<2x!tpu.dma_semaphore, #tpu.memory_space<semaphore_mem>> -> memref<1x!tpu.dma_semaphore, #tpu.memory_space<semaphore_mem>>
    %dma_wait3A_507 = tpu.memref_squeeze %dma_wait3A_506 : memref<1x!tpu.dma_semaphore, #tpu.memory_space<semaphore_mem>> -> memref<!tpu.dma_semaphore, #tpu.memory_space<semaphore_mem>>
    tpu.wait_indirect_dma semaphore(%dma_wait3A_507 : memref<!tpu.dma_semaphore, #tpu.memory_space<semaphore_mem>>) src(%dma_wait3A_505 : memref<100000x128xf32, #tpu.memory_space<hbm>>) dst(%dma_wait3A_499 : memref<125x128xf32, #tpu.memory_space<vmem>>)
    %run_scoped3A_508 = arith.constant 1 : i32
    %run_scoped3A_509 = arith.constant 3 : i32
    %run_scoped3A_510 = arith.constant 0 : i32
    "tpu.region"() ({
      %run_scoped3A_521 = tpu.sem_alloc : memref<!tpu.dma_semaphore, #tpu.memory_space<semaphore_mem>>
      %dma_start3A_522 = arith.constant 0 : i32
      %dma_start3A_523 = arith.constant 0 : i32
      %dma_start3A_524 = tpu.memref_slice %arg8[%run_scoped3A_508, %dma_start3A_522, %dma_start3A_523] : memref<2x125x128xf32, #tpu.memory_space<vmem>> -> memref<1x125x128xf32, #tpu.memory_space<vmem>>
      %dma_start3A_525 = tpu.memref_squeeze %dma_start3A_524 : memref<1x125x128xf32, #tpu.memory_space<vmem>> -> memref<125x128xf32, #tpu.memory_space<vmem>>
      %dma_start3A_526 = arith.constant 0 : i32
      %dma_start3A_527 = tpu.memref_slice %arg7[%run_scoped3A_509, %run_scoped3A_510, %dma_start3A_526] : memref<4x1x125xi32, #tpu.memory_space<vmem>> -> memref<1x1x125xi32, #tpu.memory_space<vmem>>
      %dma_start3A_528 = tpu.memref_squeeze %dma_start3A_527 : memref<1x1x125xi32, #tpu.memory_space<vmem>> -> memref<125xi32, #tpu.memory_space<vmem>>
      %dma_start3A_529 = arith.constant 0 : i32
      %dma_start3A_530 = arith.constant 0 : i32
      %dma_start3A_531 = tpu.memref_slice %arg10[%dma_start3A_529, %dma_start3A_530] : memref<10008x128xf32, #tpu.memory_space<vmem_shared>> -> memref<10008x128xf32, #tpu.memory_space<vmem_shared>>
      tpu.enqueue_indirect_dma source(%dma_start3A_525 : memref<125x128xf32, #tpu.memory_space<vmem>>) target(%dma_start3A_531 : memref<10008x128xf32, #tpu.memory_space<vmem_shared>>) offsets(%dma_start3A_528 : memref<125xi32, #tpu.memory_space<vmem>>) semaphore(%run_scoped3A_521 : memref<!tpu.dma_semaphore, #tpu.memory_space<semaphore_mem>>) {add = true}
      %dma_wait3A_532 = arith.constant 0 : i32
      %dma_wait3A_533 = arith.constant 0 : i32
      %dma_wait3A_534 = tpu.memref_slice %arg8[%run_scoped3A_508, %dma_wait3A_532, %dma_wait3A_533] : memref<2x125x128xf32, #tpu.memory_space<vmem>> -> memref<1x125x128xf32, #tpu.memory_space<vmem>>
      %dma_wait3A_535 = tpu.memref_squeeze %dma_wait3A_534 : memref<1x125x128xf32, #tpu.memory_space<vmem>> -> memref<125x128xf32, #tpu.memory_space<vmem>>
      %dma_wait3A_536 = arith.constant 0 : i32
      %dma_wait3A_537 = tpu.memref_slice %arg7[%run_scoped3A_509, %run_scoped3A_510, %dma_wait3A_536] : memref<4x1x125xi32, #tpu.memory_space<vmem>> -> memref<1x1x125xi32, #tpu.memory_space<vmem>>
      %dma_wait3A_538 = tpu.memref_squeeze %dma_wait3A_537 : memref<1x1x125xi32, #tpu.memory_space<vmem>> -> memref<125xi32, #tpu.memory_space<vmem>>
      %dma_wait3A_539 = arith.constant 0 : i32
      %dma_wait3A_540 = arith.constant 0 : i32
      %dma_wait3A_541 = tpu.memref_slice %arg10[%dma_wait3A_539, %dma_wait3A_540] : memref<10008x128xf32, #tpu.memory_space<vmem_shared>> -> memref<10008x128xf32, #tpu.memory_space<vmem_shared>>
      tpu.wait_indirect_dma semaphore(%run_scoped3A_521 : memref<!tpu.dma_semaphore, #tpu.memory_space<semaphore_mem>>) src(%dma_wait3A_535 : memref<125x128xf32, #tpu.memory_space<vmem>>) dst(%dma_wait3A_541 : memref<10008x128xf32, #tpu.memory_space<vmem_shared>>)
      tpu.yield
    }) : () -> ()
    %barrier3A_511 = arith.constant 0 : index
    tpu.barrier barrier_id(%barrier3A_511)
    %mul3A_512 = arith.constant 624 : i32
    %mul3A_513 = arith.muli %arg1, %mul3A_512 : i32
    %mul3A_514 = arith.constant 624 : i32
    %mul3A_515 = arith.muli %arg1, %mul3A_514 : i32
    "tpu.region"() ({
      %run_scoped3A_521 = tpu.sem_alloc : memref<!tpu.dma_semaphore, #tpu.memory_space<semaphore_mem>>
      %dma_start3A_522 = arith.constant 0 : i32
      %dma_start3A_523 = tpu.memref_slice %arg5[%arg0, %mul3A_515, %dma_start3A_522] : memref<2x10000x128xf32, #tpu.memory_space<hbm>> -> memref<1x624x128xf32, #tpu.memory_space<hbm>>
      %dma_start3A_524 = tpu.memref_squeeze %dma_start3A_523 : memref<1x624x128xf32, #tpu.memory_space<hbm>> -> memref<624x128xf32, #tpu.memory_space<hbm>>
      %dma_start3A_525 = arith.constant 0 : i32
      %dma_start3A_526 = tpu.memref_slice %arg10[%mul3A_513, %dma_start3A_525] : memref<10008x128xf32, #tpu.memory_space<vmem_shared>> -> memref<624x128xf32, #tpu.memory_space<vmem_shared>>
      tpu.enqueue_dma source(%dma_start3A_526 : memref<624x128xf32, #tpu.memory_space<vmem_shared>>) target(%dma_start3A_524 : memref<624x128xf32, #tpu.memory_space<hbm>>) target_semaphore(%run_scoped3A_521 : memref<!tpu.dma_semaphore, #tpu.memory_space<semaphore_mem>>)
      %dma_wait3A_527 = arith.constant 0 : i32
      %dma_wait3A_528 = tpu.memref_slice %arg5[%arg0, %mul3A_515, %dma_wait3A_527] : memref<2x10000x128xf32, #tpu.memory_space<hbm>> -> memref<1x624x128xf32, #tpu.memory_space<hbm>>
      %dma_wait3A_529 = tpu.memref_squeeze %dma_wait3A_528 : memref<1x624x128xf32, #tpu.memory_space<hbm>> -> memref<624x128xf32, #tpu.memory_space<hbm>>
      %dma_wait3A_530 = arith.constant 0 : i32
      %dma_wait3A_531 = tpu.memref_slice %arg10[%mul3A_513, %dma_wait3A_530] : memref<10008x128xf32, #tpu.memory_space<vmem_shared>> -> memref<624x128xf32, #tpu.memory_space<vmem_shared>>
      tpu.wait_dma2 semaphore(%run_scoped3A_521 : memref<!tpu.dma_semaphore, #tpu.memory_space<semaphore_mem>>) src(%dma_wait3A_531 : memref<624x128xf32, #tpu.memory_space<vmem_shared>>) dst(%dma_wait3A_529 : memref<624x128xf32, #tpu.memory_space<hbm>>)
      tpu.yield
    }) : () -> ()
    %eq3A_516 = arith.constant 15 : i32
    %eq3A_517 = arith.cmpi eq, %arg1, %eq3A_516 : i32
    %convert_element_type3A_518 = arith.extui %eq3A_517 : i1 to i32
    %cond3A_519 = arith.constant 0 : i32
    %cond3A_520 = arith.cmpi ne, %convert_element_type3A_518, %cond3A_519 : i32
    scf.if %cond3A_520 {
      "tpu.region"() ({
        %run_scoped3A_521 = tpu.sem_alloc : memref<!tpu.dma_semaphore, #tpu.memory_space<semaphore_mem>>
        %dma_start3A_522 = arith.constant 9984 : i32
        %dma_start3A_523 = arith.constant 0 : i32
        %dma_start3A_524 = tpu.memref_slice %arg5[%arg0, %dma_start3A_522, %dma_start3A_523] : memref<2x10000x128xf32, #tpu.memory_space<hbm>> -> memref<1x16x128xf32, #tpu.memory_space<hbm>>
        %dma_start3A_525 = tpu.memref_squeeze %dma_start3A_524 : memref<1x16x128xf32, #tpu.memory_space<hbm>> -> memref<16x128xf32, #tpu.memory_space<hbm>>
        %dma_start3A_526 = arith.constant 9984 : i32
        %dma_start3A_527 = arith.constant 0 : i32
        %dma_start3A_528 = tpu.memref_slice %arg10[%dma_start3A_526, %dma_start3A_527] : memref<10008x128xf32, #tpu.memory_space<vmem_shared>> -> memref<16x128xf32, #tpu.memory_space<vmem_shared>>
        tpu.enqueue_dma source(%dma_start3A_528 : memref<16x128xf32, #tpu.memory_space<vmem_shared>>) target(%dma_start3A_525 : memref<16x128xf32, #tpu.memory_space<hbm>>) target_semaphore(%run_scoped3A_521 : memref<!tpu.dma_semaphore, #tpu.memory_space<semaphore_mem>>)
        %dma_wait3A_529 = arith.constant 9984 : i32
        %dma_wait3A_530 = arith.constant 0 : i32
        %dma_wait3A_531 = tpu.memref_slice %arg5[%arg0, %dma_wait3A_529, %dma_wait3A_530] : memref<2x10000x128xf32, #tpu.memory_space<hbm>> -> memref<1x16x128xf32, #tpu.memory_space<hbm>>
        %dma_wait3A_532 = tpu.memref_squeeze %dma_wait3A_531 : memref<1x16x128xf32, #tpu.memory_space<hbm>> -> memref<16x128xf32, #tpu.memory_space<hbm>>
        %dma_wait3A_533 = arith.constant 9984 : i32
        %dma_wait3A_534 = arith.constant 0 : i32
        %dma_wait3A_535 = tpu.memref_slice %arg10[%dma_wait3A_533, %dma_wait3A_534] : memref<10008x128xf32, #tpu.memory_space<vmem_shared>> -> memref<16x128xf32, #tpu.memory_space<vmem_shared>>
        tpu.wait_dma2 semaphore(%run_scoped3A_521 : memref<!tpu.dma_semaphore, #tpu.memory_space<semaphore_mem>>) src(%dma_wait3A_535 : memref<16x128xf32, #tpu.memory_space<vmem_shared>>) dst(%dma_wait3A_532 : memref<16x128xf32, #tpu.memory_space<hbm>>)
        tpu.yield
      }) : () -> ()
    } else {
    }
    return
  }
}

module attributes {stable_mosaic.version = 14 : i64} {
  func.func @body(%arg0: i32, %arg1: memref<2000x128xf32, #tpu.memory_space<vmem>>, %arg2: memref<128x128xf32, #tpu.memory_space<vmem>>, %arg3: memref<10x128xf32, #tpu.memory_space<vmem>>, %arg4: memref<20000x128xf32, #tpu.memory_space<vmem>>) attributes {dimension_semantics = [#tpu.dimension_semantics<arbitrary>], iteration_bounds = array<i64: 5>, scalar_prefetch = 0 : i64, scratch_operands = 0 : i64, tpu.core_type = #tpu.core_type<tc>, window_params = [{transform_indices = @transform_0, window_bounds = array<i64: 2000, 128>}, {pipeline_mode = #tpu.pipeline_mode<synchronous>, transform_indices = @transform_1, window_bounds = array<i64: 128, 128>}, {pipeline_mode = #tpu.pipeline_mode<synchronous>, transform_indices = @transform_2, window_bounds = array<i64: 10, 128>}, {transform_indices = @transform_3, window_bounds = array<i64: 20000, 128>}]} {
    %get3A = arith.constant 0 : index
    %get3A_0 = arith.constant 0 : index
    %get3A_1 = vector.load %arg1[%get3A, %get3A_0] : memref<2000x128xf32, #tpu.memory_space<vmem>>, vector<2000x128xf32>
    %get3A_2 = arith.constant 0 : index
    %get3A_3 = arith.constant 0 : index
    %get3A_4 = vector.load %arg2[%get3A_2, %get3A_3] : memref<128x128xf32, #tpu.memory_space<vmem>>, vector<128x128xf32>
    %dot_general3A = arith.constant dense<0.000000e+00> : vector<2000x128xf32>
    %dot_general3A_5 = tpu.matmul %get3A_1, %get3A_4, %dot_general3A {dimension_numbers = #tpu.dot_dimension_numbers<[1], [0], [0], [1], [0, 0, 1, 1], [], []>, precision = #tpu.contract_precision<fp32>, transpose_lhs_hint = false} : vector<2000x128xf32>, vector<128x128xf32>, vector<2000x128xf32> -> vector<2000x128xf32>
    %broadcast_in_dim3A = vector.shape_cast %dot_general3A_5 : vector<2000x128xf32> to vector<2000x1x128xf32>
    %get3A_6 = arith.constant 0 : index
    %get3A_7 = arith.constant 0 : index
    %get3A_8 = vector.load %arg3[%get3A_6, %get3A_7] : memref<10x128xf32, #tpu.memory_space<vmem>>, vector<10x128xf32>
    %broadcast_in_dim3A_9 = vector.shape_cast %get3A_8 : vector<10x128xf32> to vector<1x10x128xf32>
    %add3A = vector.broadcast %broadcast_in_dim3A : vector<2000x1x128xf32> to vector<2000x10x128xf32>
    %add3A_10 = vector.broadcast %broadcast_in_dim3A_9 : vector<1x10x128xf32> to vector<2000x10x128xf32>
    %add3A_11 = arith.addf %add3A, %add3A_10 : vector<2000x10x128xf32>
    %reshape3A = vector.shape_cast %add3A_11 : vector<2000x10x128xf32> to vector<20000x128xf32>
    %swap3A = arith.constant 0 : index
    %swap3A_12 = arith.constant 0 : index
    %swap3A_13 = vector.load %arg4[%swap3A, %swap3A_12] : memref<20000x128xf32, #tpu.memory_space<vmem>>, vector<20000x128xf32>
    tpu.vector_store %arg4[%swap3A, %swap3A_12], %reshape3A {strides = array<i32>} : memref<20000x128xf32, #tpu.memory_space<vmem>>, vector<20000x128xf32>,
    return
  }
  func.func @transform_0(%arg0: i32) -> (i32, i32) {
    %c0_i32 = arith.constant 0 : i32
    %c0_i32_0 = arith.constant 0 : i32
    return %arg0, %c0_i32 : i32, i32
  }
  func.func @transform_1(%arg0: i32) -> (i32, i32) {
    %c0_i32 = arith.constant 0 : i32
    %c0_i32_0 = arith.constant 0 : i32
    %c0_i32_1 = arith.constant 0 : i32
    return %c0_i32, %c0_i32_0 : i32, i32
  }
  func.func @transform_2(%arg0: i32) -> (i32, i32) {
    %c0_i32 = arith.constant 0 : i32
    %c0_i32_0 = arith.constant 0 : i32
    %c0_i32_1 = arith.constant 0 : i32
    return %c0_i32, %c0_i32_0 : i32, i32
  }
  func.func @transform_3(%arg0: i32) -> (i32, i32) {
    %c0_i32 = arith.constant 0 : i32
    %c0_i32_0 = arith.constant 0 : i32
    return %arg0, %c0_i32 : i32, i32
  }
}

module attributes {stable_mosaic.version = 14 : i64} {
  func.func @body(%arg0: i32, %arg1: memref<2x2000x128xf32, #tpu.memory_space<vmem>>, %arg2: memref<2000x128xf32, #tpu.memory_space<vmem>>, %arg3: memref<128x128xf32, #tpu.memory_space<vmem>>, %arg4: memref<2000x128xf32, #tpu.memory_space<vmem>>) attributes {dimension_semantics = [#tpu.dimension_semantics<arbitrary>], iteration_bounds = array<i64: 5>, scalar_prefetch = 0 : i64, scratch_operands = 0 : i64, tpu.core_type = #tpu.core_type<tc>, window_params = [{transform_indices = @transform_0, window_bounds = array<i64: 2, 2000, 128>}, {transform_indices = @transform_1, window_bounds = array<i64: 2000, 128>}, {pipeline_mode = #tpu.pipeline_mode<synchronous>, transform_indices = @transform_2, window_bounds = array<i64: 128, 128>}, {transform_indices = @transform_3, window_bounds = array<i64: 2000, 128>}]} {
    %get3A = arith.constant 0 : index
    %get3A_0 = arith.constant 0 : index
    %get3A_1 = vector.load %arg2[%get3A, %get3A_0] : memref<2000x128xf32, #tpu.memory_space<vmem>>, vector<2000x128xf32>
    %get3A_2 = arith.constant 0 : index
    %get3A_3 = arith.constant 0 : index
    %get3A_4 = vector.load %arg3[%get3A_2, %get3A_3] : memref<128x128xf32, #tpu.memory_space<vmem>>, vector<128x128xf32>
    %dot_general3A = arith.constant dense<0.000000e+00> : vector<2000x128xf32>
    %dot_general3A_5 = tpu.matmul %get3A_1, %get3A_4, %dot_general3A {dimension_numbers = #tpu.dot_dimension_numbers<[1], [0], [0], [1], [0, 0, 1, 1], [], []>, precision = #tpu.contract_precision<fp32>, transpose_lhs_hint = false} : vector<2000x128xf32>, vector<128x128xf32>, vector<2000x128xf32> -> vector<2000x128xf32>
    %get3A_6 = arith.constant 0 : index
    %get3A_7 = arith.constant 0 : index
    %get3A_8 = arith.constant 0 : index
    %get3A_9 = vector.load %arg1[%get3A_6, %get3A_7, %get3A_8] : memref<2x2000x128xf32, #tpu.memory_space<vmem>>, vector<1x2000x128xf32>
    %get3A_10 = vector.shape_cast %get3A_9 : vector<1x2000x128xf32> to vector<2000x128xf32>
    %get3A_11 = arith.constant 1 : index
    %get3A_12 = arith.constant 0 : index
    %get3A_13 = arith.constant 0 : index
    %get3A_14 = vector.load %arg1[%get3A_11, %get3A_12, %get3A_13] : memref<2x2000x128xf32, #tpu.memory_space<vmem>>, vector<1x2000x128xf32>
    %get3A_15 = vector.shape_cast %get3A_14 : vector<1x2000x128xf32> to vector<2000x128xf32>
    %add3A = arith.addf %get3A_10, %get3A_15 : vector<2000x128xf32>
    %add3A_16 = arith.addf %add3A, %dot_general3A_5 : vector<2000x128xf32>
    %max3A = arith.constant 0.000000e+00 : f32
    %max3A_17 = vector.broadcast %max3A : f32 to vector<2000x128xf32>
    %max3A_18 = arith.maximumf %add3A_16, %max3A_17 : vector<2000x128xf32>
    %swap3A = arith.constant 0 : index
    %swap3A_19 = arith.constant 0 : index
    %swap3A_20 = vector.load %arg4[%swap3A, %swap3A_19] : memref<2000x128xf32, #tpu.memory_space<vmem>>, vector<2000x128xf32>
    tpu.vector_store %arg4[%swap3A, %swap3A_19], %max3A_18 {strides = array<i32>} : memref<2000x128xf32, #tpu.memory_space<vmem>>, vector<2000x128xf32>,
    return
  }
  func.func @transform_0(%arg0: i32) -> (i32, i32, i32) {
    %c0_i32 = arith.constant 0 : i32
    %c0_i32_0 = arith.constant 0 : i32
    %c0_i32_1 = arith.constant 0 : i32
    return %c0_i32, %arg0, %c0_i32_0 : i32, i32, i32
  }
  func.func @transform_1(%arg0: i32) -> (i32, i32) {
    %c0_i32 = arith.constant 0 : i32
    %c0_i32_0 = arith.constant 0 : i32
    return %arg0, %c0_i32 : i32, i32
  }
  func.func @transform_2(%arg0: i32) -> (i32, i32) {
    %c0_i32 = arith.constant 0 : i32
    %c0_i32_0 = arith.constant 0 : i32
    %c0_i32_1 = arith.constant 0 : i32
    return %c0_i32, %c0_i32_0 : i32, i32
  }
  func.func @transform_3(%arg0: i32) -> (i32, i32) {
    %c0_i32 = arith.constant 0 : i32
    %c0_i32_0 = arith.constant 0 : i32
    return %arg0, %c0_i32 : i32, i32
  }
}

</mosaic_0001>

<sc_bundles>
// kernel: kernel.5.cloned.1.call-start
scs
__scs_entry_jumppad:
0x0: {  	(pc) =	sbr.rel $0x88, $3  }
0x1: {  	(tag) =	ssettag $0x0;
	lr =	simm.s32 $0x1  }
0x2: {  	[smem:$0x3F9B] =	sst lr;
	_ =	strace $0xD0000000  }
0x3: {  	_ = 	snop  }
0x4: {  	_ = 	snop  }
0x5: {  	_ = 	snop  }
0x6: {  	_ = 	snop  }
0x7: {  	_ = 	snop  }
__scs_overlays_trampoline_lowered:
0x8: {  	[smem:$0x3FAA] =	sst s0  }
0x9: {  	[smem:$0x3FAB] =	sst s1  }
0xa: {  	[smem:$0x3FAC] =	sst s2  }
0xb: {  	[smem:$0x3FAD] =	sst s3  }
0xc: {  	[smem:$0x3FAE] =	sst s4  }
0xd: {  	[smem:$0x3FAF] =	sst s5  }
0xe: {  	[smem:$0x3FB0] =	sst s6  }
0xf: {  	[smem:$0x3FB1] =	sst s7  }
0x10: {  	[smem:$0x3FB2] =	sst s8  }
0x11: {  	[smem:$0x3FB3] =	sst s9;
	s0 =	simm.s32 @!p0 $0x0  }
0x12: {  	s1 =	sld [smem:$0x3F99];
	s0 =	simm.s32 @p0 $0x1  }
0x13: {  	[smem:$0x3FB4] =	sst s0;
	s0 =	simm.s32 @!p1 $0x0  }
0x14: {  	s2 =	sld [smem:$0x3F98];
	s0 =	simm.s32 @p1 $0x1  }
0x15: {  	[smem:$0x3FB5] =	sst s0;
	s0 =	simm.s32 @!p2 $0x0  }
0x16: {  	s3 =	sld [smem:$0x3FDB];
	s0 =	simm.s32 @p2 $0x1  }
0x17: {  	s4 =	simm.s32 $0x1BF5;
	[smem:$0x3FB7] =	sst s0  }
0x18: {  	s0 =	sld [smem:$0x3F9A];
	_ =	swait.ge [sflag:s4], $0x0  }
0x19: {  	s7 =	sld [smem:$0x3F9B]  }
0x1a: {  	s8 =	sadd.s32 $0xFFFFE003, lr  }
0x1b: {  	s9 =	sadd.s32 $0xFFFFFEF7, lr;
	s5 =	simm.s32 $0xFFFFFFFF;
	p2 =	slt.u32 s8, $0xFFFFF086  }
0x1c: {  	p1 =	slt.u32 s9, $0xF7A;
	s5 =	simm.s32 @!p2 $0x0  }
0x1d: {  	s5 =	simm.s32 @p1 $0x1;
	p0 =	seq.s32 s7, s2  }
0x1e: {  	s7 =	smul.u32 @!p0 $0xF7A, s2;
	p2 =	seq.s32 @!p0 s5, $0x0  }
0x1f: {  	s9 =	smul.u32 $0xF7A, s1;
	s8 =	simm.s32 @!p0 $0x1BF5;
	p2 =	por !p2, p0  }
0x20: {  	[sflag:s8] =	ssyncset.s32 @!p0 $0xFFFFF086;
	s6 =	sadd.s32 @!p0 s3, s7;
	s7 =	simm.s32 @!p0 $0x108  }
0x21: {  	s3 =	sadd.s32 s3, s9;
	s6 =	sadd.s32 @!p0 $0x88, s6;
	s7 =	simm.s32 @p2 $0x1082  }
0x22: {  	[simem:s7], [sflag:s8] =	dma.local @!p0 [hbm:s6], $0xF7A  }
0x23: {  	s9 =	sor.u32 $0xD0000000, s2;
	s6 =	simm.s32 $0x108;
	_ =	swait.ge @!p0 [sflag:s8], $0x0  }
0x24: {  	s3 =	sadd.s32 $0x88, s3;
	s6 =	simm.s32 @!p1 $0x1082;
	[sflag:s4] =	ssyncset.s32 $0xFFFFF086  }
0x25: {  	[simem:s6], [sflag:s4] =	dma.local [hbm:s3], $0xF7A  }
0x26: {  	[smem:$0x3F9B] =	sst s1;
	(tag) =	ssettag s2;
	_ =	strace s9  }
0x27: {  	s1 =	sld [smem:$0x3FAB]  }
0x28: {  	s2 =	sld [smem:$0x3FAC]  }
0x29: {  	s4 =	sld [smem:$0x3FAE]  }
0x2a: {  	p0 =	seq.s32 s5, $0x0;
	s5 =	sld [smem:$0x3FAF]  }
0x2b: {  	s6 =	sld [smem:$0x3FB0]  }
0x2c: {  	s7 =	sld [smem:$0x3FB1]  }
0x2d: {  	s3 =	simm.s32 $0x108;
	s8 =	sld [smem:$0x3FB2]  }
0x2e: {  	s3 =	simm.s32 @!p0 $0x1082;
	s9 =	sld [smem:$0x3FB3]  }
0x2f: {  	lr =	sadd.s32 s0, s3;
	s0 =	sld [smem:$0x3FAA]  }
0x30: {  	s3 =	sld [smem:$0x3FAD]  }
0x31: {  	[smem:$0x3FB6] =	sst s10  }
0x32: {  	s10 =	sld [smem:$0x3FB4];
	_ =	sdelay $0x3  }
0x33: {  	p0 =	seq.s32 s10, $0x1;
	s10 =	sld [smem:$0x3FB6];
	_ =	sdelay $0x3  }
0x34: {  	[smem:$0x3FB6] =	sst s10  }
0x35: {  	s10 =	sld [smem:$0x3FB5];
	_ =	sdelay $0x3  }
0x36: {  	p1 =	seq.s32 s10, $0x1;
	s10 =	sld [smem:$0x3FB6];
	_ =	sdelay $0x3  }
0x37: {  	[smem:$0x3FB6] =	sst s10  }
0x38: {  	s10 =	sld [smem:$0x3FB7]  }
0x39: {  	_ = 	snop;
	(pc) =	sbr.ind lr, $3  }
0x3a: {  	_ = 	snop  }
0x3b: {  	_ = 	snop  }
0x3c: {  	p2 =	seq.s32 s10, $0x1;
	s10 =	sld [smem:$0x3FB6]  }
0x3d: {  	_ =	shalt  }
0x3e: {  	_ =	shalt  }
0x3f: {  	_ =	shalt  }
0x40: {  	_ =	shalt  }
0x41: {  	_ =	shalt  }
0x42: {  	_ =	shalt  }
0x43: {  	_ =	shalt  }
0x44: {  	_ =	shalt  }
0x45: {  	_ =	shalt  }
0x46: {  	_ =	shalt  }
0x47: {  	_ =	shalt  }
0x48: {  	_ =	shalt  }
0x49: {  	_ =	shalt  }
0x4a: {  	_ =	shalt  }
0x4b: {  	_ =	shalt  }
0x4c: {  	_ =	shalt  }
0x4d: {  	_ =	shalt  }
0x4e: {  	_ =	shalt  }
0x4f: {  	_ =	shalt  }
0x50: {  	_ =	shalt  }
0x51: {  	_ =	shalt  }
0x52: {  	_ =	shalt  }
0x53: {  	_ =	shalt  }
0x54: {  	_ =	shalt  }
0x55: {  	_ =	shalt  }
0x56: {  	_ =	shalt  }
0x57: {  	_ =	shalt  }
0x58: {  	_ =	shalt  }
0x59: {  	_ =	shalt  }
0x5a: {  	_ =	shalt  }
0x5b: {  	_ =	shalt  }
0x5c: {  	_ =	shalt  }
0x5d: {  	_ =	shalt  }
0x5e: {  	_ =	shalt  }
0x5f: {  	_ =	shalt  }
0x60: {  	_ =	shalt  }
0x61: {  	_ =	shalt  }
0x62: {  	_ =	shalt  }
0x63: {  	_ =	shalt  }
0x64: {  	_ =	shalt  }
0x65: {  	_ =	shalt  }
0x66: {  	_ =	shalt  }
0x67: {  	_ =	shalt  }
0x68: {  	_ =	shalt  }
0x69: {  	_ =	shalt  }
0x6a: {  	_ =	shalt  }
0x6b: {  	_ =	shalt  }
0x6c: {  	_ =	shalt  }
0x6d: {  	_ =	shalt  }
0x6e: {  	_ =	shalt  }
0x6f: {  	_ =	shalt  }
0x70: {  	_ =	shalt  }
0x71: {  	_ =	shalt  }
0x72: {  	_ =	shalt  }
0x73: {  	_ =	shalt  }
0x74: {  	_ =	shalt  }
0x75: {  	_ =	shalt  }
0x76: {  	_ =	shalt  }
0x77: {  	_ =	shalt  }
0x78: {  	_ =	shalt  }
0x79: {  	_ =	shalt  }
0x7a: {  	_ =	shalt  }
0x7b: {  	_ =	shalt  }
0x7c: {  	_ =	shalt  }
0x7d: {  	_ =	shalt  }
0x7e: {  	_ =	shalt  }
0x7f: {  	_ =	shalt  }
0x80: {  	_ =	shalt  }
0x81: {  	_ =	shalt  }
0x82: {  	_ =	shalt  }
0x83: {  	_ =	shalt  }
0x84: {  	_ =	shalt  }
0x85: {  	_ =	shalt  }
0x86: {  	_ =	shalt  }
0x87: {  	_ =	shalt  }
.Lfunc_end0:
.L_simem_size_0:
called_computation_lowered:
.L_overlay_start_0:
0x88: {  	s2 =	sld [smem:$0x3FD9]  }
0x89: {  	s3 =	sld [smem:$0x3FFE];
	_ =	sdelay $0x1  }
0x8a: {  	s1 =	srdreg.scid  }
0x8b: {  	s0 =	sand.u32 $0x1, s1  }
0x8c: {  	s17 =	sshll.u32 s0, $0xA;
	s2 =	sadd.s32 s3, s2  }
0x8d: {  	s2 =	sadd.s32 s2, s17  }
0x8e: {  	[smem:$0x3FC2] =	sst s2  }
0x8f: {  	_ = 	snop  }
0x90: {  	s2 =	sld [smem:$0x3FD0];
	(tm) =	ssettm $0x1  }
0x91: {  	s18 =	sld [smem:$0x3FFB];
	_ =	sdelay $0x3  }
0x92: {  	_ =	strace s18  }
0x93: {  	s3 =	sld [smem:$0x3FFC];
	_ =	sdelay $0x3  }
0x94: {  	_ =	strace s3  }
0x95: {  	s3 =	sld [smem:$0x3FFD];
	_ =	sdelay $0x3  }
0x96: {  	_ =	strace s3  }
0x97: {  	_ =	strace $0x8FFFFFFF  }
0x98: {  	s19 =	sld [smem:$0x3FDB];
	_ =	sdelay $0x1  }
0x99: {  	s4 =	simm.s32 $_scs_section_size  }
0x9a: {  	s5 =	simm.s32 $_size__tile_overlayer_lowered;
	s6 =	simm.s32 $_tile_overlayer_lowered  }
0x9b: {  	s22 =	simm.s32 $0x1BFF;
	s21 =	sshll.u32 s6, $0x1;
	s3 =	sadd.s32 s4, s19  }
0x9c: {  	s7 =	simm.s32 $0x0;
	s20 =	sshll.u32 s5, $0x1;
	s5 =	sadd.s32 s21, s3  }
0x9d: {  	[timem:s7], [sflag:s22] =	dma.local [hbm:s5], s20  }
0x9e: {  	_ =	swait.ge [sflag:s22], s20  }
0x9f: {  	s4 =	ssub.s32 $0x0, s20;
	[sflag:s22] =	ssyncset.done $0x0  }
0xa0: {  	[sflag:s22] =	ssyncadd.s32 s4;
	_ =	sdelay $0x1  }
0xa1: {  	s23 =	simm.s32 $0x1B8B  }
0xa2: {  	_ =	swait.ge [sflag:s23], $0x1  }
0xa3: {  	[sflag:s23] =	ssyncset.done $0x0  }
0xa4: {  	s25 =	simm.s32 $0x1B8E;
	s24 =	sld [smem:$0x3FFE];
	[sflag:s23] =	ssyncadd.s32 $0xFFFFFFFF  }
0xa5: {  	s26 =	simm.s32 $execute0_lowered;
	[smem:$0x3FD2] =	sst s25  }
0xa6: {  	s5 =	sshll.u32 s26, $0x1;
	_ =	strace $0x80000046;
	[dreg:$0x1] =	wrdreg $0xFFFFFFFF  }
0xa7: {  	s28 =	simm.s32 $_size_execute0_lowered;
	s3 =	sadd.s32 s3, s5;
	[dreg:$0x0] =	wrdreg $0x0  }
0xa8: {  	s5 =	sshll.u32 s28, $0x1;
	[dreg:$0x2] =	wrdreg s3  }
0xa9: {  	[dreg:$0x3] =	wrdreg s5  }
0xaa: {  	[dreg:$0x4] =	wrdreg $0xC0  }
0xab: {  	_ =	task [dreg:s7], $0x5FFFF  }
0xac: {  	[dreg:$0x1] =	wrdreg $0xFFFFFFFF  }
0xad: {  	[dreg:$0x0] =	wrdreg $0x60  }
0xae: {  	[dreg:$0x2] =	wrdreg s24  }
0xaf: {  	[dreg:$0x3] =	wrdreg s2  }
0xb0: {  	[dreg:$0x4] =	wrdreg $0xB8000  }
0xb1: {  	[dreg:$0x5] =	wrdreg $0x9  }
0xb2: {  	_ =	task.clear_ibuf [dreg:s7], $0x6FFFF;
	_ =	strace $0x90000046  }
0xb3: {  	s29 =	simm.s32 $0x9;
	_ =	strace $0x80000048  }
0xb4: {  	_ =	swait.ge [sflag:s29], $0x1  }
0xb5: {  	[sflag:s29] =	ssyncadd.s32 $0xFFFFFFFF  }
0xb6: {  	_ =	strace $0x90000048  }
0xb7: {  	_ =	sfence  }
0xb8: {  	s30 =	sld [smem:$0x0];
	_ =	sdelay $0x2  }
0xb9: {  	s31 =	sshll.u32 s1, $0xD;
	s1 =	sshrl.u32 s1, $0x2  }
0xba: {  	s3 =	sand.u32 $0x4000, s31;
	s1 =	sadd.s32 s1, s30  }
0xbb: {  	s0 =	sor.u32 s3, s0;
	s1 =	sshll.u32 s1, $0x11  }
0xbc: {  	s0 =	sor.u32 s1, s0  }
0xbd: {  	s0 =	sadd.s32 $0x8F2B, s0  }
0xbe: {  	[sflag:s0] =	ssyncadd.remote.s32 $0x1  }
0xbf: {  	_ =	sfence.sel $0xFFFF  }
0xc0: {  	[dreg:$0x0] =	wrdreg $0xFFFFFFFF;
	(pc) =	sbr.abs _section_cstart, $3  }
0xc1: {  	[dreg:$0x1] =	wrdreg $0xFFFFFFFF  }
0xc2: {  	_ =	task.clear_ibuf [dreg:s7], $0x2FFFF;
	_ =	strace $0x9FFFFFFF  }
0xc3: {  	(tm) =	ssettm $0x7FFFFFFF  }
tec
execute0_lowered:
.L_overlay_start_1:
0x0: {  	(tag) =	ssettag $0x1  }
0x1: {  	s2 =	rddreg [dreg:$0x0]  }
0x2: {  	s0 =	rddreg [dreg:$0x1]  }
0x3: {  	s1 =	rddreg [dreg:$0x2];
	s3 =	simm.s32 $0x0;
	s4 =	srdreg.scid  }
0x4: {  	s16 =	stileid.u32;
	s28 =	simm.s32 $0x280;
	s29 =	simm.s32 $0x100  }
0x5: {  	s30 =	simm.s32 $0x300;
	s31 =	simm.s32 $0x1;
	[smem:$0x7FF] =	sst s3  }
0x6: {  	s6 =	sand.u32 $0x1, s4;
	s4 =	sadd.s32 $0xAE00, s2;
	s7 =	smul.u32 $0x4E000, s16  }
0x7: {  	s8 =	sadd.s32 $0xE00, s2;
	s2 =	sadd.s32 $0x191800, s2;
	s13 =	smul.u32 $0x2800, s16  }
0x8: {  	s22 =	sadd.s32 $0x138000, s1;
	p0 =	sne.s32 s16, $0xF;
	_ =	strace $0x80000047  }
0x9: {  	s5 =	sshll.u32 s6, $0x4;
	s9 =	ssub.s32 $0x2, s6;
	s26 =	smul.u32 $0x28000, s6  }
0xa: {  	s6 =	smul.u32 $0x138800, s6;
	s5 =	sor.u32 s16, s5;
	s7 =	sshrl.u32 s7, $0x2  }
0xb: {  	s11 =	sshrl.u32 s9, $0x1;
	s10 =	smul.u32 $0x2800, s5;
	s25 =	sadd.s32 s7, s1  }
0xc: {  	s9 =	ssub.s32 s9, s11;
	s12 =	sadd.s32 $0x3400, s25;
	[dreg:$0x11] =	wrdreg s25  }
0xd: {  	s7 =	sadd.s32 s13, s26;
	s14 =	sadd.s32 $0x9C00, s25;
	[dreg:$0xc] =	wrdreg s12  }
0xe: {  	s15 =	sadd.s32 $0xD000, s25;
	s17 =	sadd.s32 $0x10400, s25;
	[dreg:$0xe] =	wrdreg s14  }
0xf: {  	s19 =	sor.u32 $0x300, s7;
	s23 =	sor.u32 $0x280, s7;
	[dreg:$0xf] =	wrdreg s15  }
0x10: {  	s11 =	sor.u32 $0x200, s7;
	s12 =	sadd.s32 $0x6800, s25;
	[dreg:$0x10] =	wrdreg s17  }
0x11: {  	s10 =	sshrl.u32 s10, $0x3;
	s15 =	smul.u32 $0x13800, s16;
	s25 =	sshrl.u32 s23, $0x3  }
0x12: {  	s16 =	simm.s32 $0xA;
	[dreg:$0xd] =	wrdreg s12;
	s18 =	sadd.s32 s0, s10  }
0x13: {  	s20 =	sadd.s32 s8, s10;
	s13 =	sor.u32 $0x10, s10;
	[dreg:$0x12] =	wrdreg s18  }
0x14: {  	s12 =	sshrl.u32 s19, $0x3;
	s5 =	sadd.s32 s25, s8;
	[dreg:$0x13] =	wrdreg s20  }
0x15: {  	s17 =	sor.u32 $0x20, s10;
	s21 =	sadd.s32 s0, s13;
	[dreg:$0x6] =	wrdreg s5  }
0x16: {  	s14 =	sadd.s32 s12, s8;
	s24 =	sadd.s32 s8, s13;
	[dreg:$0x14] =	wrdreg s21  }
0x17: {  	s12 =	sadd.s32 s12, s0;
	s26 =	sadd.s32 s15, s6;
	[dreg:$0x4] =	wrdreg s14  }
0x18: {  	s13 =	sadd.s32 s25, s0;
	s6 =	sshrl.u32 s6, $0x3;
	[dreg:$0x15] =	wrdreg s24  }
0x19: {  	s18 =	sadd.s32 s0, s17;
	s19 =	sadd.s32 s8, s17;
	[dreg:$0x5] =	wrdreg s12  }
0x1a: {  	s20 =	sor.u32 $0x180, s7;
	s7 =	simm.s32 $0x2;
	[dreg:$0x7] =	wrdreg s13  }
0x1b: {  	s17 =	simm.s32 $0x4;
	s14 =	sshrl.u32 s26, $0x3;
	[dreg:$0x17] =	wrdreg s18  }
0x1c: {  	s12 =	sshrl.u32 s11, $0x3;
	[dreg:$0x18] =	wrdreg s19;
	s21 =	sadd.s32 $0x4F0, s10  }
0x1d: {  	s26 =	smax.u32 s9, $0x1;
	s9 =	simm.s32 $0x4400;
	s10 =	simm.s32 $0x9  }
0x1e: {  	s13 =	simm.s32 $0x380;
	s18 =	simm.s32 $0x8;
	s19 =	simm.s32 $0x0  }
0x1f: {  	s14 =	sadd.s32 s2, s14;
	s15 =	sadd.s32 s12, s8;
	[dreg:$0x1c] =	wrdreg s26  }
0x20: {  	s2 =	sadd.s32 s2, s6;
	s23 =	sadd.s32 s12, s0;
	[dreg:$0x16] =	wrdreg s14  }
0x21: {  	s6 =	sshrl.u32 s20, $0x3;
	s24 =	sadd.s32 s8, s21;
	[dreg:$0x8] =	wrdreg s15  }
0x22: {  	s25 =	sadd.s32 s0, s21;
	s26 =	simm.s32 $0x80;
	[dreg:$0x9] =	wrdreg s23  }
0x23: {  	s12 =	simm.s32 $0x180;
	[dreg:$0x19] =	wrdreg s24;
	s8 =	sadd.s32 s6, s8  }
0x24: {  	[dreg:$0x1a] =	wrdreg s25;
	s0 =	sadd.s32 s6, s0;
	s2 =	sadd.s32 $0x27000, s2  }
0x25: {  	s23 =	simm.s32 $0x8400;
	s24 =	simm.s32 $0xB;
	[dreg:$0xa] =	wrdreg s8  }
0x26: {  	s25 =	simm.s32 $0x200;
	s6 =	simm.s32 $0x400;
	[dreg:$0x1b] =	wrdreg s2  }
0x27: {  	s14 =	simm.s32 $0x3;
	s15 =	simm.s32 $0x7;
	[dreg:$0xb] =	wrdreg s0  }
0x28: {  	v0 =	vimm.f32 $0.0e+00;
	s0 =	simm.s32 $0x5;
	s2 =	simm.s32 $0x7D;
	s8 =	simm.s32 $0x6  }
.LBB2_1:
0x29: {  	s20 =	simm.s32 $0x0;
	s21 =	simm.s32 $0x200  }
.LBB2_2:
0x2a: {  	p1 =	sne.s32 s21, $0xCE00;
	[tilespmem:s20+$0x8470] =	vst v0  }
0x2b: {  	[tilespmem:s20+$0x8400] =	vst v0  }
0x2c: {  	[tilespmem:s20+$0x8410] =	vst v0  }
.Ltmp0:
0x2d: {  	[tilespmem:s20+$0x8420] =	vst v0;
	(pc) =	sbr.rel @p1 .LBB2_2-.Ltmp0, $4  }
0x2e: {  	[tilespmem:s20+$0x8430] =	vst v0  }
0x2f: {  	[tilespmem:s20+$0x8440] =	vst v0  }
0x30: {  	[tilespmem:s20+$0x8450] =	vst v0  }
0x31: {  	[tilespmem:s20+$0x8460] =	vst v0;
	s20 =	sshra.s32 s21, $0x2;
	s21 =	sadd.s32 $0x200, s21  }
0x32: {  	[tilespmem:s20+$0x8470] =	vst v0  }
0x33: {  	[tilespmem:s20+$0x8400] =	vst v0  }
0x34: {  	[tilespmem:s20+$0x8410] =	vst v0  }
0x35: {  	[tilespmem:s20+$0x8420] =	vst v0  }
0x36: {  	[tilespmem:s20+$0x8430] =	vst v0  }
0x37: {  	[tilespmem:s20+$0x8440] =	vst v0  }
0x38: {  	[tilespmem:s20+$0x8450] =	vst v0  }
0x39: {  	[tilespmem:s20+$0x8460] =	vst v0;
	s5 =	rddreg [dreg:$0x11]  }
0x3a: {  	[spmem:s5] =	stream.linear.scatter [tilespmem:s23], [sflag:$0xB], $0x3400, $0x38;
	[tilespmem:$0x1F0C0] =	vst v63  }
0x3b: {  	_ =	swait.ge [sflag:s24], $0x3400  }
0x3c: {  	[sflag:s24] =	ssyncset.done $0x0  }
0x3d: {  	s11 =	rddreg [dreg:$0xc];
	[sflag:s24] =	ssyncadd.s32 $0xFFFFCC00  }
0x3e: {  	[spmem:s11] =	stream.linear.scatter [tilespmem:s23], [sflag:$0xB], $0x3400, $0x38;
	[tilespmem:$0x1F0C0] =	vst v63  }
0x3f: {  	_ =	swait.ge [sflag:s24], $0x3400  }
0x40: {  	[sflag:s24] =	ssyncset.done $0x0  }
0x41: {  	s21 =	rddreg [dreg:$0xd];
	[sflag:s24] =	ssyncadd.s32 $0xFFFFCC00  }
0x42: {  	[spmem:s21] =	stream.linear.scatter [tilespmem:s23], [sflag:$0xB], $0x3400, $0x38;
	[tilespmem:$0x1F0C0] =	vst v63  }
0x43: {  	_ =	swait.ge [sflag:s24], $0x3400  }
0x44: {  	[sflag:s24] =	ssyncset.done $0x0  }
0x45: {  	s5 =	rddreg [dreg:$0xe];
	[sflag:s24] =	ssyncadd.s32 $0xFFFFCC00  }
0x46: {  	[spmem:s5] =	stream.linear.scatter [tilespmem:s23], [sflag:$0xB], $0x3400, $0x38;
	[tilespmem:$0x1F0C0] =	vst v63  }
0x47: {  	_ =	swait.ge [sflag:s24], $0x3400  }
0x48: {  	[sflag:s24] =	ssyncset.done $0x0  }
0x49: {  	s20 =	rddreg [dreg:$0xf];
	[sflag:s24] =	ssyncadd.s32 $0xFFFFCC00  }
0x4a: {  	[spmem:s20] =	stream.linear.scatter [tilespmem:s23], [sflag:$0xB], $0x3400, $0x38;
	[tilespmem:$0x1F0C0] =	vst v63  }
0x4b: {  	_ =	swait.ge [sflag:s24], $0x3400  }
0x4c: {  	[sflag:s24] =	ssyncset.done $0x0  }
0x4d: {  	s21 =	rddreg [dreg:$0x10];
	[sflag:s24] =	ssyncadd.s32 $0xFFFFCC00  }
0x4e: {  	[spmem:s21] =	stream.linear.scatter [tilespmem:s23], [sflag:$0xB], $0x3400, $0x38;
	[tilespmem:$0x1F0C0] =	vst v63  }
0x4f: {  	_ =	swait.ge [sflag:s24], $0x3400  }
0x50: {  	[sflag:s24] =	ssyncset.done $0x0  }
0x51: {  	s20 =	simm.s32 @!p0 $0x8400;
	[sflag:s24] =	ssyncadd.s32 $0xFFFFCC00  }
0x52: {  	[spmem:s22] =	stream.linear.scatter @!p0 [tilespmem:s20], [sflag:$0xB], $0xC00, $0x38;
	[tilespmem:$0x1F0C0] =	vst v63  }
0x53: {  	s20 =	simm.s32 @!p0 $0xB  }
0x54: {  	_ =	swait.ge @!p0 [sflag:s20], $0xC00  }
0x55: {  	[sflag:s20] =	ssyncset.done @!p0 $0x0  }
0x56: {  	[sflag:s20] =	ssyncadd.s32 @!p0 $0xFFFFF400  }
0x57: {  	[bflag:$0x0] =	sbarrier.arrive $0xFFFF  }
0x58: {  	s5 =	smov.u32 s22;
	s20 =	simm.s32 $0x0;
	s22 =	rddreg [dreg:$0x12]  }
0x59: {  	[tilespmem:s20], [sflag:$0x1] =	stream.linear.gather [hbm4b:s22+s20], $0x80, $0x38;
	[tilespmem:$0x1F0C0] =	vst v63  }
0x5a: {  	s21 =	rddreg [dreg:$0x13]  }
0x5b: {  	[tilespmem:s25], [sflag:$0x5] =	stream.linear.gather [hbm4b:s21+s20], $0x80, $0x38;
	[tilespmem:$0x1F0C0] =	vst v63  }
0x5c: {  	s22 =	rddreg [dreg:$0x14]  }
0x5d: {  	[tilespmem:s26], [sflag:$0x2] =	stream.linear.gather [hbm4b:s22+s20], $0x80, $0x38;
	[tilespmem:$0x1F0C0] =	vst v63  }
0x5e: {  	s21 =	rddreg [dreg:$0x15]  }
0x5f: {  	[tilespmem:s28], [sflag:$0x6] =	stream.linear.gather [hbm4b:s21+s20], $0x80, $0x38;
	[tilespmem:$0x1F0C0] =	vst v63  }
0x60: {  	s22 =	rddreg [dreg:$0x17]  }
0x61: {  	[tilespmem:s29], [sflag:$0x3] =	stream.linear.gather [hbm4b:s22+s20], $0x80, $0x38;
	[tilespmem:$0x1F0C0] =	vst v63  }
0x62: {  	s21 =	rddreg [dreg:$0x18]  }
0x63: {  	[tilespmem:s30], [sflag:$0x7] =	stream.linear.gather [hbm4b:s21+s20], $0x80, $0x38;
	[tilespmem:$0x1F0C0] =	vst v63  }
0x64: {  	_ =	swait.ge [sflag:s31], $0x80  }
0x65: {  	[sflag:s31] =	ssyncset.done $0x0  }
0x66: {  	[sflag:s31] =	ssyncadd.s32 $0xFFFFFF80  }
0x67: {  	_ =	swait.ge [sflag:s0], $0x80  }
0x68: {  	[sflag:s0] =	ssyncset.done $0x0  }
0x69: {  	[sflag:s0] =	ssyncadd.s32 $0xFFFFFF80  }
0x6a: {  	[tilespmem:s6], [sflag:$0x9] =	stream.indirect.gather [hbm4b:s4+s2], $0x80, s20, s2, $0xb8;
	[tilespmem:$0x1F0C0] =	vst v63  }
0x6b: {  	_ =	swait.ge [sflag:s7], $0x80  }
0x6c: {  	[sflag:s7] =	ssyncset.done $0x0  }
0x6d: {  	[sflag:s7] =	ssyncadd.s32 $0xFFFFFF80  }
0x6e: {  	_ =	swait.ge [sflag:s8], $0x80  }
0x6f: {  	[sflag:s8] =	ssyncset.done $0x0  }
0x70: {  	[sflag:s8] =	ssyncadd.s32 $0xFFFFFF80  }
0x71: {  	[tilespmem:s9], [sflag:$0xA] =	stream.indirect.gather [hbm4b:s4+s2], $0x80, s26, s2, $0xb8;
	[tilespmem:$0x1F0C0] =	vst v63  }
0x72: {  	_ =	swait.ge [sflag:s10], $0x3E80  }
0x73: {  	[sflag:s10] =	ssyncset.done $0x0  }
0x74: {  	[sflag:s10] =	ssyncadd.s32 $0xFFFFC180  }
0x75: {  	[spmem:s1] =	stream.indirect.scatter.add.f32 [tilespmem:s6], [sflag:$0xB], $0x80, s25, s2, $0xb8;
	[tilespmem:$0x1F0C0] =	vst v63  }
0x76: {  	_ =	swait.ge [sflag:s24], $0x3E80  }
0x77: {  	s22 =	rddreg [dreg:$0xb];
	[sflag:s24] =	ssyncset.done $0x0  }
0x78: {  	s21 =	rddreg [dreg:$0xa];
	[sflag:s24] =	ssyncadd.s32 $0xFFFFC180;
	s20 =	sadd.s32 $0x0, s22  }
0x79: {  	[tilespmem:s12], [sflag:$0x4] =	stream.linear.gather [hbm4b:s20+s3], $0x80, $0x38;
	[tilespmem:$0x1F0C0] =	vst v63  }
0x7a: {  	s11 =	sadd.s32 $0x0, s21  }
0x7b: {  	[tilespmem:s13], [sflag:$0x8] =	stream.linear.gather [hbm4b:s11+s3], $0x80, $0x38;
	[tilespmem:$0x1F0C0] =	vst v63  }
0x7c: {  	_ =	swait.ge [sflag:s14], $0x80  }
0x7d: {  	[sflag:s14] =	ssyncset.done $0x0  }
0x7e: {  	[sflag:s14] =	ssyncadd.s32 $0xFFFFFF80  }
0x7f: {  	_ =	swait.ge [sflag:s15], $0x80  }
0x80: {  	[sflag:s15] =	ssyncset.done $0x0  }
0x81: {  	[sflag:s15] =	ssyncadd.s32 $0xFFFFFF80  }
0x82: {  	[tilespmem:s6], [sflag:$0x9] =	stream.indirect.gather [hbm4b:s4+s2], $0x80, s29, s2, $0xb8;
	[tilespmem:$0x1F0C0] =	vst v63  }
0x83: {  	_ =	swait.ge [sflag:s16], $0x3E80  }
0x84: {  	[sflag:s16] =	ssyncset.done $0x0  }
0x85: {  	[sflag:s16] =	ssyncadd.s32 $0xFFFFC180  }
0x86: {  	[spmem:s1] =	stream.indirect.scatter.add.f32 [tilespmem:s9], [sflag:$0xB], $0x80, s28, s2, $0xb8;
	[tilespmem:$0x1F0C0] =	vst v63  }
0x87: {  	_ =	swait.ge [sflag:s24], $0x3E80  }
0x88: {  	s21 =	rddreg [dreg:$0x9];
	[sflag:s24] =	ssyncset.done $0x0  }
0x89: {  	s22 =	rddreg [dreg:$0x8];
	[sflag:s24] =	ssyncadd.s32 $0xFFFFC180;
	s20 =	sadd.s32 $0x0, s21  }
0x8a: {  	[tilespmem:s3], [sflag:$0x1] =	stream.linear.gather [hbm4b:s20+s3], $0x80, $0x38;
	[tilespmem:$0x1F0C0] =	vst v63  }
0x8b: {  	s11 =	sadd.s32 $0x0, s22  }
0x8c: {  	[tilespmem:s25], [sflag:$0x5] =	stream.linear.gather [hbm4b:s11+s3], $0x80, $0x38;
	[tilespmem:$0x1F0C0] =	vst v63  }
0x8d: {  	_ =	swait.ge [sflag:s17], $0x80  }
0x8e: {  	[sflag:s17] =	ssyncset.done $0x0  }
0x8f: {  	[sflag:s17] =	ssyncadd.s32 $0xFFFFFF80  }
0x90: {  	_ =	swait.ge [sflag:s18], $0x80  }
0x91: {  	[sflag:s18] =	ssyncset.done $0x0  }
0x92: {  	[sflag:s18] =	ssyncadd.s32 $0xFFFFFF80  }
0x93: {  	[tilespmem:s9], [sflag:$0xA] =	stream.indirect.gather [hbm4b:s4+s2], $0x80, s12, s2, $0xb8;
	[tilespmem:$0x1F0C0] =	vst v63  }
0x94: {  	_ =	swait.ge [sflag:s10], $0x3E80  }
0x95: {  	[sflag:s10] =	ssyncset.done $0x0  }
0x96: {  	[sflag:s10] =	ssyncadd.s32 $0xFFFFC180  }
0x97: {  	[spmem:s1] =	stream.indirect.scatter.add.f32 [tilespmem:s6], [sflag:$0xB], $0x80, s30, s2, $0xb8;
	[tilespmem:$0x1F0C0] =	vst v63  }
0x98: {  	_ =	swait.ge [sflag:s24], $0x3E80  }
0x99: {  	s21 =	rddreg [dreg:$0x7];
	[sflag:s24] =	ssyncset.done $0x0  }
0x9a: {  	s22 =	rddreg [dreg:$0x6];
	[sflag:s24] =	ssyncadd.s32 $0xFFFFC180;
	s20 =	sadd.s32 $0x0, s21  }
0x9b: {  	[tilespmem:s26], [sflag:$0x2] =	stream.linear.gather [hbm4b:s20+s3], $0x80, $0x38;
	[tilespmem:$0x1F0C0] =	vst v63  }
0x9c: {  	s11 =	sadd.s32 $0x0, s22  }
0x9d: {  	[tilespmem:s28], [sflag:$0x6] =	stream.linear.gather [hbm4b:s11+s3], $0x80, $0x38;
	[tilespmem:$0x1F0C0] =	vst v63  }
0x9e: {  	_ =	swait.ge [sflag:s31], $0x80  }
0x9f: {  	[sflag:s31] =	ssyncset.done $0x0  }
0xa0: {  	[sflag:s31] =	ssyncadd.s32 $0xFFFFFF80  }
0xa1: {  	_ =	swait.ge [sflag:s0], $0x80  }
0xa2: {  	[sflag:s0] =	ssyncset.done $0x0  }
0xa3: {  	[sflag:s0] =	ssyncadd.s32 $0xFFFFFF80  }
0xa4: {  	[tilespmem:s6], [sflag:$0x9] =	stream.indirect.gather [hbm4b:s4+s2], $0x80, s3, s2, $0xb8;
	[tilespmem:$0x1F0C0] =	vst v63  }
0xa5: {  	_ =	swait.ge [sflag:s16], $0x3E80  }
0xa6: {  	[sflag:s16] =	ssyncset.done $0x0  }
0xa7: {  	[sflag:s16] =	ssyncadd.s32 $0xFFFFC180  }
0xa8: {  	[spmem:s1] =	stream.indirect.scatter.add.f32 [tilespmem:s9], [sflag:$0xB], $0x80, s13, s2, $0xb8;
	[tilespmem:$0x1F0C0] =	vst v63  }
0xa9: {  	_ =	swait.ge [sflag:s24], $0x3E80  }
0xaa: {  	s21 =	rddreg [dreg:$0x5];
	[sflag:s24] =	ssyncset.done $0x0  }
0xab: {  	s22 =	rddreg [dreg:$0x4];
	[sflag:s24] =	ssyncadd.s32 $0xFFFFC180;
	s20 =	sadd.s32 $0x0, s21  }
0xac: {  	[tilespmem:s29], [sflag:$0x3] =	stream.linear.gather [hbm4b:s20+s3], $0x80, $0x38;
	[tilespmem:$0x1F0C0] =	vst v63  }
0xad: {  	s21 =	sadd.s32 $0x0, s22;
	s20 =	simm.s32 $0x40  }
.LBB2_4:
0xae: {  	[tilespmem:s30], [sflag:$0x7] =	stream.linear.gather [hbm4b:s21+s3], $0x80, $0x38;
	[tilespmem:$0x1F0C0] =	vst v63  }
0xaf: {  	_ =	swait.ge [sflag:s7], $0x80  }
0xb0: {  	[sflag:s7] =	ssyncset.done $0x0  }
0xb1: {  	[sflag:s7] =	ssyncadd.s32 $0xFFFFFF80  }
0xb2: {  	_ =	swait.ge [sflag:s8], $0x80  }
0xb3: {  	[sflag:s8] =	ssyncset.done $0x0  }
0xb4: {  	[sflag:s8] =	ssyncadd.s32 $0xFFFFFF80  }
0xb5: {  	[tilespmem:s9], [sflag:$0xA] =	stream.indirect.gather [hbm4b:s4+s2], $0x80, s26, s2, $0xb8;
	[tilespmem:$0x1F0C0] =	vst v63  }
0xb6: {  	_ =	swait.ge [sflag:s10], $0x3E80  }
0xb7: {  	[sflag:s10] =	ssyncset.done $0x0  }
0xb8: {  	[sflag:s10] =	ssyncadd.s32 $0xFFFFC180  }
0xb9: {  	[spmem:s1] =	stream.indirect.scatter.add.f32 [tilespmem:s6], [sflag:$0xB], $0x80, s25, s2, $0xb8;
	[tilespmem:$0x1F0C0] =	vst v63  }
0xba: {  	_ =	swait.ge [sflag:s24], $0x3E80  }
0xbb: {  	s21 =	smov.u32 s20;
	s22 =	rddreg [dreg:$0xb];
	[sflag:s24] =	ssyncset.done $0x0  }
0xbc: {  	s11 =	rddreg [dreg:$0xa];
	[sflag:s24] =	ssyncadd.s32 $0xFFFFC180;
	s22 =	sadd.s32 s21, s22  }
0xbd: {  	[tilespmem:s12], [sflag:$0x4] =	stream.linear.gather [hbm4b:s22+s3], $0x80, $0x38;
	[tilespmem:$0x1F0C0] =	vst v63  }
0xbe: {  	s11 =	sadd.s32 s21, s11  }
0xbf: {  	[tilespmem:s13], [sflag:$0x8] =	stream.linear.gather [hbm4b:s11+s3], $0x80, $0x38;
	[tilespmem:$0x1F0C0] =	vst v63  }
0xc0: {  	_ =	swait.ge [sflag:s14], $0x80  }
0xc1: {  	[sflag:s14] =	ssyncset.done $0x0  }
0xc2: {  	[sflag:s14] =	ssyncadd.s32 $0xFFFFFF80  }
0xc3: {  	_ =	swait.ge [sflag:s15], $0x80  }
0xc4: {  	[sflag:s15] =	ssyncset.done $0x0  }
0xc5: {  	[sflag:s15] =	ssyncadd.s32 $0xFFFFFF80  }
0xc6: {  	[tilespmem:s6], [sflag:$0x9] =	stream.indirect.gather [hbm4b:s4+s2], $0x80, s29, s2, $0xb8;
	[tilespmem:$0x1F0C0] =	vst v63  }
0xc7: {  	_ =	swait.ge [sflag:s16], $0x3E80  }
0xc8: {  	[sflag:s16] =	ssyncset.done $0x0  }
0xc9: {  	[sflag:s16] =	ssyncadd.s32 $0xFFFFC180  }
0xca: {  	[spmem:s1] =	stream.indirect.scatter.add.f32 [tilespmem:s9], [sflag:$0xB], $0x80, s28, s2, $0xb8;
	[tilespmem:$0x1F0C0] =	vst v63  }
0xcb: {  	_ =	swait.ge [sflag:s24], $0x3E80  }
0xcc: {  	s11 =	rddreg [dreg:$0x9];
	[sflag:s24] =	ssyncset.done $0x0  }
0xcd: {  	s22 =	rddreg [dreg:$0x8];
	[sflag:s24] =	ssyncadd.s32 $0xFFFFC180;
	s11 =	sadd.s32 s21, s11  }
0xce: {  	[tilespmem:s3], [sflag:$0x1] =	stream.linear.gather [hbm4b:s11+s3], $0x80, $0x38;
	[tilespmem:$0x1F0C0] =	vst v63  }
0xcf: {  	s22 =	sadd.s32 s21, s22  }
0xd0: {  	[tilespmem:s25], [sflag:$0x5] =	stream.linear.gather [hbm4b:s22+s3], $0x80, $0x38;
	[tilespmem:$0x1F0C0] =	vst v63  }
0xd1: {  	_ =	swait.ge [sflag:s17], $0x80  }
0xd2: {  	[sflag:s17] =	ssyncset.done $0x0  }
0xd3: {  	[sflag:s17] =	ssyncadd.s32 $0xFFFFFF80  }
0xd4: {  	_ =	swait.ge [sflag:s18], $0x80  }
0xd5: {  	[sflag:s18] =	ssyncset.done $0x0  }
0xd6: {  	[sflag:s18] =	ssyncadd.s32 $0xFFFFFF80  }
0xd7: {  	[tilespmem:s9], [sflag:$0xA] =	stream.indirect.gather [hbm4b:s4+s2], $0x80, s12, s2, $0xb8;
	[tilespmem:$0x1F0C0] =	vst v63  }
0xd8: {  	_ =	swait.ge [sflag:s10], $0x3E80  }
0xd9: {  	[sflag:s10] =	ssyncset.done $0x0  }
0xda: {  	[sflag:s10] =	ssyncadd.s32 $0xFFFFC180  }
0xdb: {  	[spmem:s1] =	stream.indirect.scatter.add.f32 [tilespmem:s6], [sflag:$0xB], $0x80, s30, s2, $0xb8;
	[tilespmem:$0x1F0C0] =	vst v63  }
0xdc: {  	_ =	swait.ge [sflag:s24], $0x3E80  }
0xdd: {  	s11 =	rddreg [dreg:$0x7];
	[sflag:s24] =	ssyncset.done $0x0  }
0xde: {  	s22 =	rddreg [dreg:$0x6];
	[sflag:s24] =	ssyncadd.s32 $0xFFFFC180;
	s11 =	sadd.s32 s21, s11  }
0xdf: {  	[tilespmem:s26], [sflag:$0x2] =	stream.linear.gather [hbm4b:s11+s3], $0x80, $0x38;
	[tilespmem:$0x1F0C0] =	vst v63  }
0xe0: {  	s22 =	sadd.s32 s21, s22  }
0xe1: {  	[tilespmem:s28], [sflag:$0x6] =	stream.linear.gather [hbm4b:s22+s3], $0x80, $0x38;
	[tilespmem:$0x1F0C0] =	vst v63  }
0xe2: {  	_ =	swait.ge [sflag:s31], $0x80  }
0xe3: {  	[sflag:s31] =	ssyncset.done $0x0  }
0xe4: {  	[sflag:s31] =	ssyncadd.s32 $0xFFFFFF80  }
0xe5: {  	_ =	swait.ge [sflag:s0], $0x80  }
0xe6: {  	[sflag:s0] =	ssyncset.done $0x0  }
0xe7: {  	[sflag:s0] =	ssyncadd.s32 $0xFFFFFF80  }
0xe8: {  	[tilespmem:s6], [sflag:$0x9] =	stream.indirect.gather [hbm4b:s4+s2], $0x80, s3, s2, $0xb8;
	[tilespmem:$0x1F0C0] =	vst v63  }
0xe9: {  	_ =	swait.ge [sflag:s16], $0x3E80  }
0xea: {  	[sflag:s16] =	ssyncset.done $0x0  }
0xeb: {  	p1 =	sne.s32 s20, $0x480;
	[sflag:s16] =	ssyncadd.s32 $0xFFFFC180  }
0xec: {  	[spmem:s1] =	stream.indirect.scatter.add.f32 [tilespmem:s9], [sflag:$0xB], $0x80, s13, s2, $0xb8;
	[tilespmem:$0x1F0C0] =	vst v63  }
.Ltmp1:
0xed: {  	_ =	swait.ge [sflag:s24], $0x3E80;
	(pc) =	sbr.rel @p1 .LBB2_4-.Ltmp1, $4  }
0xee: {  	s11 =	rddreg [dreg:$0x5]  }
0xef: {  	s20 =	sadd.s32 $0x40, s20;
	s22 =	rddreg [dreg:$0x4];
	[sflag:s24] =	ssyncset.done $0x0  }
0xf0: {  	[sflag:s24] =	ssyncadd.s32 $0xFFFFC180;
	s11 =	sadd.s32 s21, s11;
	s21 =	sadd.s32 s21, s22  }
0xf1: {  	[tilespmem:s29], [sflag:$0x3] =	stream.linear.gather [hbm4b:s11+s3], $0x80, $0x38;
	[tilespmem:$0x1F0C0] =	vst v63  }
0xf2: {  	[tilespmem:s30], [sflag:$0x7] =	stream.linear.gather [hbm4b:s21+s3], $0x80, $0x38;
	[tilespmem:$0x1F0C0] =	vst v63  }
0xf3: {  	_ =	swait.ge [sflag:s7], $0x80  }
0xf4: {  	[sflag:s7] =	ssyncset.done $0x0  }
0xf5: {  	[sflag:s7] =	ssyncadd.s32 $0xFFFFFF80  }
0xf6: {  	_ =	swait.ge [sflag:s8], $0x80  }
0xf7: {  	[sflag:s8] =	ssyncset.done $0x0  }
0xf8: {  	[sflag:s8] =	ssyncadd.s32 $0xFFFFFF80  }
0xf9: {  	[tilespmem:s9], [sflag:$0xA] =	stream.indirect.gather [hbm4b:s4+s2], $0x80, s26, s2, $0xb8;
	[tilespmem:$0x1F0C0] =	vst v63  }
0xfa: {  	_ =	swait.ge [sflag:s10], $0x3E80  }
0xfb: {  	[sflag:s10] =	ssyncset.done $0x0  }
0xfc: {  	[sflag:s10] =	ssyncadd.s32 $0xFFFFC180  }
0xfd: {  	[spmem:s1] =	stream.indirect.scatter.add.f32 [tilespmem:s6], [sflag:$0xB], $0x80, s25, s2, $0xb8;
	[tilespmem:$0x1F0C0] =	vst v63  }
0xfe: {  	_ =	swait.ge [sflag:s24], $0x3E80  }
0xff: {  	[sflag:s24] =	ssyncset.done $0x0  }
0x100: {  	s11 =	rddreg [dreg:$0x1a];
	[sflag:s24] =	ssyncadd.s32 $0xFFFFC180  }
0x101: {  	[tilespmem:s12], [sflag:$0x4] =	stream.linear.gather [hbm4b:s11+s3], $0x80, $0x38;
	[tilespmem:$0x1F0C0] =	vst v63  }
0x102: {  	s20 =	rddreg [dreg:$0x19]  }
0x103: {  	[tilespmem:s13], [sflag:$0x8] =	stream.linear.gather [hbm4b:s20+s3], $0x80, $0x38;
	[tilespmem:$0x1F0C0] =	vst v63  }
0x104: {  	_ =	swait.ge [sflag:s14], $0x80  }
0x105: {  	[sflag:s14] =	ssyncset.done $0x0  }
0x106: {  	[sflag:s14] =	ssyncadd.s32 $0xFFFFFF80  }
0x107: {  	_ =	swait.ge [sflag:s15], $0x80  }
0x108: {  	[sflag:s15] =	ssyncset.done $0x0  }
0x109: {  	[sflag:s15] =	ssyncadd.s32 $0xFFFFFF80  }
0x10a: {  	[tilespmem:s6], [sflag:$0x9] =	stream.indirect.gather [hbm4b:s4+s2], $0x80, s29, s2, $0xb8;
	[tilespmem:$0x1F0C0] =	vst v63  }
0x10b: {  	_ =	swait.ge [sflag:s16], $0x3E80  }
0x10c: {  	[sflag:s16] =	ssyncset.done $0x0  }
0x10d: {  	[sflag:s16] =	ssyncadd.s32 $0xFFFFC180  }
0x10e: {  	[spmem:s1] =	stream.indirect.scatter.add.f32 [tilespmem:s9], [sflag:$0xB], $0x80, s28, s2, $0xb8;
	[tilespmem:$0x1F0C0] =	vst v63  }
0x10f: {  	_ =	swait.ge [sflag:s24], $0x3E80  }
0x110: {  	[sflag:s24] =	ssyncset.done $0x0  }
0x111: {  	[sflag:s24] =	ssyncadd.s32 $0xFFFFC180  }
0x112: {  	_ =	swait.ge [sflag:s17], $0x80  }
0x113: {  	[sflag:s17] =	ssyncset.done $0x0  }
0x114: {  	[sflag:s17] =	ssyncadd.s32 $0xFFFFFF80  }
0x115: {  	_ =	swait.ge [sflag:s18], $0x80  }
0x116: {  	[sflag:s18] =	ssyncset.done $0x0  }
0x117: {  	[sflag:s18] =	ssyncadd.s32 $0xFFFFFF80  }
0x118: {  	[tilespmem:s9], [sflag:$0xA] =	stream.indirect.gather [hbm4b:s4+s2], $0x80, s12, s2, $0xb8;
	[tilespmem:$0x1F0C0] =	vst v63  }
0x119: {  	_ =	swait.ge [sflag:s10], $0x3E80  }
0x11a: {  	[sflag:s10] =	ssyncset.done $0x0  }
0x11b: {  	[sflag:s10] =	ssyncadd.s32 $0xFFFFC180  }
0x11c: {  	[spmem:s1] =	stream.indirect.scatter.add.f32 [tilespmem:s6], [sflag:$0xB], $0x80, s30, s2, $0xb8;
	[tilespmem:$0x1F0C0] =	vst v63  }
0x11d: {  	_ =	swait.ge [sflag:s24], $0x3E80  }
0x11e: {  	[sflag:s24] =	ssyncset.done $0x0  }
0x11f: {  	[sflag:s24] =	ssyncadd.s32 $0xFFFFC180  }
0x120: {  	_ =	swait.ge [sflag:s16], $0x3E80  }
0x121: {  	[sflag:s16] =	ssyncset.done $0x0  }
0x122: {  	[sflag:s16] =	ssyncadd.s32 $0xFFFFC180  }
0x123: {  	[spmem:s1] =	stream.indirect.scatter.add.f32 [tilespmem:s9], [sflag:$0xB], $0x80, s13, s2, $0xb8;
	[tilespmem:$0x1F0C0] =	vst v63  }
0x124: {  	_ =	swait.ge [sflag:s24], $0x3E80  }
0x125: {  	[sflag:s24] =	ssyncset.done $0x0  }
0x126: {  	[sflag:s24] =	ssyncadd.s32 $0xFFFFC180  }
0x127: {  	s21 =	stileid.u32;
	[bflag:$0x0] =	sbarrier.arrive $0xFFFF  }
0x128: {  	s11 =	sshll.u32 s21, $0x6;
	s20 =	rddreg [dreg:$0x11]  }
0x129: {  	s11 =	sor.u32 $0x1C0B, s11;
	s22 =	rddreg [dreg:$0x16];
	s20 =	sshrl.u32 s20, $0x3  }
0x12a: {  	[hbm:s22], [sflag:s11] =	dma.local [spmem:s20], $0x2700  }
0x12b: {  	_ =	swait.ge [sflag:s24], $0x2700  }
0x12c: {  	s22 =	smov.u32 s5;
	[sflag:s24] =	ssyncset.done $0x0  }
0x12d: {  	s20 =	sshrl.u32 @!p0 s5, $0x3;
	s5 =	rddreg [dreg:$0x1b];
	[sflag:s24] =	ssyncadd.s32 $0xFFFFD900  }
0x12e: {  	[hbm:s5], [sflag:s11] =	dma.local @!p0 [spmem:s20], $0x100  }
0x12f: {  	s11 =	simm.s32 @!p0 $0xB  }
0x130: {  	_ =	swait.ge @!p0 [sflag:s11], $0x100  }
0x131: {  	s19 =	sadd.s32 $0x1, s19;
	s21 =	rddreg [dreg:$0x1c]  }
0x132: {  	p1 =	sne.s32 s19, s21  }
.Ltmp2:
0x133: {  	_ = 	snop;
	(pc) =	sbr.rel @p1 .LBB2_1-.Ltmp2, $3  }
0x134: {  	_ =	sdelay $0x1  }
0x135: {  	[sflag:s11] =	ssyncset.done @!p0 $0x0  }
0x136: {  	[sflag:s11] =	ssyncadd.s32 @!p0 $0xFFFFFF00  }
0x137: {  	_ =	sfence.sel $0x180000  }
0x138: {  	[bflag:$0x0] =	sbarrier.arrive $0xFFFF  }
0x139: {  	_ =	strace $0x90000047  }
0x13a: {  	s0 =	stileid.u32;
	[bflag:$0x2] =	sbarrier.arrive $0xFFFF  }
0x13b: {  	p0 =	sne.s32 s0, $0x0;
	s0 =	rddreg [dreg:$0x3]  }
0x13c: {  	s0 =	sadd.s32 @!p0 $0x100000, s0  }
0x13d: {  	[sflag:s0] =	ssyncadd.tile.s32 @!p0 $0x1;
	_ =	shalt  }
.Lfunc_end2:
_tile_overlayer_lowered:
.L_overlay_start_2:
0x13e: {  	(tag) =	ssettag $0x2  }
0x13f: {  	s0 =	rddreg [dreg:$0x0];
	s2 =	stileid.u32  }
0x140: {  	s1 =	rddreg [dreg:$0x1];
	p0 =	sne.s32 s2, $0x0  }
0x141: {  	s3 =	rddreg [dreg:$0x2];
	[bflag:$0x3] =	sbarrier.arrive $0xFFFF;
	s2 =	simm.s32 @!p0 $0x1C0B  }
0x142: {  	[timem:s3], [sflag:s2] =	dma.local @!p0 [hbm:s0], s1  }
0x143: {  	s0 =	simm.s32 @!p0 $0xB  }
0x144: {  	_ =	swait.ge @!p0 [sflag:s0], s1  }
0x145: {  	s1 =	ssub.s32 @!p0 $0x0, s1;
	[sflag:s0] =	ssyncset.done @!p0 $0x0  }
0x146: {  	[sflag:s0] =	ssyncadd.s32 @!p0 s1  }
0x147: {  	[bflag:$0x3] =	sbarrier.arrive $0xFFFF  }
0x148: {  	_ =	shalt  }

</sc_bundles>
